<compile_context>
chip_gen: v7x
topology: tpu7x:2x2x1
jax: 0.10.2.dev20260603
libtpu: 0.0.44.dev20260713+nightly
codegen_flags: <defaults>
</compile_context>

<pallas_src>
import functools
import math

import jax
import jax.numpy as jnp
from jax import lax
from jax.experimental import pallas as pl
from jax.experimental.pallas import tpu as pltpu
from jax.experimental.pallas import tpu_sc as plsc

N = 10000
E = 320000
F_IN = 128
HID = 50
HP = 64
WH = 16
NCLS = 4
K1 = int(math.ceil(0.5 * N))
K2 = int(math.ceil(0.5 * K1))
NPAD = 10240
NROW2D = NPAD // 128

NC = 2
NS = 16
NW = NC * NS
CH = 512
NCHUNK = E // CH
RPT = 632
ACCN = RPT * NS
KSS = 2
NCHUNKP = 640
EP = NCHUNKP * CH
SSW = NCHUNKP // NW
NSSW = SSW // KSS


GB = 1000
NB = N // GB

_SC_MESH = plsc.VectorSubcoreMesh(core_axis_name="c", subcore_axis_name="s")



def _sc_gather_scatter_add(width):

    @functools.partial(
        pl.kernel,
        out_type=jax.ShapeDtypeStruct((NC, ACCN, width), jnp.float32),
        mesh=_SC_MESH,
        compiler_params=pltpu.CompilerParams(use_tc_tiling_on_sc=False),
        scratch_types=(
            [pltpu.VMEM((CH,), jnp.int32) for _ in range(2 * KSS)]
            + [
                pltpu.VMEM((KSS, CH, width), jnp.float32),
                pltpu.VMEM_SHARED((ACCN, width), jnp.float32),
                pltpu.SemaphoreType.DMA,
                pltpu.SemaphoreType.DMA,
            ]
        ),
    )
    def k(table, srcv, dstv, zrows, out, *scr):
        sidx = scr[0:KSS]
        didx = scr[KSS:2 * KSS]
        rows, acc, semg, sems = scr[2 * KSS:]
        c = lax.axis_index("c")
        s = lax.axis_index("s")
        wid = s * NC + c
        pltpu.sync_copy(zrows, acc.at[pl.ds(s * RPT, RPT)])
        plsc.subcore_barrier()
        base = wid * CH

        def step(i, carry):
            e0 = pl.multiple_of(base + i * (KSS * NW * CH), CH)
            ld = [pltpu.async_copy(srcv.at[pl.ds(e0 + j * (NW * CH), CH)],
                                   sidx[j], semg) for j in range(KSS)]
            ld += [pltpu.async_copy(dstv.at[pl.ds(e0 + j * (NW * CH), CH)],
                                    didx[j], semg) for j in range(KSS)]
            for d in ld:
                d.wait()
            gd = [pltpu.async_copy(table.at[sidx[j]], rows.at[j], semg)
                  for j in range(KSS)]
            for d in gd:
                d.wait()
            sd = [pltpu.async_copy(rows.at[j], acc.at[didx[j]], sems,
                                   add=True) for j in range(KSS)]
            for d in sd:
                d.wait()
            return carry

        lax.fori_loop(0, NSSW, step, 0)
        plsc.subcore_barrier()
        pltpu.sync_copy(acc.at[pl.ds(s * RPT, RPT)],
                        out.at[c, pl.ds(s * RPT, RPT)])

    return k


def _sc_scatter_ones():

    @functools.partial(
        pl.kernel,
        out_type=jax.ShapeDtypeStruct((NC, ACCN, WH), jnp.float32),
        mesh=_SC_MESH,
        compiler_params=pltpu.CompilerParams(use_tc_tiling_on_sc=False),
        scratch_types=(
            [pltpu.VMEM((CH,), jnp.int32) for _ in range(KSS)]
            + [
                pltpu.VMEM((CH, WH), jnp.float32),
                pltpu.VMEM_SHARED((ACCN, WH), jnp.float32),
                pltpu.SemaphoreType.DMA,
                pltpu.SemaphoreType.DMA,
            ]
        ),
    )
    def k(dstv, onesr, zrows, out, *scr):
        didx = scr[0:KSS]
        rows, acc, semg, sems = scr[KSS:]
        c = lax.axis_index("c")
        s = lax.axis_index("s")
        wid = s * NC + c
        pltpu.sync_copy(zrows, acc.at[pl.ds(s * RPT, RPT)])
        pltpu.sync_copy(onesr, rows)
        plsc.subcore_barrier()
        base = wid * CH

        def step(i, carry):
            e0 = pl.multiple_of(base + i * (KSS * NW * CH), CH)
            ld = [pltpu.async_copy(dstv.at[pl.ds(e0 + j * (NW * CH), CH)],
                                   didx[j], semg) for j in range(KSS)]
            for d in ld:
                d.wait()
            sd = [pltpu.async_copy(rows, acc.at[didx[j]], sems, add=True)
                  for j in range(KSS)]
            for d in sd:
                d.wait()
            return carry

        lax.fori_loop(0, NSSW, step, 0)
        plsc.subcore_barrier()
        pltpu.sync_copy(acc.at[pl.ds(s * RPT, RPT)],
                        out.at[c, pl.ds(s * RPT, RPT)])

    return k



def _k12_body(x_ref, w_ref, hist_ref, xw_ref, xs_ref):
    xw = jnp.dot(x_ref[...], w_ref[...], preferred_element_type=jnp.float32)
    d = hist_ref[0] + hist_ref[1]
    dinv = lax.rsqrt(1.0 + d[:, 0:1])
    xw_ref[...] = xw
    xs_ref[...] = xw * dinv


def _k3a_body(a_ref, xw_ref, hist_ref, b_ref, p_ref, x1_ref, sc_ref):
    d = hist_ref[0] + hist_ref[1]
    dinv = lax.rsqrt(1.0 + d[:, 0:1])
    agg = a_ref[0] + a_ref[1]
    xw = xw_ref[...]
    x1 = dinv * agg + (dinv * dinv) * xw + b_ref[...]
    x1_ref[...] = x1
    pn = p_ref[...]
    pnorm2 = jnp.sum(pn[:, 0:1] * pn[:, 0:1])
    sc = jnp.dot(x1, pn, preferred_element_type=jnp.float32) * lax.rsqrt(pnorm2)
    sc_ref[...] = jnp.tanh(sc)


def _select_body(k_const, sc_ref, msk_ref, m_ref, v_ref):
    sc = sc_ref[...]
    ridx = lax.broadcasted_iota(jnp.int32, (NROW2D, 128), 0)
    cidx = lax.broadcasted_iota(jnp.int32, (NROW2D, 128), 1)
    idx = ridx * 128 + cidx
    valid = (idx < N) & (msk_ref[...] > 0)
    bits = lax.bitcast_convert_type(sc, jnp.uint32)
    key = jnp.where((bits >> 31) == 0, bits | jnp.uint32(0x80000000), ~bits)
    key = jnp.where(valid, key, jnp.uint32(0))

    def tstep(b, t):
        sh = lax.shift_left(jnp.uint32(1), jnp.uint32(31) - b.astype(jnp.uint32))
        t_try = t | sh
        c = jnp.sum((key >= t_try).astype(jnp.int32))
        return jnp.where(c >= k_const, t_try, t)

    tthr = lax.fori_loop(0, 32, tstep, jnp.uint32(0))
    gt = key > tthr
    c_gt = jnp.sum(gt.astype(jnp.int32))
    r = k_const - c_gt
    eq = key == tthr

    def jstep(b, j):
        j_try = j | lax.shift_left(jnp.int32(1), jnp.int32(14) - b)
        c = jnp.sum((eq & (idx < j_try)).astype(jnp.int32))
        return jnp.where(c <= r, j_try, j)

    jcut = lax.fori_loop(0, 15, jstep, jnp.int32(0))
    sel = gt | (eq & (idx < jcut))
    m_ref[...] = sel.astype(jnp.float32)
    v_ref[...] = jnp.where(sel, sc, 0.0)


def _k3c_body(x1_ref, sel_ref, m_ref, w2_ref, xw2_ref, g_ref):
    i = pl.program_id(0)
    y = x1_ref[...] * sel_ref[...][:, 0:1]
    xw2_ref[...] = jnp.dot(y, w2_ref[...], preferred_element_type=jnp.float32)
    mcol = m_ref[...][:, 0:1] > 0
    bmax = jnp.max(jnp.where(mcol, y, -jnp.inf), axis=0, keepdims=True)
    bsum = jnp.sum(jnp.where(mcol, y, 0.0), axis=0, keepdims=True)

    @pl.when(i == 0)
    def _():
        g_ref[...] = jnp.concatenate([bmax, bsum], axis=0)

    @pl.when(i > 0)
    def _():
        prev = g_ref[...]
        g_ref[...] = jnp.concatenate(
            [jnp.maximum(prev[0:1], bmax), prev[1:2] + bsum], axis=0)

    @pl.when(i == NB - 1)
    def _():
        g = g_ref[...]
        g_ref[...] = jnp.concatenate([g[0:1], g[1:2] * (1.0 / K1)], axis=0)


def _k4_body(xw2_ref, hist_ref, m_ref, xs2_ref, dinv_ref):
    d = hist_ref[0] + hist_ref[1]
    mcol = m_ref[...][:, 0:1] > 0
    dinv = jnp.where(mcol, lax.rsqrt(1.0 + d[:, 0:1]), 0.0)
    xs2_ref[...] = xw2_ref[...] * dinv
    dinv_ref[...] = jnp.broadcast_to(dinv, (GB, 8))


def _k5a_body(a_ref, xw2_ref, dinv_ref, b_ref, p_ref, x2_ref, sc_ref):
    dinv = dinv_ref[...][:, 0:1]
    agg = a_ref[0] + a_ref[1]
    xw2 = xw2_ref[...]
    x2 = dinv * agg + (dinv * dinv) * xw2 + b_ref[...]
    x2_ref[...] = x2
    pn = p_ref[...]
    pnorm2 = jnp.sum(pn[:, 0:1] * pn[:, 0:1])
    sc = jnp.dot(x2, pn, preferred_element_type=jnp.float32) * lax.rsqrt(pnorm2)
    sc_ref[...] = jnp.tanh(sc)


def _k5c_body(x2_ref, sel_ref, m_ref, g_ref):
    i = pl.program_id(0)
    y = x2_ref[...] * sel_ref[...][:, 0:1]
    mcol = m_ref[...][:, 0:1] > 0
    bmax = jnp.max(jnp.where(mcol, y, -jnp.inf), axis=0, keepdims=True)
    bsum = jnp.sum(jnp.where(mcol, y, 0.0), axis=0, keepdims=True)

    @pl.when(i == 0)
    def _():
        g_ref[...] = jnp.concatenate([bmax, bsum], axis=0)

    @pl.when(i > 0)
    def _():
        prev = g_ref[...]
        g_ref[...] = jnp.concatenate(
            [jnp.maximum(prev[0:1], bmax), prev[1:2] + bsum], axis=0)

    @pl.when(i == NB - 1)
    def _():
        g = g_ref[...]
        g_ref[...] = jnp.concatenate([g[0:1], g[1:2] * (1.0 / K2)], axis=0)


def _k6_body(g1_ref, g2_ref, wfc_ref, bfc_ref, out_ref):
    dot = functools.partial(jnp.dot, preferred_element_type=jnp.float32)
    logits = (dot(g1_ref[0:1], wfc_ref[0]) + dot(g1_ref[1:2], wfc_ref[1])
              + dot(g2_ref[0:1], wfc_ref[2]) + dot(g2_ref[1:2], wfc_ref[3]))
    logits = logits + bfc_ref[...]
    col = lax.broadcasted_iota(jnp.int32, (1, 128), 1)
    neg = jnp.where(col < NCLS, logits, -jnp.inf)
    m = jnp.max(neg)
    e = jnp.where(col < NCLS, jnp.exp(logits - m), 0.0)
    lse = jnp.log(jnp.sum(e)) + m
    out_ref[...] = jnp.broadcast_to(logits - lse, (8, 128))



def _rb(width):
    return pl.BlockSpec((GB, width), lambda i: (i, 0))


def _pb(shape):
    return pl.BlockSpec(shape, lambda i: tuple(0 for _ in shape))


def _hb(width):
    return pl.BlockSpec((NC, GB, width), lambda i: (0, i, 0))


def _f32(*shape):
    return jax.ShapeDtypeStruct(shape, jnp.float32)


def _pad2d(flat8):
    return jnp.pad(flat8[:, 0], (0, NPAD - N)).reshape(NROW2D, 128)


def _torep(arr2d):
    flat = arr2d.reshape(NPAD)[:N]
    return jnp.broadcast_to(flat[:, None], (N, 8))



def kernel(x, edge_index, batch, W1, b1, W2, b2, p1, p2, Wfc, bfc):
    f32 = jnp.float32
    src = edge_index[0].astype(jnp.int32)
    dst = edge_index[1].astype(jnp.int32)
    sink = 10016 + (jnp.arange(EP - E, dtype=jnp.int32) % 64)
    srcp = jnp.concatenate([src, jnp.zeros((EP - E,), jnp.int32)])
    dstp = jnp.concatenate([dst, sink])

    W1p = jnp.zeros((F_IN, HP), f32).at[:, :HID].set(W1)
    W2p = jnp.zeros((HP, HP), f32).at[:HID, :HID].set(W2)
    b1p = jnp.zeros((1, HP), f32).at[0, :HID].set(b1)
    b2p = jnp.zeros((1, HP), f32).at[0, :HID].set(b2)
    p1rep = jnp.broadcast_to(
        jnp.zeros((HP,), f32).at[:HID].set(p1)[:, None], (HP, 8))
    p2rep = jnp.broadcast_to(
        jnp.zeros((HP,), f32).at[:HID].set(p2)[:, None], (HP, 8))
    wfc_pad = jnp.zeros((4, HP, 128), f32)
    for blk in range(4):
        wfc_pad = wfc_pad.at[blk, :HID, :NCLS].set(Wfc[blk * HID:(blk + 1) * HID])
    bfc_pad = jnp.zeros((1, 128), f32).at[0, :NCLS].set(bfc)
    zrows_h = jnp.zeros((RPT, WH), f32)
    zrows_f = jnp.zeros((RPT, HP), f32)
    ones_r = jnp.ones((CH, WH), f32)
    ones2d = jnp.ones((NROW2D, 128), f32)

    hist1 = _sc_scatter_ones()(dstp, ones_r, zrows_h)

    xw1, xs1 = pl.pallas_call(
        _k12_body,
        grid=(NB,),
        in_specs=[_rb(F_IN), _pb((F_IN, HP)), _hb(WH)],
        out_specs=[_rb(HP), _rb(HP)],
        out_shape=[_f32(N, HP), _f32(N, HP)],
    )(x, W1p, hist1)

    A1 = _sc_gather_scatter_add(HP)(xs1, srcp, dstp, zrows_f)

    x1, sc1 = pl.pallas_call(
        _k3a_body,
        grid=(NB,),
        in_specs=[_hb(HP), _rb(HP), _hb(WH), _pb((1, HP)), _pb((HP, 8))],
        out_specs=[_rb(HP), _rb(8)],
        out_shape=[_f32(N, HP), _f32(N, 8)],
    )(A1, xw1, hist1, b1p, p1rep)

    m1_2d, sel1_2d = pl.pallas_call(
        functools.partial(_select_body, K1),
        out_shape=[_f32(NROW2D, 128), _f32(NROW2D, 128)],
    )(_pad2d(sc1), ones2d)
    m1rep = _torep(m1_2d)
    sel1rep = _torep(sel1_2d)

    xw2, g1 = pl.pallas_call(
        _k3c_body,
        grid=(NB,),
        in_specs=[_rb(HP), _rb(8), _rb(8), _pb((HP, HP))],
        out_specs=[_rb(HP), _pb((2, HP))],
        out_shape=[_f32(N, HP), _f32(2, HP)],
    )(x1, sel1rep, m1rep, W2p)

    t2 = jnp.broadcast_to(m1_2d.reshape(NPAD)[:N, None], (N, WH))
    hist2 = _sc_gather_scatter_add(WH)(t2, srcp, dstp, zrows_h)

    xs2, dinv2rep = pl.pallas_call(
        _k4_body,
        grid=(NB,),
        in_specs=[_rb(HP), _hb(WH), _rb(8)],
        out_specs=[_rb(HP), _rb(8)],
        out_shape=[_f32(N, HP), _f32(N, 8)],
    )(xw2, hist2, m1rep)

    A2 = _sc_gather_scatter_add(HP)(xs2, srcp, dstp, zrows_f)

    x2, sc2 = pl.pallas_call(
        _k5a_body,
        grid=(NB,),
        in_specs=[_hb(HP), _rb(HP), _rb(8), _pb((1, HP)), _pb((HP, 8))],
        out_specs=[_rb(HP), _rb(8)],
        out_shape=[_f32(N, HP), _f32(N, 8)],
    )(A2, xw2, dinv2rep, b2p, p2rep)

    m2_2d, sel2_2d = pl.pallas_call(
        functools.partial(_select_body, K2),
        out_shape=[_f32(NROW2D, 128), _f32(NROW2D, 128)],
    )(_pad2d(sc2), m1_2d)

    g2 = pl.pallas_call(
        _k5c_body,
        grid=(NB,),
        in_specs=[_rb(HP), _rb(8), _rb(8)],
        out_specs=_pb((2, HP)),
        out_shape=_f32(2, HP),
    )(x2, _torep(sel2_2d), _torep(m2_2d))

    out = pl.pallas_call(
        _k6_body,
        out_shape=_f32(8, 128),
    )(g1, g2, wfc_pad, bfc_pad)
    return out[0:1, 0:NCLS]

# --- scband reference (transcript-rebuilt; emitter-appended) ---
"""Pipeline reference for scband-feature-selection-gnn-2473901162529 (READ-ONLY COPY).

The authoritative reference and input builder live on the scoring server;
editing this copy changes nothing except your own understanding.
"""

import jax, jax.numpy as jnp
import numpy as np
import math

N_NODES, N_EDGES, F_IN, HID, N_CLS = 10000, 320000, 128, 50, 4
RATIO = 0.5


def gcn_conv(x, src, dst, ew, W, b):
    N = x.shape[0]
    ar = jnp.arange(N, dtype=src.dtype)
    srcl = jnp.concatenate([src, ar])
    dstl = jnp.concatenate([dst, ar])
    ewl = jnp.concatenate([ew, jnp.ones((N,), x.dtype)])
    deg = jnp.zeros((N,), x.dtype).at[dstl].add(ewl)
    dinv = jnp.where(deg > 0, deg ** -0.5, 0.0)
    norm = dinv[srcl] * dinv[dstl] * ewl
    xw = x @ W
    out = jnp.zeros((N, W.shape[1]), x.dtype).at[dstl].add(xw[srcl] * norm[:, None])
    return out + b


def topk_pool(x, src, dst, ew, batch, weight, ratio):
    N = x.shape[0]
    score = jnp.tanh((x @ weight) / jnp.linalg.norm(weight))
    k = int(math.ceil(ratio * N))
    topv, perm = jax.lax.top_k(score, k)
    x_new = x[perm] * topv[:, None]
    idx = jnp.full((N,), -1, dtype=src.dtype).at[perm].set(jnp.arange(k, dtype=src.dtype))
    ns = idx[src]
    nd = idx[dst]
    valid = (ns >= 0) & (nd >= 0)
    ew_new = ew * valid.astype(x.dtype)
    ns = jnp.where(valid, ns, 0)
    nd = jnp.where(valid, nd, 0)
    batch_new = batch[perm]
    return x_new, ns, nd, ew_new, batch_new


def gmp(x, batch, num_graphs):
    return jax.ops.segment_max(x, batch, num_segments=num_graphs)


def gap(x, batch, num_graphs):
    s = jax.ops.segment_sum(x, batch, num_segments=num_graphs)
    cnt = jax.ops.segment_sum(jnp.ones((x.shape[0],), x.dtype), batch, num_segments=num_graphs)
    return s / jnp.maximum(cnt, 1.0)[:, None]


def setup_inputs(seed: int = 0):
    key = jax.random.key(seed)
    ks = jax.random.split(key, 8)
    x = jax.random.normal(ks[0], (N_NODES, F_IN), dtype=jnp.float32)
    edge_index = jax.random.randint(ks[1], (2, N_EDGES), 0, N_NODES, dtype=jnp.int32)
    batch = jnp.zeros((N_NODES,), dtype=jnp.int32)
    W1 = jax.random.normal(ks[2], (F_IN, HID), dtype=jnp.float32) / np.sqrt(F_IN)
    b1 = jnp.zeros((HID,), jnp.float32)
    W2 = jax.random.normal(ks[3], (HID, HID), dtype=jnp.float32) / np.sqrt(HID)
    b2 = jnp.zeros((HID,), jnp.float32)
    p1 = jax.random.normal(ks[4], (HID,), dtype=jnp.float32) / np.sqrt(HID)
    p2 = jax.random.normal(ks[5], (HID,), dtype=jnp.float32) / np.sqrt(HID)
    Wfc = jax.random.normal(ks[6], (4 * HID, N_CLS), dtype=jnp.float32) / np.sqrt(4 * HID)
    bfc = jnp.zeros((N_CLS,), jnp.float32)
    return {"x": x, "edge_index": edge_index, "batch": batch, "W1": W1, "b1": b1, "W2": W2, "b2": b2, "p1": p1, "p2": p2, "Wfc": Wfc, "bfc": bfc}


def reference(x, edge_index, batch, W1, b1, W2, b2, p1, p2, Wfc, bfc):
    src, dst = edge_index[0], edge_index[1]
    ew = jnp.ones((src.shape[0],), x.dtype)
    num_graphs = 1
    x1 = gcn_conv(x, src, dst, ew, W1, b1)
    x1p, s1, d1, ew1, bt1 = topk_pool(x1, src, dst, ew, batch, p1, RATIO)
    x2 = gcn_conv(x1p, s1, d1, ew1, W2, b2)
    g1 = jnp.concatenate([gmp(x1p, bt1, num_graphs), gap(x1p, bt1, num_graphs)], axis=1)
    x2p, s2, d2, ew2, bt2 = topk_pool(x2, s1, d1, ew1, bt1, p2, RATIO)
    g2 = jnp.concatenate([gmp(x2p, bt2, num_graphs), gap(x2p, bt2, num_graphs)], axis=1)
    xx = jnp.concatenate([g1, g2], axis=1)
    logits = xx @ Wfc + bfc
    return jax.nn.log_softmax(logits, axis=-1)

if __name__ == "__main__":
    import jax
    _d = setup_inputs()
    print(jax.jit(kernel)(*tuple(_d.values())))

</pallas_src>

<mosaic_0001>
#map = affine_map<(d0, d1) -> (0, 0)>
#map1 = affine_map<(d0, d1) -> (0)>
#map2 = affine_map<(d0, d1) -> (0, 0, 0)>
module attributes {stable_mosaic.version = 14 : i64} {
  func.func @k(%arg0: i32, %arg1: i32, %arg2: memref<10000x64xf32, #tpu.memory_space<hbm>>, %arg3: memref<327680xi32, #tpu.memory_space<hbm>>, %arg4: memref<327680xi32, #tpu.memory_space<hbm>>, %arg5: memref<632x64xf32, #tpu.memory_space<hbm>>, %arg6: memref<2x10112x64xf32, #tpu.memory_space<hbm>>, %arg7: memref<512xi32, #tpu.memory_space<vmem>>, %arg8: memref<512xi32, #tpu.memory_space<vmem>>, %arg9: memref<512xi32, #tpu.memory_space<vmem>>, %arg10: memref<512xi32, #tpu.memory_space<vmem>>, %arg11: memref<2x512x64xf32, #tpu.memory_space<vmem>>, %arg12: memref<10112x64xf32, #tpu.memory_space<vmem_shared>>, %arg13: memref<!tpu.dma_semaphore, #tpu.memory_space<semaphore_mem>>, %arg14: memref<!tpu.dma_semaphore, #tpu.memory_space<semaphore_mem>>) attributes {dimension_semantics = [#tpu.dimension_semantics<core_parallel>, #tpu.dimension_semantics<subcore_parallel>], iteration_bounds = array<i64: 2, 16>, scalar_prefetch = 0 : i64, scratch_operands = 8 : i64, tpu.core_type = #tpu.core_type<sc_vector_subcore>, window_params = [{transform_indices = #map}, {transform_indices = #map1}, {transform_indices = #map1}, {transform_indices = #map}, {transform_indices = #map2}]} {
    %mul3A = arith.constant 2 : i32
    %mul3A_0 = arith.muli %arg1, %mul3A : i32
    %add3A = arith.addi %mul3A_0, %arg0 : i32
    %mul3A_1 = arith.constant 632 : i32
    %mul3A_2 = arith.muli %arg1, %mul3A_1 : i32
    "tpu.region"() ({
      %run_scoped3A = tpu.sem_alloc : memref<!tpu.dma_semaphore, #tpu.memory_space<semaphore_mem>>
      %dma_start3A = arith.constant 0 : i32
      %dma_start3A_15 = tpu.memref_slice %arg12[%mul3A_2, %dma_start3A] : memref<10112x64xf32, #tpu.memory_space<vmem_shared>> -> memref<632x64xf32, #tpu.memory_space<vmem_shared>>
      tpu.enqueue_dma source(%arg5 : memref<632x64xf32, #tpu.memory_space<hbm>>) target(%dma_start3A_15 : memref<632x64xf32, #tpu.memory_space<vmem_shared>>) target_semaphore(%run_scoped3A : memref<!tpu.dma_semaphore, #tpu.memory_space<semaphore_mem>>)
      %dma_wait3A = arith.constant 0 : i32
      %dma_wait3A_16 = tpu.memref_slice %arg12[%mul3A_2, %dma_wait3A] : memref<10112x64xf32, #tpu.memory_space<vmem_shared>> -> memref<632x64xf32, #tpu.memory_space<vmem_shared>>
      tpu.wait_dma2 semaphore(%run_scoped3A : memref<!tpu.dma_semaphore, #tpu.memory_space<semaphore_mem>>) src(%arg5 : memref<632x64xf32, #tpu.memory_space<hbm>>) dst(%dma_wait3A_16 : memref<632x64xf32, #tpu.memory_space<vmem_shared>>)
      tpu.yield
    }) : () -> ()
    %barrier3A = arith.constant 0 : index
    tpu.barrier barrier_id(%barrier3A)
    %mul3A_3 = arith.constant 512 : i32
    %mul3A_4 = arith.muli %add3A, %mul3A_3 : i32
    %scan3A = arith.constant 0 : i32
    %scan3A_5 = arith.constant 0 : i32
    %scan3A_6 = arith.constant 10 : i32
    %scan3A_7 = arith.addi %scan3A_5, %scan3A_6 : i32
    %scan3A_8 = arith.constant 1 : i32
    scf.for %scan3A_15 = %scan3A_5 to %scan3A_7 step %scan3A_8  : i32 {
      %mul3A_16 = arith.constant 32768 : i32
      %mul3A_17 = arith.muli %scan3A_15, %mul3A_16 : i32
      %add3A_18 = arith.addi %mul3A_4, %mul3A_17 : i32
      %multiple_of3A = tpu.assume_multiple %add3A_18, 512 : i32
      %add3A_19 = arith.constant 0 : i32
      %add3A_20 = arith.addi %multiple_of3A, %add3A_19 : i32
      %dma_start3A = tpu.memref_slice %arg3[%add3A_20] : memref<327680xi32, #tpu.memory_space<hbm>> -> memref<512xi32, #tpu.memory_space<hbm>>
      %dma_start3A_21 = tpu.memref_slice %arg3[%add3A_20] : memref<327680xi32, #tpu.memory_space<hbm>> -> memref<512xi32, #tpu.memory_space<hbm>>
      tpu.enqueue_dma source(%dma_start3A_21 : memref<512xi32, #tpu.memory_space<hbm>>) target(%arg7 : memref<512xi32, #tpu.memory_space<vmem>>) target_semaphore(%arg13 : memref<!tpu.dma_semaphore, #tpu.memory_space<semaphore_mem>>)
      %add3A_22 = arith.constant 16384 : i32
      %add3A_23 = arith.addi %multiple_of3A, %add3A_22 : i32
      %dma_start3A_24 = tpu.memref_slice %arg3[%add3A_23] : memref<327680xi32, #tpu.memory_space<hbm>> -> memref<512xi32, #tpu.memory_space<hbm>>
      %dma_start3A_25 = tpu.memref_slice %arg3[%add3A_23] : memref<327680xi32, #tpu.memory_space<hbm>> -> memref<512xi32, #tpu.memory_space<hbm>>
      tpu.enqueue_dma source(%dma_start3A_25 : memref<512xi32, #tpu.memory_space<hbm>>) target(%arg8 : memref<512xi32, #tpu.memory_space<vmem>>) target_semaphore(%arg13 : memref<!tpu.dma_semaphore, #tpu.memory_space<semaphore_mem>>)
      %add3A_26 = arith.constant 0 : i32
      %add3A_27 = arith.addi %multiple_of3A, %add3A_26 : i32
      %dma_start3A_28 = tpu.memref_slice %arg4[%add3A_27] : memref<327680xi32, #tpu.memory_space<hbm>> -> memref<512xi32, #tpu.memory_space<hbm>>
      %dma_start3A_29 = tpu.memref_slice %arg4[%add3A_27] : memref<327680xi32, #tpu.memory_space<hbm>> -> memref<512xi32, #tpu.memory_space<hbm>>
      tpu.enqueue_dma source(%dma_start3A_29 : memref<512xi32, #tpu.memory_space<hbm>>) target(%arg9 : memref<512xi32, #tpu.memory_space<vmem>>) target_semaphore(%arg13 : memref<!tpu.dma_semaphore, #tpu.memory_space<semaphore_mem>>)
      %add3A_30 = arith.constant 16384 : i32
      %add3A_31 = arith.addi %multiple_of3A, %add3A_30 : i32
      %dma_start3A_32 = tpu.memref_slice %arg4[%add3A_31] : memref<327680xi32, #tpu.memory_space<hbm>> -> memref<512xi32, #tpu.memory_space<hbm>>
      %dma_start3A_33 = tpu.memref_slice %arg4[%add3A_31] : memref<327680xi32, #tpu.memory_space<hbm>> -> memref<512xi32, #tpu.memory_space<hbm>>
      tpu.enqueue_dma source(%dma_start3A_33 : memref<512xi32, #tpu.memory_space<hbm>>) target(%arg10 : memref<512xi32, #tpu.memory_space<vmem>>) target_semaphore(%arg13 : memref<!tpu.dma_semaphore, #tpu.memory_space<semaphore_mem>>)
      %dma_wait3A = tpu.memref_slice %arg3[%add3A_20] : memref<327680xi32, #tpu.memory_space<hbm>> -> memref<512xi32, #tpu.memory_space<hbm>>
      %dma_wait3A_34 = tpu.memref_slice %arg3[%add3A_20] : memref<327680xi32, #tpu.memory_space<hbm>> -> memref<512xi32, #tpu.memory_space<hbm>>
      tpu.wait_dma2 semaphore(%arg13 : memref<!tpu.dma_semaphore, #tpu.memory_space<semaphore_mem>>) src(%dma_wait3A_34 : memref<512xi32, #tpu.memory_space<hbm>>) dst(%arg7 : memref<512xi32, #tpu.memory_space<vmem>>)
      %dma_wait3A_35 = tpu.memref_slice %arg3[%add3A_23] : memref<327680xi32, #tpu.memory_space<hbm>> -> memref<512xi32, #tpu.memory_space<hbm>>
      %dma_wait3A_36 = tpu.memref_slice %arg3[%add3A_23] : memref<327680xi32, #tpu.memory_space<hbm>> -> memref<512xi32, #tpu.memory_space<hbm>>
      tpu.wait_dma2 semaphore(%arg13 : memref<!tpu.dma_semaphore, #tpu.memory_space<semaphore_mem>>) src(%dma_wait3A_36 : memref<512xi32, #tpu.memory_space<hbm>>) dst(%arg8 : memref<512xi32, #tpu.memory_space<vmem>>)
      %dma_wait3A_37 = tpu.memref_slice %arg4[%add3A_27] : memref<327680xi32, #tpu.memory_space<hbm>> -> memref<512xi32, #tpu.memory_space<hbm>>
      %dma_wait3A_38 = tpu.memref_slice %arg4[%add3A_27] : memref<327680xi32, #tpu.memory_space<hbm>> -> memref<512xi32, #tpu.memory_space<hbm>>
      tpu.wait_dma2 semaphore(%arg13 : memref<!tpu.dma_semaphore, #tpu.memory_space<semaphore_mem>>) src(%dma_wait3A_38 : memref<512xi32, #tpu.memory_space<hbm>>) dst(%arg9 : memref<512xi32, #tpu.memory_space<vmem>>)
      %dma_wait3A_39 = tpu.memref_slice %arg4[%add3A_31] : memref<327680xi32, #tpu.memory_space<hbm>> -> memref<512xi32, #tpu.memory_space<hbm>>
      %dma_wait3A_40 = tpu.memref_slice %arg4[%add3A_31] : memref<327680xi32, #tpu.memory_space<hbm>> -> memref<512xi32, #tpu.memory_space<hbm>>
      tpu.wait_dma2 semaphore(%arg13 : memref<!tpu.dma_semaphore, #tpu.memory_space<semaphore_mem>>) src(%dma_wait3A_40 : memref<512xi32, #tpu.memory_space<hbm>>) dst(%arg10 : memref<512xi32, #tpu.memory_space<vmem>>)
      %dma_start3A_41 = arith.constant 0 : i32
      %dma_start3A_42 = arith.constant 0 : i32
      %dma_start3A_43 = arith.constant 0 : i32
      %dma_start3A_44 = tpu.memref_slice %arg11[%dma_start3A_41, %dma_start3A_42, %dma_start3A_43] : memref<2x512x64xf32, #tpu.memory_space<vmem>> -> memref<1x512x64xf32, #tpu.memory_space<vmem>>
      %dma_start3A_45 = tpu.memref_squeeze %dma_start3A_44 : memref<1x512x64xf32, #tpu.memory_space<vmem>> -> memref<512x64xf32, #tpu.memory_space<vmem>>
      %dma_start3A_46 = arith.constant 0 : i32
      %dma_start3A_47 = arith.constant 0 : i32
      %dma_start3A_48 = tpu.memref_slice %arg2[%dma_start3A_46, %dma_start3A_47] : memref<10000x64xf32, #tpu.memory_space<hbm>> -> memref<10000x64xf32, #tpu.memory_space<hbm>>
      tpu.enqueue_indirect_dma source(%dma_start3A_48 : memref<10000x64xf32, #tpu.memory_space<hbm>>) target(%dma_start3A_45 : memref<512x64xf32, #tpu.memory_space<vmem>>) offsets(%arg7 : memref<512xi32, #tpu.memory_space<vmem>>) semaphore(%arg13 : memref<!tpu.dma_semaphore, #tpu.memory_space<semaphore_mem>>)
      %dma_start3A_49 = arith.constant 1 : i32
      %dma_start3A_50 = arith.constant 0 : i32
      %dma_start3A_51 = arith.constant 0 : i32
      %dma_start3A_52 = tpu.memref_slice %arg11[%dma_start3A_49, %dma_start3A_50, %dma_start3A_51] : memref<2x512x64xf32, #tpu.memory_space<vmem>> -> memref<1x512x64xf32, #tpu.memory_space<vmem>>
      %dma_start3A_53 = tpu.memref_squeeze %dma_start3A_52 : memref<1x512x64xf32, #tpu.memory_space<vmem>> -> memref<512x64xf32, #tpu.memory_space<vmem>>
      %dma_start3A_54 = arith.constant 0 : i32
      %dma_start3A_55 = arith.constant 0 : i32
      %dma_start3A_56 = tpu.memref_slice %arg2[%dma_start3A_54, %dma_start3A_55] : memref<10000x64xf32, #tpu.memory_space<hbm>> -> memref<10000x64xf32, #tpu.memory_space<hbm>>
      tpu.enqueue_indirect_dma source(%dma_start3A_56 : memref<10000x64xf32, #tpu.memory_space<hbm>>) target(%dma_start3A_53 : memref<512x64xf32, #tpu.memory_space<vmem>>) offsets(%arg8 : memref<512xi32, #tpu.memory_space<vmem>>) semaphore(%arg13 : memref<!tpu.dma_semaphore, #tpu.memory_space<semaphore_mem>>)
      %dma_wait3A_57 = arith.constant 0 : i32
      %dma_wait3A_58 = arith.constant 0 : i32
      %dma_wait3A_59 = arith.constant 0 : i32
      %dma_wait3A_60 = tpu.memref_slice %arg11[%dma_wait3A_57, %dma_wait3A_58, %dma_wait3A_59] : memref<2x512x64xf32, #tpu.memory_space<vmem>> -> memref<1x512x64xf32, #tpu.memory_space<vmem>>
      %dma_wait3A_61 = tpu.memref_squeeze %dma_wait3A_60 : memref<1x512x64xf32, #tpu.memory_space<vmem>> -> memref<512x64xf32, #tpu.memory_space<vmem>>
      %dma_wait3A_62 = arith.constant 0 : i32
      %dma_wait3A_63 = arith.constant 0 : i32
      %dma_wait3A_64 = tpu.memref_slice %arg2[%dma_wait3A_62, %dma_wait3A_63] : memref<10000x64xf32, #tpu.memory_space<hbm>> -> memref<10000x64xf32, #tpu.memory_space<hbm>>
      tpu.wait_indirect_dma semaphore(%arg13 : memref<!tpu.dma_semaphore, #tpu.memory_space<semaphore_mem>>) src(%dma_wait3A_64 : memref<10000x64xf32, #tpu.memory_space<hbm>>) dst(%dma_wait3A_61 : memref<512x64xf32, #tpu.memory_space<vmem>>)
      %dma_wait3A_65 = arith.constant 1 : i32
      %dma_wait3A_66 = arith.constant 0 : i32
      %dma_wait3A_67 = arith.constant 0 : i32
      %dma_wait3A_68 = tpu.memref_slice %arg11[%dma_wait3A_65, %dma_wait3A_66, %dma_wait3A_67] : memref<2x512x64xf32, #tpu.memory_space<vmem>> -> memref<1x512x64xf32, #tpu.memory_space<vmem>>
      %dma_wait3A_69 = tpu.memref_squeeze %dma_wait3A_68 : memref<1x512x64xf32, #tpu.memory_space<vmem>> -> memref<512x64xf32, #tpu.memory_space<vmem>>
      %dma_wait3A_70 = arith.constant 0 : i32
      %dma_wait3A_71 = arith.constant 0 : i32
      %dma_wait3A_72 = tpu.memref_slice %arg2[%dma_wait3A_70, %dma_wait3A_71] : memref<10000x64xf32, #tpu.memory_space<hbm>> -> memref<10000x64xf32, #tpu.memory_space<hbm>>
      tpu.wait_indirect_dma semaphore(%arg13 : memref<!tpu.dma_semaphore, #tpu.memory_space<semaphore_mem>>) src(%dma_wait3A_72 : memref<10000x64xf32, #tpu.memory_space<hbm>>) dst(%dma_wait3A_69 : memref<512x64xf32, #tpu.memory_space<vmem>>)
      %dma_start3A_73 = arith.constant 0 : i32
      %dma_start3A_74 = arith.constant 0 : i32
      %dma_start3A_75 = arith.constant 0 : i32
      %dma_start3A_76 = tpu.memref_slice %arg11[%dma_start3A_73, %dma_start3A_74, %dma_start3A_75] : memref<2x512x64xf32, #tpu.memory_space<vmem>> -> memref<1x512x64xf32, #tpu.memory_space<vmem>>
      %dma_start3A_77 = tpu.memref_squeeze %dma_start3A_76 : memref<1x512x64xf32, #tpu.memory_space<vmem>> -> memref<512x64xf32, #tpu.memory_space<vmem>>
      %dma_start3A_78 = arith.constant 0 : i32
      %dma_start3A_79 = arith.constant 0 : i32
      %dma_start3A_80 = tpu.memref_slice %arg12[%dma_start3A_78, %dma_start3A_79] : memref<10112x64xf32, #tpu.memory_space<vmem_shared>> -> memref<10112x64xf32, #tpu.memory_space<vmem_shared>>
      tpu.enqueue_indirect_dma source(%dma_start3A_77 : memref<512x64xf32, #tpu.memory_space<vmem>>) target(%dma_start3A_80 : memref<10112x64xf32, #tpu.memory_space<vmem_shared>>) offsets(%arg9 : memref<512xi32, #tpu.memory_space<vmem>>) semaphore(%arg14 : memref<!tpu.dma_semaphore, #tpu.memory_space<semaphore_mem>>) {add = true}
      %dma_start3A_81 = arith.constant 1 : i32
      %dma_start3A_82 = arith.constant 0 : i32
      %dma_start3A_83 = arith.constant 0 : i32
      %dma_start3A_84 = tpu.memref_slice %arg11[%dma_start3A_81, %dma_start3A_82, %dma_start3A_83] : memref<2x512x64xf32, #tpu.memory_space<vmem>> -> memref<1x512x64xf32, #tpu.memory_space<vmem>>
      %dma_start3A_85 = tpu.memref_squeeze %dma_start3A_84 : memref<1x512x64xf32, #tpu.memory_space<vmem>> -> memref<512x64xf32, #tpu.memory_space<vmem>>
      %dma_start3A_86 = arith.constant 0 : i32
      %dma_start3A_87 = arith.constant 0 : i32
      %dma_start3A_88 = tpu.memref_slice %arg12[%dma_start3A_86, %dma_start3A_87] : memref<10112x64xf32, #tpu.memory_space<vmem_shared>> -> memref<10112x64xf32, #tpu.memory_space<vmem_shared>>
      tpu.enqueue_indirect_dma source(%dma_start3A_85 : memref<512x64xf32, #tpu.memory_space<vmem>>) target(%dma_start3A_88 : memref<10112x64xf32, #tpu.memory_space<vmem_shared>>) offsets(%arg10 : memref<512xi32, #tpu.memory_space<vmem>>) semaphore(%arg14 : memref<!tpu.dma_semaphore, #tpu.memory_space<semaphore_mem>>) {add = true}
      %dma_wait3A_89 = arith.constant 0 : i32
      %dma_wait3A_90 = arith.constant 0 : i32
      %dma_wait3A_91 = arith.constant 0 : i32
      %dma_wait3A_92 = tpu.memref_slice %arg11[%dma_wait3A_89, %dma_wait3A_90, %dma_wait3A_91] : memref<2x512x64xf32, #tpu.memory_space<vmem>> -> memref<1x512x64xf32, #tpu.memory_space<vmem>>
      %dma_wait3A_93 = tpu.memref_squeeze %dma_wait3A_92 : memref<1x512x64xf32, #tpu.memory_space<vmem>> -> memref<512x64xf32, #tpu.memory_space<vmem>>
      %dma_wait3A_94 = arith.constant 0 : i32
      %dma_wait3A_95 = arith.constant 0 : i32
      %dma_wait3A_96 = tpu.memref_slice %arg12[%dma_wait3A_94, %dma_wait3A_95] : memref<10112x64xf32, #tpu.memory_space<vmem_shared>> -> memref<10112x64xf32, #tpu.memory_space<vmem_shared>>
      tpu.wait_indirect_dma semaphore(%arg14 : memref<!tpu.dma_semaphore, #tpu.memory_space<semaphore_mem>>) src(%dma_wait3A_93 : memref<512x64xf32, #tpu.memory_space<vmem>>) dst(%dma_wait3A_96 : memref<10112x64xf32, #tpu.memory_space<vmem_shared>>)
      %dma_wait3A_97 = arith.constant 1 : i32
      %dma_wait3A_98 = arith.constant 0 : i32
      %dma_wait3A_99 = arith.constant 0 : i32
      %dma_wait3A_100 = tpu.memref_slice %arg11[%dma_wait3A_97, %dma_wait3A_98, %dma_wait3A_99] : memref<2x512x64xf32, #tpu.memory_space<vmem>> -> memref<1x512x64xf32, #tpu.memory_space<vmem>>
      %dma_wait3A_101 = tpu.memref_squeeze %dma_wait3A_100 : memref<1x512x64xf32, #tpu.memory_space<vmem>> -> memref<512x64xf32, #tpu.memory_space<vmem>>
      %dma_wait3A_102 = arith.constant 0 : i32
      %dma_wait3A_103 = arith.constant 0 : i32
      %dma_wait3A_104 = tpu.memref_slice %arg12[%dma_wait3A_102, %dma_wait3A_103] : memref<10112x64xf32, #tpu.memory_space<vmem_shared>> -> memref<10112x64xf32, #tpu.memory_space<vmem_shared>>
      tpu.wait_indirect_dma semaphore(%arg14 : memref<!tpu.dma_semaphore, #tpu.memory_space<semaphore_mem>>) src(%dma_wait3A_101 : memref<512x64xf32, #tpu.memory_space<vmem>>) dst(%dma_wait3A_104 : memref<10112x64xf32, #tpu.memory_space<vmem_shared>>)
    }
    %scan3A_9 = arith.constant 10 : i32
    %barrier3A_10 = arith.constant 0 : index
    tpu.barrier barrier_id(%barrier3A_10)
    %mul3A_11 = arith.constant 632 : i32
    %mul3A_12 = arith.muli %arg1, %mul3A_11 : i32
    %mul3A_13 = arith.constant 632 : i32
    %mul3A_14 = arith.muli %arg1, %mul3A_13 : i32
    "tpu.region"() ({
      %run_scoped3A = tpu.sem_alloc : memref<!tpu.dma_semaphore, #tpu.memory_space<semaphore_mem>>
      %dma_start3A = arith.constant 0 : i32
      %dma_start3A_15 = tpu.memref_slice %arg6[%arg0, %mul3A_14, %dma_start3A] : memref<2x10112x64xf32, #tpu.memory_space<hbm>> -> memref<1x632x64xf32, #tpu.memory_space<hbm>>
      %dma_start3A_16 = tpu.memref_squeeze %dma_start3A_15 : memref<1x632x64xf32, #tpu.memory_space<hbm>> -> memref<632x64xf32, #tpu.memory_space<hbm>>
      %dma_start3A_17 = arith.constant 0 : i32
      %dma_start3A_18 = tpu.memref_slice %arg12[%mul3A_12, %dma_start3A_17] : memref<10112x64xf32, #tpu.memory_space<vmem_shared>> -> memref<632x64xf32, #tpu.memory_space<vmem_shared>>
      tpu.enqueue_dma source(%dma_start3A_18 : memref<632x64xf32, #tpu.memory_space<vmem_shared>>) target(%dma_start3A_16 : memref<632x64xf32, #tpu.memory_space<hbm>>) target_semaphore(%run_scoped3A : memref<!tpu.dma_semaphore, #tpu.memory_space<semaphore_mem>>)
      %dma_wait3A = arith.constant 0 : i32
      %dma_wait3A_19 = tpu.memref_slice %arg6[%arg0, %mul3A_14, %dma_wait3A] : memref<2x10112x64xf32, #tpu.memory_space<hbm>> -> memref<1x632x64xf32, #tpu.memory_space<hbm>>
      %dma_wait3A_20 = tpu.memref_squeeze %dma_wait3A_19 : memref<1x632x64xf32, #tpu.memory_space<hbm>> -> memref<632x64xf32, #tpu.memory_space<hbm>>
      %dma_wait3A_21 = arith.constant 0 : i32
      %dma_wait3A_22 = tpu.memref_slice %arg12[%mul3A_12, %dma_wait3A_21] : memref<10112x64xf32, #tpu.memory_space<vmem_shared>> -> memref<632x64xf32, #tpu.memory_space<vmem_shared>>
      tpu.wait_dma2 semaphore(%run_scoped3A : memref<!tpu.dma_semaphore, #tpu.memory_space<semaphore_mem>>) src(%dma_wait3A_22 : memref<632x64xf32, #tpu.memory_space<vmem_shared>>) dst(%dma_wait3A_20 : memref<632x64xf32, #tpu.memory_space<hbm>>)
      tpu.yield
    }) : () -> ()
    return
  }
}

#map = affine_map<(d0, d1) -> (0)>
#map1 = affine_map<(d0, d1) -> (0, 0)>
#map2 = affine_map<(d0, d1) -> (0, 0, 0)>
module attributes {stable_mosaic.version = 14 : i64} {
  func.func @k(%arg0: i32, %arg1: i32, %arg2: memref<327680xi32, #tpu.memory_space<hbm>>, %arg3: memref<512x16xf32, #tpu.memory_space<hbm>>, %arg4: memref<632x16xf32, #tpu.memory_space<hbm>>, %arg5: memref<2x10112x16xf32, #tpu.memory_space<hbm>>, %arg6: memref<512xi32, #tpu.memory_space<vmem>>, %arg7: memref<512xi32, #tpu.memory_space<vmem>>, %arg8: memref<512x16xf32, #tpu.memory_space<vmem>>, %arg9: memref<10112x16xf32, #tpu.memory_space<vmem_shared>>, %arg10: memref<!tpu.dma_semaphore, #tpu.memory_space<semaphore_mem>>, %arg11: memref<!tpu.dma_semaphore, #tpu.memory_space<semaphore_mem>>) attributes {dimension_semantics = [#tpu.dimension_semantics<core_parallel>, #tpu.dimension_semantics<subcore_parallel>], iteration_bounds = array<i64: 2, 16>, scalar_prefetch = 0 : i64, scratch_operands = 6 : i64, tpu.core_type = #tpu.core_type<sc_vector_subcore>, window_params = [{transform_indices = #map}, {transform_indices = #map1}, {transform_indices = #map1}, {transform_indices = #map2}]} {
    %mul3A = arith.constant 2 : i32
    %mul3A_0 = arith.muli %arg1, %mul3A : i32
    %add3A = arith.addi %mul3A_0, %arg0 : i32
    %mul3A_1 = arith.constant 632 : i32
    %mul3A_2 = arith.muli %arg1, %mul3A_1 : i32
    "tpu.region"() ({
      %run_scoped3A = tpu.sem_alloc : memref<!tpu.dma_semaphore, #tpu.memory_space<semaphore_mem>>
      %dma_start3A = arith.constant 0 : i32
      %dma_start3A_15 = tpu.memref_slice %arg9[%mul3A_2, %dma_start3A] : memref<10112x16xf32, #tpu.memory_space<vmem_shared>> -> memref<632x16xf32, #tpu.memory_space<vmem_shared>>
      tpu.enqueue_dma source(%arg4 : memref<632x16xf32, #tpu.memory_space<hbm>>) target(%dma_start3A_15 : memref<632x16xf32, #tpu.memory_space<vmem_shared>>) target_semaphore(%run_scoped3A : memref<!tpu.dma_semaphore, #tpu.memory_space<semaphore_mem>>)
      %dma_wait3A = arith.constant 0 : i32
      %dma_wait3A_16 = tpu.memref_slice %arg9[%mul3A_2, %dma_wait3A] : memref<10112x16xf32, #tpu.memory_space<vmem_shared>> -> memref<632x16xf32, #tpu.memory_space<vmem_shared>>
      tpu.wait_dma2 semaphore(%run_scoped3A : memref<!tpu.dma_semaphore, #tpu.memory_space<semaphore_mem>>) src(%arg4 : memref<632x16xf32, #tpu.memory_space<hbm>>) dst(%dma_wait3A_16 : memref<632x16xf32, #tpu.memory_space<vmem_shared>>)
      tpu.yield
    }) : () -> ()
    "tpu.region"() ({
      %run_scoped3A = tpu.sem_alloc : memref<!tpu.dma_semaphore, #tpu.memory_space<semaphore_mem>>
      tpu.enqueue_dma source(%arg3 : memref<512x16xf32, #tpu.memory_space<hbm>>) target(%arg8 : memref<512x16xf32, #tpu.memory_space<vmem>>) target_semaphore(%run_scoped3A : memref<!tpu.dma_semaphore, #tpu.memory_space<semaphore_mem>>)
      tpu.wait_dma2 semaphore(%run_scoped3A : memref<!tpu.dma_semaphore, #tpu.memory_space<semaphore_mem>>) src(%arg3 : memref<512x16xf32, #tpu.memory_space<hbm>>) dst(%arg8 : memref<512x16xf32, #tpu.memory_space<vmem>>)
      tpu.yield
    }) : () -> ()
    %barrier3A = arith.constant 0 : index
    tpu.barrier barrier_id(%barrier3A)
    %mul3A_3 = arith.constant 512 : i32
    %mul3A_4 = arith.muli %add3A, %mul3A_3 : i32
    %scan3A = arith.constant 0 : i32
    %scan3A_5 = arith.constant 0 : i32
    %scan3A_6 = arith.constant 10 : i32
    %scan3A_7 = arith.addi %scan3A_5, %scan3A_6 : i32
    %scan3A_8 = arith.constant 1 : i32
    scf.for %scan3A_15 = %scan3A_5 to %scan3A_7 step %scan3A_8  : i32 {
      %mul3A_16 = arith.constant 32768 : i32
      %mul3A_17 = arith.muli %scan3A_15, %mul3A_16 : i32
      %add3A_18 = arith.addi %mul3A_4, %mul3A_17 : i32
      %multiple_of3A = tpu.assume_multiple %add3A_18, 512 : i32
      %add3A_19 = arith.constant 0 : i32
      %add3A_20 = arith.addi %multiple_of3A, %add3A_19 : i32
      %dma_start3A = tpu.memref_slice %arg2[%add3A_20] : memref<327680xi32, #tpu.memory_space<hbm>> -> memref<512xi32, #tpu.memory_space<hbm>>
      %dma_start3A_21 = tpu.memref_slice %arg2[%add3A_20] : memref<327680xi32, #tpu.memory_space<hbm>> -> memref<512xi32, #tpu.memory_space<hbm>>
      tpu.enqueue_dma source(%dma_start3A_21 : memref<512xi32, #tpu.memory_space<hbm>>) target(%arg6 : memref<512xi32, #tpu.memory_space<vmem>>) target_semaphore(%arg10 : memref<!tpu.dma_semaphore, #tpu.memory_space<semaphore_mem>>)
      %add3A_22 = arith.constant 16384 : i32
      %add3A_23 = arith.addi %multiple_of3A, %add3A_22 : i32
      %dma_start3A_24 = tpu.memref_slice %arg2[%add3A_23] : memref<327680xi32, #tpu.memory_space<hbm>> -> memref<512xi32, #tpu.memory_space<hbm>>
      %dma_start3A_25 = tpu.memref_slice %arg2[%add3A_23] : memref<327680xi32, #tpu.memory_space<hbm>> -> memref<512xi32, #tpu.memory_space<hbm>>
      tpu.enqueue_dma source(%dma_start3A_25 : memref<512xi32, #tpu.memory_space<hbm>>) target(%arg7 : memref<512xi32, #tpu.memory_space<vmem>>) target_semaphore(%arg10 : memref<!tpu.dma_semaphore, #tpu.memory_space<semaphore_mem>>)
      %dma_wait3A = tpu.memref_slice %arg2[%add3A_20] : memref<327680xi32, #tpu.memory_space<hbm>> -> memref<512xi32, #tpu.memory_space<hbm>>
      %dma_wait3A_26 = tpu.memref_slice %arg2[%add3A_20] : memref<327680xi32, #tpu.memory_space<hbm>> -> memref<512xi32, #tpu.memory_space<hbm>>
      tpu.wait_dma2 semaphore(%arg10 : memref<!tpu.dma_semaphore, #tpu.memory_space<semaphore_mem>>) src(%dma_wait3A_26 : memref<512xi32, #tpu.memory_space<hbm>>) dst(%arg6 : memref<512xi32, #tpu.memory_space<vmem>>)
      %dma_wait3A_27 = tpu.memref_slice %arg2[%add3A_23] : memref<327680xi32, #tpu.memory_space<hbm>> -> memref<512xi32, #tpu.memory_space<hbm>>
      %dma_wait3A_28 = tpu.memref_slice %arg2[%add3A_23] : memref<327680xi32, #tpu.memory_space<hbm>> -> memref<512xi32, #tpu.memory_space<hbm>>
      tpu.wait_dma2 semaphore(%arg10 : memref<!tpu.dma_semaphore, #tpu.memory_space<semaphore_mem>>) src(%dma_wait3A_28 : memref<512xi32, #tpu.memory_space<hbm>>) dst(%arg7 : memref<512xi32, #tpu.memory_space<vmem>>)
      %dma_start3A_29 = arith.constant 0 : i32
      %dma_start3A_30 = arith.constant 0 : i32
      %dma_start3A_31 = tpu.memref_slice %arg9[%dma_start3A_29, %dma_start3A_30] : memref<10112x16xf32, #tpu.memory_space<vmem_shared>> -> memref<10112x16xf32, #tpu.memory_space<vmem_shared>>
      tpu.enqueue_indirect_dma source(%arg8 : memref<512x16xf32, #tpu.memory_space<vmem>>) target(%dma_start3A_31 : memref<10112x16xf32, #tpu.memory_space<vmem_shared>>) offsets(%arg6 : memref<512xi32, #tpu.memory_space<vmem>>) semaphore(%arg11 : memref<!tpu.dma_semaphore, #tpu.memory_space<semaphore_mem>>) {add = true}
      %dma_start3A_32 = arith.constant 0 : i32
      %dma_start3A_33 = arith.constant 0 : i32
      %dma_start3A_34 = tpu.memref_slice %arg9[%dma_start3A_32, %dma_start3A_33] : memref<10112x16xf32, #tpu.memory_space<vmem_shared>> -> memref<10112x16xf32, #tpu.memory_space<vmem_shared>>
      tpu.enqueue_indirect_dma source(%arg8 : memref<512x16xf32, #tpu.memory_space<vmem>>) target(%dma_start3A_34 : memref<10112x16xf32, #tpu.memory_space<vmem_shared>>) offsets(%arg7 : memref<512xi32, #tpu.memory_space<vmem>>) semaphore(%arg11 : memref<!tpu.dma_semaphore, #tpu.memory_space<semaphore_mem>>) {add = true}
      %dma_wait3A_35 = arith.constant 0 : i32
      %dma_wait3A_36 = arith.constant 0 : i32
      %dma_wait3A_37 = tpu.memref_slice %arg9[%dma_wait3A_35, %dma_wait3A_36] : memref<10112x16xf32, #tpu.memory_space<vmem_shared>> -> memref<10112x16xf32, #tpu.memory_space<vmem_shared>>
      tpu.wait_indirect_dma semaphore(%arg11 : memref<!tpu.dma_semaphore, #tpu.memory_space<semaphore_mem>>) src(%arg8 : memref<512x16xf32, #tpu.memory_space<vmem>>) dst(%dma_wait3A_37 : memref<10112x16xf32, #tpu.memory_space<vmem_shared>>)
      %dma_wait3A_38 = arith.constant 0 : i32
      %dma_wait3A_39 = arith.constant 0 : i32
      %dma_wait3A_40 = tpu.memref_slice %arg9[%dma_wait3A_38, %dma_wait3A_39] : memref<10112x16xf32, #tpu.memory_space<vmem_shared>> -> memref<10112x16xf32, #tpu.memory_space<vmem_shared>>
      tpu.wait_indirect_dma semaphore(%arg11 : memref<!tpu.dma_semaphore, #tpu.memory_space<semaphore_mem>>) src(%arg8 : memref<512x16xf32, #tpu.memory_space<vmem>>) dst(%dma_wait3A_40 : memref<10112x16xf32, #tpu.memory_space<vmem_shared>>)
    }
    %scan3A_9 = arith.constant 10 : i32
    %barrier3A_10 = arith.constant 0 : index
    tpu.barrier barrier_id(%barrier3A_10)
    %mul3A_11 = arith.constant 632 : i32
    %mul3A_12 = arith.muli %arg1, %mul3A_11 : i32
    %mul3A_13 = arith.constant 632 : i32
    %mul3A_14 = arith.muli %arg1, %mul3A_13 : i32
    "tpu.region"() ({
      %run_scoped3A = tpu.sem_alloc : memref<!tpu.dma_semaphore, #tpu.memory_space<semaphore_mem>>
      %dma_start3A = arith.constant 0 : i32
      %dma_start3A_15 = tpu.memref_slice %arg5[%arg0, %mul3A_14, %dma_start3A] : memref<2x10112x16xf32, #tpu.memory_space<hbm>> -> memref<1x632x16xf32, #tpu.memory_space<hbm>>
      %dma_start3A_16 = tpu.memref_squeeze %dma_start3A_15 : memref<1x632x16xf32, #tpu.memory_space<hbm>> -> memref<632x16xf32, #tpu.memory_space<hbm>>
      %dma_start3A_17 = arith.constant 0 : i32
      %dma_start3A_18 = tpu.memref_slice %arg9[%mul3A_12, %dma_start3A_17] : memref<10112x16xf32, #tpu.memory_space<vmem_shared>> -> memref<632x16xf32, #tpu.memory_space<vmem_shared>>
      tpu.enqueue_dma source(%dma_start3A_18 : memref<632x16xf32, #tpu.memory_space<vmem_shared>>) target(%dma_start3A_16 : memref<632x16xf32, #tpu.memory_space<hbm>>) target_semaphore(%run_scoped3A : memref<!tpu.dma_semaphore, #tpu.memory_space<semaphore_mem>>)
      %dma_wait3A = arith.constant 0 : i32
      %dma_wait3A_19 = tpu.memref_slice %arg5[%arg0, %mul3A_14, %dma_wait3A] : memref<2x10112x16xf32, #tpu.memory_space<hbm>> -> memref<1x632x16xf32, #tpu.memory_space<hbm>>
      %dma_wait3A_20 = tpu.memref_squeeze %dma_wait3A_19 : memref<1x632x16xf32, #tpu.memory_space<hbm>> -> memref<632x16xf32, #tpu.memory_space<hbm>>
      %dma_wait3A_21 = arith.constant 0 : i32
      %dma_wait3A_22 = tpu.memref_slice %arg9[%mul3A_12, %dma_wait3A_21] : memref<10112x16xf32, #tpu.memory_space<vmem_shared>> -> memref<632x16xf32, #tpu.memory_space<vmem_shared>>
      tpu.wait_dma2 semaphore(%run_scoped3A : memref<!tpu.dma_semaphore, #tpu.memory_space<semaphore_mem>>) src(%dma_wait3A_22 : memref<632x16xf32, #tpu.memory_space<vmem_shared>>) dst(%dma_wait3A_20 : memref<632x16xf32, #tpu.memory_space<hbm>>)
      tpu.yield
    }) : () -> ()
    return
  }
}

#map = affine_map<(d0, d1) -> (0, 0)>
#map1 = affine_map<(d0, d1) -> (0)>
#map2 = affine_map<(d0, d1) -> (0, 0, 0)>
module attributes {stable_mosaic.version = 14 : i64} {
  func.func @k(%arg0: i32, %arg1: i32, %arg2: memref<10000x64xf32, #tpu.memory_space<hbm>>, %arg3: memref<327680xi32, #tpu.memory_space<hbm>>, %arg4: memref<327680xi32, #tpu.memory_space<hbm>>, %arg5: memref<632x64xf32, #tpu.memory_space<hbm>>, %arg6: memref<2x10112x64xf32, #tpu.memory_space<hbm>>, %arg7: memref<512xi32, #tpu.memory_space<vmem>>, %arg8: memref<512xi32, #tpu.memory_space<vmem>>, %arg9: memref<512xi32, #tpu.memory_space<vmem>>, %arg10: memref<512xi32, #tpu.memory_space<vmem>>, %arg11: memref<2x512x64xf32, #tpu.memory_space<vmem>>, %arg12: memref<10112x64xf32, #tpu.memory_space<vmem_shared>>, %arg13: memref<!tpu.dma_semaphore, #tpu.memory_space<semaphore_mem>>, %arg14: memref<!tpu.dma_semaphore, #tpu.memory_space<semaphore_mem>>) attributes {dimension_semantics = [#tpu.dimension_semantics<core_parallel>, #tpu.dimension_semantics<subcore_parallel>], iteration_bounds = array<i64: 2, 16>, scalar_prefetch = 0 : i64, scratch_operands = 8 : i64, tpu.core_type = #tpu.core_type<sc_vector_subcore>, window_params = [{transform_indices = #map}, {transform_indices = #map1}, {transform_indices = #map1}, {transform_indices = #map}, {transform_indices = #map2}]} {
    %mul3A = arith.constant 2 : i32
    %mul3A_0 = arith.muli %arg1, %mul3A : i32
    %add3A = arith.addi %mul3A_0, %arg0 : i32
    %mul3A_1 = arith.constant 632 : i32
    %mul3A_2 = arith.muli %arg1, %mul3A_1 : i32
    "tpu.region"() ({
      %run_scoped3A = tpu.sem_alloc : memref<!tpu.dma_semaphore, #tpu.memory_space<semaphore_mem>>
      %dma_start3A = arith.constant 0 : i32
      %dma_start3A_15 = tpu.memref_slice %arg12[%mul3A_2, %dma_start3A] : memref<10112x64xf32, #tpu.memory_space<vmem_shared>> -> memref<632x64xf32, #tpu.memory_space<vmem_shared>>
      tpu.enqueue_dma source(%arg5 : memref<632x64xf32, #tpu.memory_space<hbm>>) target(%dma_start3A_15 : memref<632x64xf32, #tpu.memory_space<vmem_shared>>) target_semaphore(%run_scoped3A : memref<!tpu.dma_semaphore, #tpu.memory_space<semaphore_mem>>)
      %dma_wait3A = arith.constant 0 : i32
      %dma_wait3A_16 = tpu.memref_slice %arg12[%mul3A_2, %dma_wait3A] : memref<10112x64xf32, #tpu.memory_space<vmem_shared>> -> memref<632x64xf32, #tpu.memory_space<vmem_shared>>
      tpu.wait_dma2 semaphore(%run_scoped3A : memref<!tpu.dma_semaphore, #tpu.memory_space<semaphore_mem>>) src(%arg5 : memref<632x64xf32, #tpu.memory_space<hbm>>) dst(%dma_wait3A_16 : memref<632x64xf32, #tpu.memory_space<vmem_shared>>)
      tpu.yield
    }) : () -> ()
    %barrier3A = arith.constant 0 : index
    tpu.barrier barrier_id(%barrier3A)
    %mul3A_3 = arith.constant 512 : i32
    %mul3A_4 = arith.muli %add3A, %mul3A_3 : i32
    %scan3A = arith.constant 0 : i32
    %scan3A_5 = arith.constant 0 : i32
    %scan3A_6 = arith.constant 10 : i32
    %scan3A_7 = arith.addi %scan3A_5, %scan3A_6 : i32
    %scan3A_8 = arith.constant 1 : i32
    scf.for %scan3A_15 = %scan3A_5 to %scan3A_7 step %scan3A_8  : i32 {
      %mul3A_16 = arith.constant 32768 : i32
      %mul3A_17 = arith.muli %scan3A_15, %mul3A_16 : i32
      %add3A_18 = arith.addi %mul3A_4, %mul3A_17 : i32
      %multiple_of3A = tpu.assume_multiple %add3A_18, 512 : i32
      %add3A_19 = arith.constant 0 : i32
      %add3A_20 = arith.addi %multiple_of3A, %add3A_19 : i32
      %dma_start3A = tpu.memref_slice %arg3[%add3A_20] : memref<327680xi32, #tpu.memory_space<hbm>> -> memref<512xi32, #tpu.memory_space<hbm>>
      %dma_start3A_21 = tpu.memref_slice %arg3[%add3A_20] : memref<327680xi32, #tpu.memory_space<hbm>> -> memref<512xi32, #tpu.memory_space<hbm>>
      tpu.enqueue_dma source(%dma_start3A_21 : memref<512xi32, #tpu.memory_space<hbm>>) target(%arg7 : memref<512xi32, #tpu.memory_space<vmem>>) target_semaphore(%arg13 : memref<!tpu.dma_semaphore, #tpu.memory_space<semaphore_mem>>)
      %add3A_22 = arith.constant 16384 : i32
      %add3A_23 = arith.addi %multiple_of3A, %add3A_22 : i32
      %dma_start3A_24 = tpu.memref_slice %arg3[%add3A_23] : memref<327680xi32, #tpu.memory_space<hbm>> -> memref<512xi32, #tpu.memory_space<hbm>>
      %dma_start3A_25 = tpu.memref_slice %arg3[%add3A_23] : memref<327680xi32, #tpu.memory_space<hbm>> -> memref<512xi32, #tpu.memory_space<hbm>>
      tpu.enqueue_dma source(%dma_start3A_25 : memref<512xi32, #tpu.memory_space<hbm>>) target(%arg8 : memref<512xi32, #tpu.memory_space<vmem>>) target_semaphore(%arg13 : memref<!tpu.dma_semaphore, #tpu.memory_space<semaphore_mem>>)
      %add3A_26 = arith.constant 0 : i32
      %add3A_27 = arith.addi %multiple_of3A, %add3A_26 : i32
      %dma_start3A_28 = tpu.memref_slice %arg4[%add3A_27] : memref<327680xi32, #tpu.memory_space<hbm>> -> memref<512xi32, #tpu.memory_space<hbm>>
      %dma_start3A_29 = tpu.memref_slice %arg4[%add3A_27] : memref<327680xi32, #tpu.memory_space<hbm>> -> memref<512xi32, #tpu.memory_space<hbm>>
      tpu.enqueue_dma source(%dma_start3A_29 : memref<512xi32, #tpu.memory_space<hbm>>) target(%arg9 : memref<512xi32, #tpu.memory_space<vmem>>) target_semaphore(%arg13 : memref<!tpu.dma_semaphore, #tpu.memory_space<semaphore_mem>>)
      %add3A_30 = arith.constant 16384 : i32
      %add3A_31 = arith.addi %multiple_of3A, %add3A_30 : i32
      %dma_start3A_32 = tpu.memref_slice %arg4[%add3A_31] : memref<327680xi32, #tpu.memory_space<hbm>> -> memref<512xi32, #tpu.memory_space<hbm>>
      %dma_start3A_33 = tpu.memref_slice %arg4[%add3A_31] : memref<327680xi32, #tpu.memory_space<hbm>> -> memref<512xi32, #tpu.memory_space<hbm>>
      tpu.enqueue_dma source(%dma_start3A_33 : memref<512xi32, #tpu.memory_space<hbm>>) target(%arg10 : memref<512xi32, #tpu.memory_space<vmem>>) target_semaphore(%arg13 : memref<!tpu.dma_semaphore, #tpu.memory_space<semaphore_mem>>)
      %dma_wait3A = tpu.memref_slice %arg3[%add3A_20] : memref<327680xi32, #tpu.memory_space<hbm>> -> memref<512xi32, #tpu.memory_space<hbm>>
      %dma_wait3A_34 = tpu.memref_slice %arg3[%add3A_20] : memref<327680xi32, #tpu.memory_space<hbm>> -> memref<512xi32, #tpu.memory_space<hbm>>
      tpu.wait_dma2 semaphore(%arg13 : memref<!tpu.dma_semaphore, #tpu.memory_space<semaphore_mem>>) src(%dma_wait3A_34 : memref<512xi32, #tpu.memory_space<hbm>>) dst(%arg7 : memref<512xi32, #tpu.memory_space<vmem>>)
      %dma_wait3A_35 = tpu.memref_slice %arg3[%add3A_23] : memref<327680xi32, #tpu.memory_space<hbm>> -> memref<512xi32, #tpu.memory_space<hbm>>
      %dma_wait3A_36 = tpu.memref_slice %arg3[%add3A_23] : memref<327680xi32, #tpu.memory_space<hbm>> -> memref<512xi32, #tpu.memory_space<hbm>>
      tpu.wait_dma2 semaphore(%arg13 : memref<!tpu.dma_semaphore, #tpu.memory_space<semaphore_mem>>) src(%dma_wait3A_36 : memref<512xi32, #tpu.memory_space<hbm>>) dst(%arg8 : memref<512xi32, #tpu.memory_space<vmem>>)
      %dma_wait3A_37 = tpu.memref_slice %arg4[%add3A_27] : memref<327680xi32, #tpu.memory_space<hbm>> -> memref<512xi32, #tpu.memory_space<hbm>>
      %dma_wait3A_38 = tpu.memref_slice %arg4[%add3A_27] : memref<327680xi32, #tpu.memory_space<hbm>> -> memref<512xi32, #tpu.memory_space<hbm>>
      tpu.wait_dma2 semaphore(%arg13 : memref<!tpu.dma_semaphore, #tpu.memory_space<semaphore_mem>>) src(%dma_wait3A_38 : memref<512xi32, #tpu.memory_space<hbm>>) dst(%arg9 : memref<512xi32, #tpu.memory_space<vmem>>)
      %dma_wait3A_39 = tpu.memref_slice %arg4[%add3A_31] : memref<327680xi32, #tpu.memory_space<hbm>> -> memref<512xi32, #tpu.memory_space<hbm>>
      %dma_wait3A_40 = tpu.memref_slice %arg4[%add3A_31] : memref<327680xi32, #tpu.memory_space<hbm>> -> memref<512xi32, #tpu.memory_space<hbm>>
      tpu.wait_dma2 semaphore(%arg13 : memref<!tpu.dma_semaphore, #tpu.memory_space<semaphore_mem>>) src(%dma_wait3A_40 : memref<512xi32, #tpu.memory_space<hbm>>) dst(%arg10 : memref<512xi32, #tpu.memory_space<vmem>>)
      %dma_start3A_41 = arith.constant 0 : i32
      %dma_start3A_42 = arith.constant 0 : i32
      %dma_start3A_43 = arith.constant 0 : i32
      %dma_start3A_44 = tpu.memref_slice %arg11[%dma_start3A_41, %dma_start3A_42, %dma_start3A_43] : memref<2x512x64xf32, #tpu.memory_space<vmem>> -> memref<1x512x64xf32, #tpu.memory_space<vmem>>
      %dma_start3A_45 = tpu.memref_squeeze %dma_start3A_44 : memref<1x512x64xf32, #tpu.memory_space<vmem>> -> memref<512x64xf32, #tpu.memory_space<vmem>>
      %dma_start3A_46 = arith.constant 0 : i32
      %dma_start3A_47 = arith.constant 0 : i32
      %dma_start3A_48 = tpu.memref_slice %arg2[%dma_start3A_46, %dma_start3A_47] : memref<10000x64xf32, #tpu.memory_space<hbm>> -> memref<10000x64xf32, #tpu.memory_space<hbm>>
      tpu.enqueue_indirect_dma source(%dma_start3A_48 : memref<10000x64xf32, #tpu.memory_space<hbm>>) target(%dma_start3A_45 : memref<512x64xf32, #tpu.memory_space<vmem>>) offsets(%arg7 : memref<512xi32, #tpu.memory_space<vmem>>) semaphore(%arg13 : memref<!tpu.dma_semaphore, #tpu.memory_space<semaphore_mem>>)
      %dma_start3A_49 = arith.constant 1 : i32
      %dma_start3A_50 = arith.constant 0 : i32
      %dma_start3A_51 = arith.constant 0 : i32
      %dma_start3A_52 = tpu.memref_slice %arg11[%dma_start3A_49, %dma_start3A_50, %dma_start3A_51] : memref<2x512x64xf32, #tpu.memory_space<vmem>> -> memref<1x512x64xf32, #tpu.memory_space<vmem>>
      %dma_start3A_53 = tpu.memref_squeeze %dma_start3A_52 : memref<1x512x64xf32, #tpu.memory_space<vmem>> -> memref<512x64xf32, #tpu.memory_space<vmem>>
      %dma_start3A_54 = arith.constant 0 : i32
      %dma_start3A_55 = arith.constant 0 : i32
      %dma_start3A_56 = tpu.memref_slice %arg2[%dma_start3A_54, %dma_start3A_55] : memref<10000x64xf32, #tpu.memory_space<hbm>> -> memref<10000x64xf32, #tpu.memory_space<hbm>>
      tpu.enqueue_indirect_dma source(%dma_start3A_56 : memref<10000x64xf32, #tpu.memory_space<hbm>>) target(%dma_start3A_53 : memref<512x64xf32, #tpu.memory_space<vmem>>) offsets(%arg8 : memref<512xi32, #tpu.memory_space<vmem>>) semaphore(%arg13 : memref<!tpu.dma_semaphore, #tpu.memory_space<semaphore_mem>>)
      %dma_wait3A_57 = arith.constant 0 : i32
      %dma_wait3A_58 = arith.constant 0 : i32
      %dma_wait3A_59 = arith.constant 0 : i32
      %dma_wait3A_60 = tpu.memref_slice %arg11[%dma_wait3A_57, %dma_wait3A_58, %dma_wait3A_59] : memref<2x512x64xf32, #tpu.memory_space<vmem>> -> memref<1x512x64xf32, #tpu.memory_space<vmem>>
      %dma_wait3A_61 = tpu.memref_squeeze %dma_wait3A_60 : memref<1x512x64xf32, #tpu.memory_space<vmem>> -> memref<512x64xf32, #tpu.memory_space<vmem>>
      %dma_wait3A_62 = arith.constant 0 : i32
      %dma_wait3A_63 = arith.constant 0 : i32
      %dma_wait3A_64 = tpu.memref_slice %arg2[%dma_wait3A_62, %dma_wait3A_63] : memref<10000x64xf32, #tpu.memory_space<hbm>> -> memref<10000x64xf32, #tpu.memory_space<hbm>>
      tpu.wait_indirect_dma semaphore(%arg13 : memref<!tpu.dma_semaphore, #tpu.memory_space<semaphore_mem>>) src(%dma_wait3A_64 : memref<10000x64xf32, #tpu.memory_space<hbm>>) dst(%dma_wait3A_61 : memref<512x64xf32, #tpu.memory_space<vmem>>)
      %dma_wait3A_65 = arith.constant 1 : i32
      %dma_wait3A_66 = arith.constant 0 : i32
      %dma_wait3A_67 = arith.constant 0 : i32
      %dma_wait3A_68 = tpu.memref_slice %arg11[%dma_wait3A_65, %dma_wait3A_66, %dma_wait3A_67] : memref<2x512x64xf32, #tpu.memory_space<vmem>> -> memref<1x512x64xf32, #tpu.memory_space<vmem>>
      %dma_wait3A_69 = tpu.memref_squeeze %dma_wait3A_68 : memref<1x512x64xf32, #tpu.memory_space<vmem>> -> memref<512x64xf32, #tpu.memory_space<vmem>>
      %dma_wait3A_70 = arith.constant 0 : i32
      %dma_wait3A_71 = arith.constant 0 : i32
      %dma_wait3A_72 = tpu.memref_slice %arg2[%dma_wait3A_70, %dma_wait3A_71] : memref<10000x64xf32, #tpu.memory_space<hbm>> -> memref<10000x64xf32, #tpu.memory_space<hbm>>
      tpu.wait_indirect_dma semaphore(%arg13 : memref<!tpu.dma_semaphore, #tpu.memory_space<semaphore_mem>>) src(%dma_wait3A_72 : memref<10000x64xf32, #tpu.memory_space<hbm>>) dst(%dma_wait3A_69 : memref<512x64xf32, #tpu.memory_space<vmem>>)
      %dma_start3A_73 = arith.constant 0 : i32
      %dma_start3A_74 = arith.constant 0 : i32
      %dma_start3A_75 = arith.constant 0 : i32
      %dma_start3A_76 = tpu.memref_slice %arg11[%dma_start3A_73, %dma_start3A_74, %dma_start3A_75] : memref<2x512x64xf32, #tpu.memory_space<vmem>> -> memref<1x512x64xf32, #tpu.memory_space<vmem>>
      %dma_start3A_77 = tpu.memref_squeeze %dma_start3A_76 : memref<1x512x64xf32, #tpu.memory_space<vmem>> -> memref<512x64xf32, #tpu.memory_space<vmem>>
      %dma_start3A_78 = arith.constant 0 : i32
      %dma_start3A_79 = arith.constant 0 : i32
      %dma_start3A_80 = tpu.memref_slice %arg12[%dma_start3A_78, %dma_start3A_79] : memref<10112x64xf32, #tpu.memory_space<vmem_shared>> -> memref<10112x64xf32, #tpu.memory_space<vmem_shared>>
      tpu.enqueue_indirect_dma source(%dma_start3A_77 : memref<512x64xf32, #tpu.memory_space<vmem>>) target(%dma_start3A_80 : memref<10112x64xf32, #tpu.memory_space<vmem_shared>>) offsets(%arg9 : memref<512xi32, #tpu.memory_space<vmem>>) semaphore(%arg14 : memref<!tpu.dma_semaphore, #tpu.memory_space<semaphore_mem>>) {add = true}
      %dma_start3A_81 = arith.constant 1 : i32
      %dma_start3A_82 = arith.constant 0 : i32
      %dma_start3A_83 = arith.constant 0 : i32
      %dma_start3A_84 = tpu.memref_slice %arg11[%dma_start3A_81, %dma_start3A_82, %dma_start3A_83] : memref<2x512x64xf32, #tpu.memory_space<vmem>> -> memref<1x512x64xf32, #tpu.memory_space<vmem>>
      %dma_start3A_85 = tpu.memref_squeeze %dma_start3A_84 : memref<1x512x64xf32, #tpu.memory_space<vmem>> -> memref<512x64xf32, #tpu.memory_space<vmem>>
      %dma_start3A_86 = arith.constant 0 : i32
      %dma_start3A_87 = arith.constant 0 : i32
      %dma_start3A_88 = tpu.memref_slice %arg12[%dma_start3A_86, %dma_start3A_87] : memref<10112x64xf32, #tpu.memory_space<vmem_shared>> -> memref<10112x64xf32, #tpu.memory_space<vmem_shared>>
      tpu.enqueue_indirect_dma source(%dma_start3A_85 : memref<512x64xf32, #tpu.memory_space<vmem>>) target(%dma_start3A_88 : memref<10112x64xf32, #tpu.memory_space<vmem_shared>>) offsets(%arg10 : memref<512xi32, #tpu.memory_space<vmem>>) semaphore(%arg14 : memref<!tpu.dma_semaphore, #tpu.memory_space<semaphore_mem>>) {add = true}
      %dma_wait3A_89 = arith.constant 0 : i32
      %dma_wait3A_90 = arith.constant 0 : i32
      %dma_wait3A_91 = arith.constant 0 : i32
      %dma_wait3A_92 = tpu.memref_slice %arg11[%dma_wait3A_89, %dma_wait3A_90, %dma_wait3A_91] : memref<2x512x64xf32, #tpu.memory_space<vmem>> -> memref<1x512x64xf32, #tpu.memory_space<vmem>>
      %dma_wait3A_93 = tpu.memref_squeeze %dma_wait3A_92 : memref<1x512x64xf32, #tpu.memory_space<vmem>> -> memref<512x64xf32, #tpu.memory_space<vmem>>
      %dma_wait3A_94 = arith.constant 0 : i32
      %dma_wait3A_95 = arith.constant 0 : i32
      %dma_wait3A_96 = tpu.memref_slice %arg12[%dma_wait3A_94, %dma_wait3A_95] : memref<10112x64xf32, #tpu.memory_space<vmem_shared>> -> memref<10112x64xf32, #tpu.memory_space<vmem_shared>>
      tpu.wait_indirect_dma semaphore(%arg14 : memref<!tpu.dma_semaphore, #tpu.memory_space<semaphore_mem>>) src(%dma_wait3A_93 : memref<512x64xf32, #tpu.memory_space<vmem>>) dst(%dma_wait3A_96 : memref<10112x64xf32, #tpu.memory_space<vmem_shared>>)
      %dma_wait3A_97 = arith.constant 1 : i32
      %dma_wait3A_98 = arith.constant 0 : i32
      %dma_wait3A_99 = arith.constant 0 : i32
      %dma_wait3A_100 = tpu.memref_slice %arg11[%dma_wait3A_97, %dma_wait3A_98, %dma_wait3A_99] : memref<2x512x64xf32, #tpu.memory_space<vmem>> -> memref<1x512x64xf32, #tpu.memory_space<vmem>>
      %dma_wait3A_101 = tpu.memref_squeeze %dma_wait3A_100 : memref<1x512x64xf32, #tpu.memory_space<vmem>> -> memref<512x64xf32, #tpu.memory_space<vmem>>
      %dma_wait3A_102 = arith.constant 0 : i32
      %dma_wait3A_103 = arith.constant 0 : i32
      %dma_wait3A_104 = tpu.memref_slice %arg12[%dma_wait3A_102, %dma_wait3A_103] : memref<10112x64xf32, #tpu.memory_space<vmem_shared>> -> memref<10112x64xf32, #tpu.memory_space<vmem_shared>>
      tpu.wait_indirect_dma semaphore(%arg14 : memref<!tpu.dma_semaphore, #tpu.memory_space<semaphore_mem>>) src(%dma_wait3A_101 : memref<512x64xf32, #tpu.memory_space<vmem>>) dst(%dma_wait3A_104 : memref<10112x64xf32, #tpu.memory_space<vmem_shared>>)
    }
    %scan3A_9 = arith.constant 10 : i32
    %barrier3A_10 = arith.constant 0 : index
    tpu.barrier barrier_id(%barrier3A_10)
    %mul3A_11 = arith.constant 632 : i32
    %mul3A_12 = arith.muli %arg1, %mul3A_11 : i32
    %mul3A_13 = arith.constant 632 : i32
    %mul3A_14 = arith.muli %arg1, %mul3A_13 : i32
    "tpu.region"() ({
      %run_scoped3A = tpu.sem_alloc : memref<!tpu.dma_semaphore, #tpu.memory_space<semaphore_mem>>
      %dma_start3A = arith.constant 0 : i32
      %dma_start3A_15 = tpu.memref_slice %arg6[%arg0, %mul3A_14, %dma_start3A] : memref<2x10112x64xf32, #tpu.memory_space<hbm>> -> memref<1x632x64xf32, #tpu.memory_space<hbm>>
      %dma_start3A_16 = tpu.memref_squeeze %dma_start3A_15 : memref<1x632x64xf32, #tpu.memory_space<hbm>> -> memref<632x64xf32, #tpu.memory_space<hbm>>
      %dma_start3A_17 = arith.constant 0 : i32
      %dma_start3A_18 = tpu.memref_slice %arg12[%mul3A_12, %dma_start3A_17] : memref<10112x64xf32, #tpu.memory_space<vmem_shared>> -> memref<632x64xf32, #tpu.memory_space<vmem_shared>>
      tpu.enqueue_dma source(%dma_start3A_18 : memref<632x64xf32, #tpu.memory_space<vmem_shared>>) target(%dma_start3A_16 : memref<632x64xf32, #tpu.memory_space<hbm>>) target_semaphore(%run_scoped3A : memref<!tpu.dma_semaphore, #tpu.memory_space<semaphore_mem>>)
      %dma_wait3A = arith.constant 0 : i32
      %dma_wait3A_19 = tpu.memref_slice %arg6[%arg0, %mul3A_14, %dma_wait3A] : memref<2x10112x64xf32, #tpu.memory_space<hbm>> -> memref<1x632x64xf32, #tpu.memory_space<hbm>>
      %dma_wait3A_20 = tpu.memref_squeeze %dma_wait3A_19 : memref<1x632x64xf32, #tpu.memory_space<hbm>> -> memref<632x64xf32, #tpu.memory_space<hbm>>
      %dma_wait3A_21 = arith.constant 0 : i32
      %dma_wait3A_22 = tpu.memref_slice %arg12[%mul3A_12, %dma_wait3A_21] : memref<10112x64xf32, #tpu.memory_space<vmem_shared>> -> memref<632x64xf32, #tpu.memory_space<vmem_shared>>
      tpu.wait_dma2 semaphore(%run_scoped3A : memref<!tpu.dma_semaphore, #tpu.memory_space<semaphore_mem>>) src(%dma_wait3A_22 : memref<632x64xf32, #tpu.memory_space<vmem_shared>>) dst(%dma_wait3A_20 : memref<632x64xf32, #tpu.memory_space<hbm>>)
      tpu.yield
    }) : () -> ()
    return
  }
}

#map = affine_map<(d0, d1) -> (0, 0)>
#map1 = affine_map<(d0, d1) -> (0)>
#map2 = affine_map<(d0, d1) -> (0, 0, 0)>
module attributes {stable_mosaic.version = 14 : i64} {
  func.func @k(%arg0: i32, %arg1: i32, %arg2: memref<10000x16xf32, #tpu.memory_space<hbm>>, %arg3: memref<327680xi32, #tpu.memory_space<hbm>>, %arg4: memref<327680xi32, #tpu.memory_space<hbm>>, %arg5: memref<632x16xf32, #tpu.memory_space<hbm>>, %arg6: memref<2x10112x16xf32, #tpu.memory_space<hbm>>, %arg7: memref<512xi32, #tpu.memory_space<vmem>>, %arg8: memref<512xi32, #tpu.memory_space<vmem>>, %arg9: memref<512xi32, #tpu.memory_space<vmem>>, %arg10: memref<512xi32, #tpu.memory_space<vmem>>, %arg11: memref<2x512x16xf32, #tpu.memory_space<vmem>>, %arg12: memref<10112x16xf32, #tpu.memory_space<vmem_shared>>, %arg13: memref<!tpu.dma_semaphore, #tpu.memory_space<semaphore_mem>>, %arg14: memref<!tpu.dma_semaphore, #tpu.memory_space<semaphore_mem>>) attributes {dimension_semantics = [#tpu.dimension_semantics<core_parallel>, #tpu.dimension_semantics<subcore_parallel>], iteration_bounds = array<i64: 2, 16>, scalar_prefetch = 0 : i64, scratch_operands = 8 : i64, tpu.core_type = #tpu.core_type<sc_vector_subcore>, window_params = [{transform_indices = #map}, {transform_indices = #map1}, {transform_indices = #map1}, {transform_indices = #map}, {transform_indices = #map2}]} {
    %mul3A = arith.constant 2 : i32
    %mul3A_0 = arith.muli %arg1, %mul3A : i32
    %add3A = arith.addi %mul3A_0, %arg0 : i32
    %mul3A_1 = arith.constant 632 : i32
    %mul3A_2 = arith.muli %arg1, %mul3A_1 : i32
    "tpu.region"() ({
      %run_scoped3A = tpu.sem_alloc : memref<!tpu.dma_semaphore, #tpu.memory_space<semaphore_mem>>
      %dma_start3A = arith.constant 0 : i32
      %dma_start3A_15 = tpu.memref_slice %arg12[%mul3A_2, %dma_start3A] : memref<10112x16xf32, #tpu.memory_space<vmem_shared>> -> memref<632x16xf32, #tpu.memory_space<vmem_shared>>
      tpu.enqueue_dma source(%arg5 : memref<632x16xf32, #tpu.memory_space<hbm>>) target(%dma_start3A_15 : memref<632x16xf32, #tpu.memory_space<vmem_shared>>) target_semaphore(%run_scoped3A : memref<!tpu.dma_semaphore, #tpu.memory_space<semaphore_mem>>)
      %dma_wait3A = arith.constant 0 : i32
      %dma_wait3A_16 = tpu.memref_slice %arg12[%mul3A_2, %dma_wait3A] : memref<10112x16xf32, #tpu.memory_space<vmem_shared>> -> memref<632x16xf32, #tpu.memory_space<vmem_shared>>
      tpu.wait_dma2 semaphore(%run_scoped3A : memref<!tpu.dma_semaphore, #tpu.memory_space<semaphore_mem>>) src(%arg5 : memref<632x16xf32, #tpu.memory_space<hbm>>) dst(%dma_wait3A_16 : memref<632x16xf32, #tpu.memory_space<vmem_shared>>)
      tpu.yield
    }) : () -> ()
    %barrier3A = arith.constant 0 : index
    tpu.barrier barrier_id(%barrier3A)
    %mul3A_3 = arith.constant 512 : i32
    %mul3A_4 = arith.muli %add3A, %mul3A_3 : i32
    %scan3A = arith.constant 0 : i32
    %scan3A_5 = arith.constant 0 : i32
    %scan3A_6 = arith.constant 10 : i32
    %scan3A_7 = arith.addi %scan3A_5, %scan3A_6 : i32
    %scan3A_8 = arith.constant 1 : i32
    scf.for %scan3A_15 = %scan3A_5 to %scan3A_7 step %scan3A_8  : i32 {
      %mul3A_16 = arith.constant 32768 : i32
      %mul3A_17 = arith.muli %scan3A_15, %mul3A_16 : i32
      %add3A_18 = arith.addi %mul3A_4, %mul3A_17 : i32
      %multiple_of3A = tpu.assume_multiple %add3A_18, 512 : i32
      %add3A_19 = arith.constant 0 : i32
      %add3A_20 = arith.addi %multiple_of3A, %add3A_19 : i32
      %dma_start3A = tpu.memref_slice %arg3[%add3A_20] : memref<327680xi32, #tpu.memory_space<hbm>> -> memref<512xi32, #tpu.memory_space<hbm>>
      %dma_start3A_21 = tpu.memref_slice %arg3[%add3A_20] : memref<327680xi32, #tpu.memory_space<hbm>> -> memref<512xi32, #tpu.memory_space<hbm>>
      tpu.enqueue_dma source(%dma_start3A_21 : memref<512xi32, #tpu.memory_space<hbm>>) target(%arg7 : memref<512xi32, #tpu.memory_space<vmem>>) target_semaphore(%arg13 : memref<!tpu.dma_semaphore, #tpu.memory_space<semaphore_mem>>)
      %add3A_22 = arith.constant 16384 : i32
      %add3A_23 = arith.addi %multiple_of3A, %add3A_22 : i32
      %dma_start3A_24 = tpu.memref_slice %arg3[%add3A_23] : memref<327680xi32, #tpu.memory_space<hbm>> -> memref<512xi32, #tpu.memory_space<hbm>>
      %dma_start3A_25 = tpu.memref_slice %arg3[%add3A_23] : memref<327680xi32, #tpu.memory_space<hbm>> -> memref<512xi32, #tpu.memory_space<hbm>>
      tpu.enqueue_dma source(%dma_start3A_25 : memref<512xi32, #tpu.memory_space<hbm>>) target(%arg8 : memref<512xi32, #tpu.memory_space<vmem>>) target_semaphore(%arg13 : memref<!tpu.dma_semaphore, #tpu.memory_space<semaphore_mem>>)
      %add3A_26 = arith.constant 0 : i32
      %add3A_27 = arith.addi %multiple_of3A, %add3A_26 : i32
      %dma_start3A_28 = tpu.memref_slice %arg4[%add3A_27] : memref<327680xi32, #tpu.memory_space<hbm>> -> memref<512xi32, #tpu.memory_space<hbm>>
      %dma_start3A_29 = tpu.memref_slice %arg4[%add3A_27] : memref<327680xi32, #tpu.memory_space<hbm>> -> memref<512xi32, #tpu.memory_space<hbm>>
      tpu.enqueue_dma source(%dma_start3A_29 : memref<512xi32, #tpu.memory_space<hbm>>) target(%arg9 : memref<512xi32, #tpu.memory_space<vmem>>) target_semaphore(%arg13 : memref<!tpu.dma_semaphore, #tpu.memory_space<semaphore_mem>>)
      %add3A_30 = arith.constant 16384 : i32
      %add3A_31 = arith.addi %multiple_of3A, %add3A_30 : i32
      %dma_start3A_32 = tpu.memref_slice %arg4[%add3A_31] : memref<327680xi32, #tpu.memory_space<hbm>> -> memref<512xi32, #tpu.memory_space<hbm>>
      %dma_start3A_33 = tpu.memref_slice %arg4[%add3A_31] : memref<327680xi32, #tpu.memory_space<hbm>> -> memref<512xi32, #tpu.memory_space<hbm>>
      tpu.enqueue_dma source(%dma_start3A_33 : memref<512xi32, #tpu.memory_space<hbm>>) target(%arg10 : memref<512xi32, #tpu.memory_space<vmem>>) target_semaphore(%arg13 : memref<!tpu.dma_semaphore, #tpu.memory_space<semaphore_mem>>)
      %dma_wait3A = tpu.memref_slice %arg3[%add3A_20] : memref<327680xi32, #tpu.memory_space<hbm>> -> memref<512xi32, #tpu.memory_space<hbm>>
      %dma_wait3A_34 = tpu.memref_slice %arg3[%add3A_20] : memref<327680xi32, #tpu.memory_space<hbm>> -> memref<512xi32, #tpu.memory_space<hbm>>
      tpu.wait_dma2 semaphore(%arg13 : memref<!tpu.dma_semaphore, #tpu.memory_space<semaphore_mem>>) src(%dma_wait3A_34 : memref<512xi32, #tpu.memory_space<hbm>>) dst(%arg7 : memref<512xi32, #tpu.memory_space<vmem>>)
      %dma_wait3A_35 = tpu.memref_slice %arg3[%add3A_23] : memref<327680xi32, #tpu.memory_space<hbm>> -> memref<512xi32, #tpu.memory_space<hbm>>
      %dma_wait3A_36 = tpu.memref_slice %arg3[%add3A_23] : memref<327680xi32, #tpu.memory_space<hbm>> -> memref<512xi32, #tpu.memory_space<hbm>>
      tpu.wait_dma2 semaphore(%arg13 : memref<!tpu.dma_semaphore, #tpu.memory_space<semaphore_mem>>) src(%dma_wait3A_36 : memref<512xi32, #tpu.memory_space<hbm>>) dst(%arg8 : memref<512xi32, #tpu.memory_space<vmem>>)
      %dma_wait3A_37 = tpu.memref_slice %arg4[%add3A_27] : memref<327680xi32, #tpu.memory_space<hbm>> -> memref<512xi32, #tpu.memory_space<hbm>>
      %dma_wait3A_38 = tpu.memref_slice %arg4[%add3A_27] : memref<327680xi32, #tpu.memory_space<hbm>> -> memref<512xi32, #tpu.memory_space<hbm>>
      tpu.wait_dma2 semaphore(%arg13 : memref<!tpu.dma_semaphore, #tpu.memory_space<semaphore_mem>>) src(%dma_wait3A_38 : memref<512xi32, #tpu.memory_space<hbm>>) dst(%arg9 : memref<512xi32, #tpu.memory_space<vmem>>)
      %dma_wait3A_39 = tpu.memref_slice %arg4[%add3A_31] : memref<327680xi32, #tpu.memory_space<hbm>> -> memref<512xi32, #tpu.memory_space<hbm>>
      %dma_wait3A_40 = tpu.memref_slice %arg4[%add3A_31] : memref<327680xi32, #tpu.memory_space<hbm>> -> memref<512xi32, #tpu.memory_space<hbm>>
      tpu.wait_dma2 semaphore(%arg13 : memref<!tpu.dma_semaphore, #tpu.memory_space<semaphore_mem>>) src(%dma_wait3A_40 : memref<512xi32, #tpu.memory_space<hbm>>) dst(%arg10 : memref<512xi32, #tpu.memory_space<vmem>>)
      %dma_start3A_41 = arith.constant 0 : i32
      %dma_start3A_42 = arith.constant 0 : i32
      %dma_start3A_43 = arith.constant 0 : i32
      %dma_start3A_44 = tpu.memref_slice %arg11[%dma_start3A_41, %dma_start3A_42, %dma_start3A_43] : memref<2x512x16xf32, #tpu.memory_space<vmem>> -> memref<1x512x16xf32, #tpu.memory_space<vmem>>
      %dma_start3A_45 = tpu.memref_squeeze %dma_start3A_44 : memref<1x512x16xf32, #tpu.memory_space<vmem>> -> memref<512x16xf32, #tpu.memory_space<vmem>>
      %dma_start3A_46 = arith.constant 0 : i32
      %dma_start3A_47 = arith.constant 0 : i32
      %dma_start3A_48 = tpu.memref_slice %arg2[%dma_start3A_46, %dma_start3A_47] : memref<10000x16xf32, #tpu.memory_space<hbm>> -> memref<10000x16xf32, #tpu.memory_space<hbm>>
      tpu.enqueue_indirect_dma source(%dma_start3A_48 : memref<10000x16xf32, #tpu.memory_space<hbm>>) target(%dma_start3A_45 : memref<512x16xf32, #tpu.memory_space<vmem>>) offsets(%arg7 : memref<512xi32, #tpu.memory_space<vmem>>) semaphore(%arg13 : memref<!tpu.dma_semaphore, #tpu.memory_space<semaphore_mem>>)
      %dma_start3A_49 = arith.constant 1 : i32
      %dma_start3A_50 = arith.constant 0 : i32
      %dma_start3A_51 = arith.constant 0 : i32
      %dma_start3A_52 = tpu.memref_slice %arg11[%dma_start3A_49, %dma_start3A_50, %dma_start3A_51] : memref<2x512x16xf32, #tpu.memory_space<vmem>> -> memref<1x512x16xf32, #tpu.memory_space<vmem>>
      %dma_start3A_53 = tpu.memref_squeeze %dma_start3A_52 : memref<1x512x16xf32, #tpu.memory_space<vmem>> -> memref<512x16xf32, #tpu.memory_space<vmem>>
      %dma_start3A_54 = arith.constant 0 : i32
      %dma_start3A_55 = arith.constant 0 : i32
      %dma_start3A_56 = tpu.memref_slice %arg2[%dma_start3A_54, %dma_start3A_55] : memref<10000x16xf32, #tpu.memory_space<hbm>> -> memref<10000x16xf32, #tpu.memory_space<hbm>>
      tpu.enqueue_indirect_dma source(%dma_start3A_56 : memref<10000x16xf32, #tpu.memory_space<hbm>>) target(%dma_start3A_53 : memref<512x16xf32, #tpu.memory_space<vmem>>) offsets(%arg8 : memref<512xi32, #tpu.memory_space<vmem>>) semaphore(%arg13 : memref<!tpu.dma_semaphore, #tpu.memory_space<semaphore_mem>>)
      %dma_wait3A_57 = arith.constant 0 : i32
      %dma_wait3A_58 = arith.constant 0 : i32
      %dma_wait3A_59 = arith.constant 0 : i32
      %dma_wait3A_60 = tpu.memref_slice %arg11[%dma_wait3A_57, %dma_wait3A_58, %dma_wait3A_59] : memref<2x512x16xf32, #tpu.memory_space<vmem>> -> memref<1x512x16xf32, #tpu.memory_space<vmem>>
      %dma_wait3A_61 = tpu.memref_squeeze %dma_wait3A_60 : memref<1x512x16xf32, #tpu.memory_space<vmem>> -> memref<512x16xf32, #tpu.memory_space<vmem>>
      %dma_wait3A_62 = arith.constant 0 : i32
      %dma_wait3A_63 = arith.constant 0 : i32
      %dma_wait3A_64 = tpu.memref_slice %arg2[%dma_wait3A_62, %dma_wait3A_63] : memref<10000x16xf32, #tpu.memory_space<hbm>> -> memref<10000x16xf32, #tpu.memory_space<hbm>>
      tpu.wait_indirect_dma semaphore(%arg13 : memref<!tpu.dma_semaphore, #tpu.memory_space<semaphore_mem>>) src(%dma_wait3A_64 : memref<10000x16xf32, #tpu.memory_space<hbm>>) dst(%dma_wait3A_61 : memref<512x16xf32, #tpu.memory_space<vmem>>)
      %dma_wait3A_65 = arith.constant 1 : i32
      %dma_wait3A_66 = arith.constant 0 : i32
      %dma_wait3A_67 = arith.constant 0 : i32
      %dma_wait3A_68 = tpu.memref_slice %arg11[%dma_wait3A_65, %dma_wait3A_66, %dma_wait3A_67] : memref<2x512x16xf32, #tpu.memory_space<vmem>> -> memref<1x512x16xf32, #tpu.memory_space<vmem>>
      %dma_wait3A_69 = tpu.memref_squeeze %dma_wait3A_68 : memref<1x512x16xf32, #tpu.memory_space<vmem>> -> memref<512x16xf32, #tpu.memory_space<vmem>>
      %dma_wait3A_70 = arith.constant 0 : i32
      %dma_wait3A_71 = arith.constant 0 : i32
      %dma_wait3A_72 = tpu.memref_slice %arg2[%dma_wait3A_70, %dma_wait3A_71] : memref<10000x16xf32, #tpu.memory_space<hbm>> -> memref<10000x16xf32, #tpu.memory_space<hbm>>
      tpu.wait_indirect_dma semaphore(%arg13 : memref<!tpu.dma_semaphore, #tpu.memory_space<semaphore_mem>>) src(%dma_wait3A_72 : memref<10000x16xf32, #tpu.memory_space<hbm>>) dst(%dma_wait3A_69 : memref<512x16xf32, #tpu.memory_space<vmem>>)
      %dma_start3A_73 = arith.constant 0 : i32
      %dma_start3A_74 = arith.constant 0 : i32
      %dma_start3A_75 = arith.constant 0 : i32
      %dma_start3A_76 = tpu.memref_slice %arg11[%dma_start3A_73, %dma_start3A_74, %dma_start3A_75] : memref<2x512x16xf32, #tpu.memory_space<vmem>> -> memref<1x512x16xf32, #tpu.memory_space<vmem>>
      %dma_start3A_77 = tpu.memref_squeeze %dma_start3A_76 : memref<1x512x16xf32, #tpu.memory_space<vmem>> -> memref<512x16xf32, #tpu.memory_space<vmem>>
      %dma_start3A_78 = arith.constant 0 : i32
      %dma_start3A_79 = arith.constant 0 : i32
      %dma_start3A_80 = tpu.memref_slice %arg12[%dma_start3A_78, %dma_start3A_79] : memref<10112x16xf32, #tpu.memory_space<vmem_shared>> -> memref<10112x16xf32, #tpu.memory_space<vmem_shared>>
      tpu.enqueue_indirect_dma source(%dma_start3A_77 : memref<512x16xf32, #tpu.memory_space<vmem>>) target(%dma_start3A_80 : memref<10112x16xf32, #tpu.memory_space<vmem_shared>>) offsets(%arg9 : memref<512xi32, #tpu.memory_space<vmem>>) semaphore(%arg14 : memref<!tpu.dma_semaphore, #tpu.memory_space<semaphore_mem>>) {add = true}
      %dma_start3A_81 = arith.constant 1 : i32
      %dma_start3A_82 = arith.constant 0 : i32
      %dma_start3A_83 = arith.constant 0 : i32
      %dma_start3A_84 = tpu.memref_slice %arg11[%dma_start3A_81, %dma_start3A_82, %dma_start3A_83] : memref<2x512x16xf32, #tpu.memory_space<vmem>> -> memref<1x512x16xf32, #tpu.memory_space<vmem>>
      %dma_start3A_85 = tpu.memref_squeeze %dma_start3A_84 : memref<1x512x16xf32, #tpu.memory_space<vmem>> -> memref<512x16xf32, #tpu.memory_space<vmem>>
      %dma_start3A_86 = arith.constant 0 : i32
      %dma_start3A_87 = arith.constant 0 : i32
      %dma_start3A_88 = tpu.memref_slice %arg12[%dma_start3A_86, %dma_start3A_87] : memref<10112x16xf32, #tpu.memory_space<vmem_shared>> -> memref<10112x16xf32, #tpu.memory_space<vmem_shared>>
      tpu.enqueue_indirect_dma source(%dma_start3A_85 : memref<512x16xf32, #tpu.memory_space<vmem>>) target(%dma_start3A_88 : memref<10112x16xf32, #tpu.memory_space<vmem_shared>>) offsets(%arg10 : memref<512xi32, #tpu.memory_space<vmem>>) semaphore(%arg14 : memref<!tpu.dma_semaphore, #tpu.memory_space<semaphore_mem>>) {add = true}
      %dma_wait3A_89 = arith.constant 0 : i32
      %dma_wait3A_90 = arith.constant 0 : i32
      %dma_wait3A_91 = arith.constant 0 : i32
      %dma_wait3A_92 = tpu.memref_slice %arg11[%dma_wait3A_89, %dma_wait3A_90, %dma_wait3A_91] : memref<2x512x16xf32, #tpu.memory_space<vmem>> -> memref<1x512x16xf32, #tpu.memory_space<vmem>>
      %dma_wait3A_93 = tpu.memref_squeeze %dma_wait3A_92 : memref<1x512x16xf32, #tpu.memory_space<vmem>> -> memref<512x16xf32, #tpu.memory_space<vmem>>
      %dma_wait3A_94 = arith.constant 0 : i32
      %dma_wait3A_95 = arith.constant 0 : i32
      %dma_wait3A_96 = tpu.memref_slice %arg12[%dma_wait3A_94, %dma_wait3A_95] : memref<10112x16xf32, #tpu.memory_space<vmem_shared>> -> memref<10112x16xf32, #tpu.memory_space<vmem_shared>>
      tpu.wait_indirect_dma semaphore(%arg14 : memref<!tpu.dma_semaphore, #tpu.memory_space<semaphore_mem>>) src(%dma_wait3A_93 : memref<512x16xf32, #tpu.memory_space<vmem>>) dst(%dma_wait3A_96 : memref<10112x16xf32, #tpu.memory_space<vmem_shared>>)
      %dma_wait3A_97 = arith.constant 1 : i32
      %dma_wait3A_98 = arith.constant 0 : i32
      %dma_wait3A_99 = arith.constant 0 : i32
      %dma_wait3A_100 = tpu.memref_slice %arg11[%dma_wait3A_97, %dma_wait3A_98, %dma_wait3A_99] : memref<2x512x16xf32, #tpu.memory_space<vmem>> -> memref<1x512x16xf32, #tpu.memory_space<vmem>>
      %dma_wait3A_101 = tpu.memref_squeeze %dma_wait3A_100 : memref<1x512x16xf32, #tpu.memory_space<vmem>> -> memref<512x16xf32, #tpu.memory_space<vmem>>
      %dma_wait3A_102 = arith.constant 0 : i32
      %dma_wait3A_103 = arith.constant 0 : i32
      %dma_wait3A_104 = tpu.memref_slice %arg12[%dma_wait3A_102, %dma_wait3A_103] : memref<10112x16xf32, #tpu.memory_space<vmem_shared>> -> memref<10112x16xf32, #tpu.memory_space<vmem_shared>>
      tpu.wait_indirect_dma semaphore(%arg14 : memref<!tpu.dma_semaphore, #tpu.memory_space<semaphore_mem>>) src(%dma_wait3A_101 : memref<512x16xf32, #tpu.memory_space<vmem>>) dst(%dma_wait3A_104 : memref<10112x16xf32, #tpu.memory_space<vmem_shared>>)
    }
    %scan3A_9 = arith.constant 10 : i32
    %barrier3A_10 = arith.constant 0 : index
    tpu.barrier barrier_id(%barrier3A_10)
    %mul3A_11 = arith.constant 632 : i32
    %mul3A_12 = arith.muli %arg1, %mul3A_11 : i32
    %mul3A_13 = arith.constant 632 : i32
    %mul3A_14 = arith.muli %arg1, %mul3A_13 : i32
    "tpu.region"() ({
      %run_scoped3A = tpu.sem_alloc : memref<!tpu.dma_semaphore, #tpu.memory_space<semaphore_mem>>
      %dma_start3A = arith.constant 0 : i32
      %dma_start3A_15 = tpu.memref_slice %arg6[%arg0, %mul3A_14, %dma_start3A] : memref<2x10112x16xf32, #tpu.memory_space<hbm>> -> memref<1x632x16xf32, #tpu.memory_space<hbm>>
      %dma_start3A_16 = tpu.memref_squeeze %dma_start3A_15 : memref<1x632x16xf32, #tpu.memory_space<hbm>> -> memref<632x16xf32, #tpu.memory_space<hbm>>
      %dma_start3A_17 = arith.constant 0 : i32
      %dma_start3A_18 = tpu.memref_slice %arg12[%mul3A_12, %dma_start3A_17] : memref<10112x16xf32, #tpu.memory_space<vmem_shared>> -> memref<632x16xf32, #tpu.memory_space<vmem_shared>>
      tpu.enqueue_dma source(%dma_start3A_18 : memref<632x16xf32, #tpu.memory_space<vmem_shared>>) target(%dma_start3A_16 : memref<632x16xf32, #tpu.memory_space<hbm>>) target_semaphore(%run_scoped3A : memref<!tpu.dma_semaphore, #tpu.memory_space<semaphore_mem>>)
      %dma_wait3A = arith.constant 0 : i32
      %dma_wait3A_19 = tpu.memref_slice %arg6[%arg0, %mul3A_14, %dma_wait3A] : memref<2x10112x16xf32, #tpu.memory_space<hbm>> -> memref<1x632x16xf32, #tpu.memory_space<hbm>>
      %dma_wait3A_20 = tpu.memref_squeeze %dma_wait3A_19 : memref<1x632x16xf32, #tpu.memory_space<hbm>> -> memref<632x16xf32, #tpu.memory_space<hbm>>
      %dma_wait3A_21 = arith.constant 0 : i32
      %dma_wait3A_22 = tpu.memref_slice %arg12[%mul3A_12, %dma_wait3A_21] : memref<10112x16xf32, #tpu.memory_space<vmem_shared>> -> memref<632x16xf32, #tpu.memory_space<vmem_shared>>
      tpu.wait_dma2 semaphore(%run_scoped3A : memref<!tpu.dma_semaphore, #tpu.memory_space<semaphore_mem>>) src(%dma_wait3A_22 : memref<632x16xf32, #tpu.memory_space<vmem_shared>>) dst(%dma_wait3A_20 : memref<632x16xf32, #tpu.memory_space<hbm>>)
      tpu.yield
    }) : () -> ()
    return
  }
}

module attributes {stable_mosaic.version = 14 : i64} {
  func.func @_k12_body(%arg0: i32, %arg1: memref<1000x128xf32, #tpu.memory_space<vmem>>, %arg2: memref<128x64xf32, #tpu.memory_space<vmem>>, %arg3: memref<2x1000x16xf32, #tpu.memory_space<vmem>>, %arg4: memref<1000x64xf32, #tpu.memory_space<vmem>>, %arg5: memref<1000x64xf32, #tpu.memory_space<vmem>>) attributes {dimension_semantics = [#tpu.dimension_semantics<arbitrary>], iteration_bounds = array<i64: 10>, scalar_prefetch = 0 : i64, scratch_operands = 0 : i64, tpu.core_type = #tpu.core_type<tc>, window_params = [{transform_indices = @transform_0, window_bounds = array<i64: 1000, 128>}, {pipeline_mode = #tpu.pipeline_mode<synchronous>, transform_indices = @transform_1, window_bounds = array<i64: 128, 64>}, {transform_indices = @transform_2, window_bounds = array<i64: 2, 1000, 16>}, {transform_indices = @transform_3, window_bounds = array<i64: 1000, 64>}, {transform_indices = @transform_4, window_bounds = array<i64: 1000, 64>}]} {
    %get3A = arith.constant 0 : index
    %get3A_0 = arith.constant 0 : index
    %get3A_1 = vector.load %arg1[%get3A, %get3A_0] : memref<1000x128xf32, #tpu.memory_space<vmem>>, vector<1000x128xf32>
    %get3A_2 = arith.constant 0 : index
    %get3A_3 = arith.constant 0 : index
    %get3A_4 = vector.load %arg2[%get3A_2, %get3A_3] : memref<128x64xf32, #tpu.memory_space<vmem>>, vector<128x64xf32>
    %dot_general3A = arith.constant dense<0.000000e+00> : vector<1000x64xf32>
    %dot_general3A_5 = tpu.matmul %get3A_1, %get3A_4, %dot_general3A {dimension_numbers = #tpu.dot_dimension_numbers<[1], [0], [0], [1], [0, 0, 1, 1], [], []>, transpose_lhs_hint = false} : vector<1000x128xf32>, vector<128x64xf32>, vector<1000x64xf32> -> vector<1000x64xf32>
    %get3A_6 = arith.constant 0 : index
    %get3A_7 = arith.constant 0 : index
    %get3A_8 = arith.constant 0 : index
    %get3A_9 = vector.load %arg3[%get3A_6, %get3A_7, %get3A_8] : memref<2x1000x16xf32, #tpu.memory_space<vmem>>, vector<1x1000x16xf32>
    %get3A_10 = vector.shape_cast %get3A_9 : vector<1x1000x16xf32> to vector<1000x16xf32>
    %get3A_11 = arith.constant 1 : index
    %get3A_12 = arith.constant 0 : index
    %get3A_13 = arith.constant 0 : index
    %get3A_14 = vector.load %arg3[%get3A_11, %get3A_12, %get3A_13] : memref<2x1000x16xf32, #tpu.memory_space<vmem>>, vector<1x1000x16xf32>
    %get3A_15 = vector.shape_cast %get3A_14 : vector<1x1000x16xf32> to vector<1000x16xf32>
    %add3A = arith.addf %get3A_10, %get3A_15 : vector<1000x16xf32>
    %slice3A = vector.extract_strided_slice %add3A {offsets = [0, 0], sizes = [1000, 1], strides = [1, 1]} : vector<1000x16xf32> to vector<1000x1xf32>
    %add3A_16 = arith.constant 1.000000e+00 : f32
    %add3A_17 = vector.broadcast %add3A_16 : f32 to vector<1000x1xf32>
    %add3A_18 = arith.addf %add3A_17, %slice3A : vector<1000x1xf32>
    %rsqrt3A = math.rsqrt %add3A_18 : vector<1000x1xf32>
    %swap3A = arith.constant 0 : index
    %swap3A_19 = arith.constant 0 : index
    %swap3A_20 = vector.load %arg4[%swap3A, %swap3A_19] : memref<1000x64xf32, #tpu.memory_space<vmem>>, vector<1000x64xf32>
    tpu.vector_store %arg4[%swap3A, %swap3A_19], %dot_general3A_5 {strides = array<i32>} : memref<1000x64xf32, #tpu.memory_space<vmem>>, vector<1000x64xf32>,
    %mul3A = vector.broadcast %rsqrt3A : vector<1000x1xf32> to vector<1000x64xf32>
    %mul3A_21 = arith.mulf %dot_general3A_5, %mul3A : vector<1000x64xf32>
    %swap3A_22 = arith.constant 0 : index
    %swap3A_23 = arith.constant 0 : index
    %swap3A_24 = vector.load %arg5[%swap3A_22, %swap3A_23] : memref<1000x64xf32, #tpu.memory_space<vmem>>, vector<1000x64xf32>
    tpu.vector_store %arg5[%swap3A_22, %swap3A_23], %mul3A_21 {strides = array<i32>} : memref<1000x64xf32, #tpu.memory_space<vmem>>, vector<1000x64xf32>,
    return
  }
  func.func @transform_0(%arg0: i32) -> (i32, i32) {
    %c0_i32 = arith.constant 0 : i32
    %c0_i32_0 = arith.constant 0 : i32
    return %arg0, %c0_i32 : i32, i32
  }
  func.func @transform_1(%arg0: i32) -> (i32, i32) {
    %c0_i32 = arith.constant 0 : i32
    %c0_i32_0 = arith.constant 0 : i32
    %c0_i32_1 = arith.constant 0 : i32
    return %c0_i32, %c0_i32_0 : i32, i32
  }
  func.func @transform_2(%arg0: i32) -> (i32, i32, i32) {
    %c0_i32 = arith.constant 0 : i32
    %c0_i32_0 = arith.constant 0 : i32
    %c0_i32_1 = arith.constant 0 : i32
    return %c0_i32, %arg0, %c0_i32_0 : i32, i32, i32
  }
  func.func @transform_3(%arg0: i32) -> (i32, i32) {
    %c0_i32 = arith.constant 0 : i32
    %c0_i32_0 = arith.constant 0 : i32
    return %arg0, %c0_i32 : i32, i32
  }
  func.func @transform_4(%arg0: i32) -> (i32, i32) {
    %c0_i32 = arith.constant 0 : i32
    %c0_i32_0 = arith.constant 0 : i32
    return %arg0, %c0_i32 : i32, i32
  }
}

module attributes {stable_mosaic.version = 14 : i64} {
  func.func @_k3a_body(%arg0: i32, %arg1: memref<2x1000x64xf32, #tpu.memory_space<vmem>>, %arg2: memref<1000x64xf32, #tpu.memory_space<vmem>>, %arg3: memref<2x1000x16xf32, #tpu.memory_space<vmem>>, %arg4: memref<1x64xf32, #tpu.memory_space<vmem>>, %arg5: memref<64x8xf32, #tpu.memory_space<vmem>>, %arg6: memref<1000x64xf32, #tpu.memory_space<vmem>>, %arg7: memref<1000x8xf32, #tpu.memory_space<vmem>>) attributes {dimension_semantics = [#tpu.dimension_semantics<arbitrary>], iteration_bounds = array<i64: 10>, scalar_prefetch = 0 : i64, scratch_operands = 0 : i64, tpu.core_type = #tpu.core_type<tc>, window_params = [{transform_indices = @transform_0, window_bounds = array<i64: 2, 1000, 64>}, {transform_indices = @transform_1, window_bounds = array<i64: 1000, 64>}, {transform_indices = @transform_2, window_bounds = array<i64: 2, 1000, 16>}, {pipeline_mode = #tpu.pipeline_mode<synchronous>, transform_indices = @transform_3, window_bounds = array<i64: 1, 64>}, {pipeline_mode = #tpu.pipeline_mode<synchronous>, transform_indices = @transform_4, window_bounds = array<i64: 64, 8>}, {transform_indices = @transform_5, window_bounds = array<i64: 1000, 64>}, {transform_indices = @transform_6, window_bounds = array<i64: 1000, 8>}]} {
    %get3A = arith.constant 0 : index
    %get3A_0 = arith.constant 0 : index
    %get3A_1 = arith.constant 0 : index
    %get3A_2 = vector.load %arg3[%get3A, %get3A_0, %get3A_1] : memref<2x1000x16xf32, #tpu.memory_space<vmem>>, vector<1x1000x16xf32>
    %get3A_3 = vector.shape_cast %get3A_2 : vector<1x1000x16xf32> to vector<1000x16xf32>
    %get3A_4 = arith.constant 1 : index
    %get3A_5 = arith.constant 0 : index
    %get3A_6 = arith.constant 0 : index
    %get3A_7 = vector.load %arg3[%get3A_4, %get3A_5, %get3A_6] : memref<2x1000x16xf32, #tpu.memory_space<vmem>>, vector<1x1000x16xf32>
    %get3A_8 = vector.shape_cast %get3A_7 : vector<1x1000x16xf32> to vector<1000x16xf32>
    %add3A = arith.addf %get3A_3, %get3A_8 : vector<1000x16xf32>
    %slice3A = vector.extract_strided_slice %add3A {offsets = [0, 0], sizes = [1000, 1], strides = [1, 1]} : vector<1000x16xf32> to vector<1000x1xf32>
    %add3A_9 = arith.constant 1.000000e+00 : f32
    %add3A_10 = vector.broadcast %add3A_9 : f32 to vector<1000x1xf32>
    %add3A_11 = arith.addf %add3A_10, %slice3A : vector<1000x1xf32>
    %rsqrt3A = math.rsqrt %add3A_11 : vector<1000x1xf32>
    %get3A_12 = arith.constant 0 : index
    %get3A_13 = arith.constant 0 : index
    %get3A_14 = arith.constant 0 : index
    %get3A_15 = vector.load %arg1[%get3A_12, %get3A_13, %get3A_14] : memref<2x1000x64xf32, #tpu.memory_space<vmem>>, vector<1x1000x64xf32>
    %get3A_16 = vector.shape_cast %get3A_15 : vector<1x1000x64xf32> to vector<1000x64xf32>
    %get3A_17 = arith.constant 1 : index
    %get3A_18 = arith.constant 0 : index
    %get3A_19 = arith.constant 0 : index
    %get3A_20 = vector.load %arg1[%get3A_17, %get3A_18, %get3A_19] : memref<2x1000x64xf32, #tpu.memory_space<vmem>>, vector<1x1000x64xf32>
    %get3A_21 = vector.shape_cast %get3A_20 : vector<1x1000x64xf32> to vector<1000x64xf32>
    %add3A_22 = arith.addf %get3A_16, %get3A_21 : vector<1000x64xf32>
    %get3A_23 = arith.constant 0 : index
    %get3A_24 = arith.constant 0 : index
    %get3A_25 = vector.load %arg2[%get3A_23, %get3A_24] : memref<1000x64xf32, #tpu.memory_space<vmem>>, vector<1000x64xf32>
    %mul3A = vector.broadcast %rsqrt3A : vector<1000x1xf32> to vector<1000x64xf32>
    %mul3A_26 = arith.mulf %mul3A, %add3A_22 : vector<1000x64xf32>
    %mul3A_27 = arith.mulf %rsqrt3A, %rsqrt3A : vector<1000x1xf32>
    %mul3A_28 = vector.broadcast %mul3A_27 : vector<1000x1xf32> to vector<1000x64xf32>
    %mul3A_29 = arith.mulf %mul3A_28, %get3A_25 : vector<1000x64xf32>
    %add3A_30 = arith.addf %mul3A_26, %mul3A_29 : vector<1000x64xf32>
    %get3A_31 = arith.constant 0 : index
    %get3A_32 = arith.constant 0 : index
    %get3A_33 = vector.load %arg4[%get3A_31, %get3A_32] : memref<1x64xf32, #tpu.memory_space<vmem>>, vector<1x64xf32>
    %add3A_34 = vector.broadcast %get3A_33 : vector<1x64xf32> to vector<1000x64xf32>
    %add3A_35 = arith.addf %add3A_30, %add3A_34 : vector<1000x64xf32>
    %swap3A = arith.constant 0 : index
    %swap3A_36 = arith.constant 0 : index
    %swap3A_37 = vector.load %arg6[%swap3A, %swap3A_36] : memref<1000x64xf32, #tpu.memory_space<vmem>>, vector<1000x64xf32>
    tpu.vector_store %arg6[%swap3A, %swap3A_36], %add3A_35 {strides = array<i32>} : memref<1000x64xf32, #tpu.memory_space<vmem>>, vector<1000x64xf32>,
    %get3A_38 = arith.constant 0 : index
    %get3A_39 = arith.constant 0 : index
    %get3A_40 = vector.load %arg5[%get3A_38, %get3A_39] : memref<64x8xf32, #tpu.memory_space<vmem>>, vector<64x8xf32>
    %slice3A_41 = vector.extract_strided_slice %get3A_40 {offsets = [0, 0], sizes = [64, 1], strides = [1, 1]} : vector<64x8xf32> to vector<64x1xf32>
    %slice3A_42 = vector.extract_strided_slice %get3A_40 {offsets = [0, 0], sizes = [64, 1], strides = [1, 1]} : vector<64x8xf32> to vector<64x1xf32>
    %mul3A_43 = arith.mulf %slice3A_41, %slice3A_42 : vector<64x1xf32>
    %reduce_sum3A = vector.shape_cast %mul3A_43 : vector<64x1xf32> to vector<1x64x1xf32>
    %reduce_sum3A_44 = arith.constant dense<0.000000e+00> : vector<1xf32>
    %reduce_sum3A_45 = vector.multi_reduction <add>, %reduce_sum3A, %reduce_sum3A_44 [1, 2] : vector<1x64x1xf32> to vector<1xf32>
    %reduce_sum3A_46 = vector.shape_cast %reduce_sum3A_45 : vector<1xf32> to vector<1x1x1xf32>
    %reduce_sum3A_47 = vector.extract %reduce_sum3A_46[0, 0, 0] : f32 from vector<1x1x1xf32>
    %dot_general3A = arith.constant dense<0.000000e+00> : vector<1000x8xf32>
    %dot_general3A_48 = tpu.matmul %add3A_35, %get3A_40, %dot_general3A {dimension_numbers = #tpu.dot_dimension_numbers<[1], [0], [0], [1], [0, 0, 1, 1], [], []>, transpose_lhs_hint = false} : vector<1000x64xf32>, vector<64x8xf32>, vector<1000x8xf32> -> vector<1000x8xf32>
    %rsqrt3A_49 = math.rsqrt %reduce_sum3A_47 : f32
    %mul3A_50 = vector.broadcast %rsqrt3A_49 : f32 to vector<1000x8xf32>
    %mul3A_51 = arith.mulf %dot_general3A_48, %mul3A_50 : vector<1000x8xf32>
    %tanh3A = math.tanh %mul3A_51 : vector<1000x8xf32>
    %swap3A_52 = arith.constant 0 : index
    %swap3A_53 = arith.constant 0 : index
    %swap3A_54 = vector.load %arg7[%swap3A_52, %swap3A_53] : memref<1000x8xf32, #tpu.memory_space<vmem>>, vector<1000x8xf32>
    tpu.vector_store %arg7[%swap3A_52, %swap3A_53], %tanh3A {strides = array<i32>} : memref<1000x8xf32, #tpu.memory_space<vmem>>, vector<1000x8xf32>,
    return
  }
  func.func @transform_0(%arg0: i32) -> (i32, i32, i32) {
    %c0_i32 = arith.constant 0 : i32
    %c0_i32_0 = arith.constant 0 : i32
    %c0_i32_1 = arith.constant 0 : i32
    return %c0_i32, %arg0, %c0_i32_0 : i32, i32, i32
  }
  func.func @transform_1(%arg0: i32) -> (i32, i32) {
    %c0_i32 = arith.constant 0 : i32
    %c0_i32_0 = arith.constant 0 : i32
    return %arg0, %c0_i32 : i32, i32
  }
  func.func @transform_2(%arg0: i32) -> (i32, i32, i32) {
    %c0_i32 = arith.constant 0 : i32
    %c0_i32_0 = arith.constant 0 : i32
    %c0_i32_1 = arith.constant 0 : i32
    return %c0_i32, %arg0, %c0_i32_0 : i32, i32, i32
  }
  func.func @transform_3(%arg0: i32) -> (i32, i32) {
    %c0_i32 = arith.constant 0 : i32
    %c0_i32_0 = arith.constant 0 : i32
    %c0_i32_1 = arith.constant 0 : i32
    return %c0_i32, %c0_i32_0 : i32, i32
  }
  func.func @transform_4(%arg0: i32) -> (i32, i32) {
    %c0_i32 = arith.constant 0 : i32
    %c0_i32_0 = arith.constant 0 : i32
    %c0_i32_1 = arith.constant 0 : i32
    return %c0_i32, %c0_i32_0 : i32, i32
  }
  func.func @transform_5(%arg0: i32) -> (i32, i32) {
    %c0_i32 = arith.constant 0 : i32
    %c0_i32_0 = arith.constant 0 : i32
    return %arg0, %c0_i32 : i32, i32
  }
  func.func @transform_6(%arg0: i32) -> (i32, i32) {
    %c0_i32 = arith.constant 0 : i32
    %c0_i32_0 = arith.constant 0 : i32
    return %arg0, %c0_i32 : i32, i32
  }
}

module attributes {stable_mosaic.version = 14 : i64} {
  func.func @_select_body(%arg0: memref<80x128xf32, #tpu.memory_space<vmem>>, %arg1: memref<80x128xf32, #tpu.memory_space<vmem>>, %arg2: memref<80x128xf32, #tpu.memory_space<vmem>>, %arg3: memref<80x128xf32, #tpu.memory_space<vmem>>) attributes {dimension_semantics = [], scalar_prefetch = 0 : i64, scratch_operands = 0 : i64, tpu.core_type = #tpu.core_type<tc>} {
    %get3A = arith.constant 0 : index
    %get3A_0 = arith.constant 0 : index
    %get3A_1 = vector.load %arg0[%get3A, %get3A_0] : memref<80x128xf32, #tpu.memory_space<vmem>>, vector<80x128xf32>
    %iota3A = tpu.iota {dimensions = array<i32: 0>} : vector<80x128xi32>
    %iota3A_2 = tpu.iota {dimensions = array<i32: 1>} : vector<80x128xi32>
    %mul3A = arith.constant 128 : i32
    %mul3A_3 = vector.broadcast %mul3A : i32 to vector<80x128xi32>
    %mul3A_4 = arith.muli %iota3A, %mul3A_3 : vector<80x128xi32>
    %add3A = arith.addi %mul3A_4, %iota3A_2 : vector<80x128xi32>
    %lt3A = arith.constant 10000 : i32
    %lt3A_5 = vector.broadcast %lt3A : i32 to vector<80x128xi32>
    %lt3A_6 = arith.cmpi slt, %add3A, %lt3A_5 : vector<80x128xi32>
    %get3A_7 = arith.constant 0 : index
    %get3A_8 = arith.constant 0 : index
    %get3A_9 = vector.load %arg1[%get3A_7, %get3A_8] : memref<80x128xf32, #tpu.memory_space<vmem>>, vector<80x128xf32>
    %gt3A = arith.constant 0.000000e+00 : f32
    %gt3A_10 = vector.broadcast %gt3A : f32 to vector<80x128xf32>
    %gt3A_11 = arith.cmpf ogt, %get3A_9, %gt3A_10 : vector<80x128xf32>
    %and3A = arith.andi %lt3A_6, %gt3A_11 : vector<80x128xi1>
    %bitcast_convert_type3A = tpu.bitcast %get3A_1 : vector<80x128xf32> -> vector<80x128xi32>
    %shift_right_logical3A = arith.constant 31 : i32
    %shift_right_logical3A_12 = vector.broadcast %shift_right_logical3A : i32 to vector<80x128xi32>
    %shift_right_logical3A_13 = arith.shrui %bitcast_convert_type3A, %shift_right_logical3A_12 : vector<80x128xi32>
    %eq3A = arith.constant 0 : i32
    %eq3A_14 = vector.broadcast %eq3A : i32 to vector<80x128xi32>
    %eq3A_15 = arith.cmpi eq, %shift_right_logical3A_13, %eq3A_14 : vector<80x128xi32>
    %or3A = arith.constant -2147483648 : i32
    %or3A_16 = vector.broadcast %or3A : i32 to vector<80x128xi32>
    %or3A_17 = arith.ori %bitcast_convert_type3A, %or3A_16 : vector<80x128xi32>
    %not3A = arith.constant dense<-1> : vector<80x128xi32>
    %not3A_18 = arith.xori %bitcast_convert_type3A, %not3A : vector<80x128xi32>
    %select_n3A = arith.select %eq3A_15, %or3A_17, %not3A_18 : vector<80x128xi1>, vector<80x128xi32>
    %jit3A = arith.constant 0 : i32
    %broadcast_in_dim3A = vector.broadcast %jit3A : i32 to vector<80x128xi32>
    %select_n3A_19 = arith.select %and3A, %select_n3A, %broadcast_in_dim3A : vector<80x128xi1>, vector<80x128xi32>
    %scan3A = arith.constant 0 : i32
    %scan3A_20 = arith.constant 0 : i32
    %scan3A_21 = arith.constant 32 : i32
    %scan3A_22 = arith.addi %scan3A_20, %scan3A_21 : i32
    %scan3A_23 = arith.constant 1 : i32
    %scan3A_24 = scf.for %scan3A_56 = %scan3A_20 to %scan3A_22 step %scan3A_23 iter_args(%scan3A_57 = %scan3A) -> (i32)  : i32 {
      %sub3A_58 = arith.constant 31 : i32
      %sub3A_59 = arith.subi %sub3A_58, %scan3A_56 : i32
      %shift_left3A = arith.constant 1 : i32
      %shift_left3A_60 = arith.shli %shift_left3A, %sub3A_59 : i32
      %or3A_61 = arith.ori %scan3A_57, %shift_left3A_60 : i32
      %ge3A = vector.broadcast %or3A_61 : i32 to vector<80x128xi32>
      %ge3A_62 = arith.cmpi uge, %select_n3A_19, %ge3A : vector<80x128xi32>
      %convert_element_type3A_63 = arith.extui %ge3A_62 : vector<80x128xi1> to vector<80x128xi32>
      %reduce_sum3A_64 = vector.shape_cast %convert_element_type3A_63 : vector<80x128xi32> to vector<1x80x128xi32>
      %reduce_sum3A_65 = arith.constant dense<0> : vector<1xi32>
      %reduce_sum3A_66 = vector.multi_reduction <add>, %reduce_sum3A_64, %reduce_sum3A_65 [1, 2] : vector<1x80x128xi32> to vector<1xi32>
      %reduce_sum3A_67 = vector.shape_cast %reduce_sum3A_66 : vector<1xi32> to vector<1x1x1xi32>
      %reduce_sum3A_68 = vector.extract %reduce_sum3A_67[0, 0, 0] : i32 from vector<1x1x1xi32>
      %ge3A_69 = arith.constant 5000 : i32
      %ge3A_70 = arith.cmpi sge, %reduce_sum3A_68, %ge3A_69 : i32
      %select_n3A_71 = arith.select %ge3A_70, %or3A_61, %scan3A_57 : i32
      scf.yield %select_n3A_71 : i32
    }
    %scan3A_25 = arith.constant 32 : i32
    %gt3A_26 = vector.broadcast %scan3A_24 : i32 to vector<80x128xi32>
    %gt3A_27 = arith.cmpi ugt, %select_n3A_19, %gt3A_26 : vector<80x128xi32>
    %convert_element_type3A = arith.extui %gt3A_27 : vector<80x128xi1> to vector<80x128xi32>
    %reduce_sum3A = vector.shape_cast %convert_element_type3A : vector<80x128xi32> to vector<1x80x128xi32>
    %reduce_sum3A_28 = arith.constant dense<0> : vector<1xi32>
    %reduce_sum3A_29 = vector.multi_reduction <add>, %reduce_sum3A, %reduce_sum3A_28 [1, 2] : vector<1x80x128xi32> to vector<1xi32>
    %reduce_sum3A_30 = vector.shape_cast %reduce_sum3A_29 : vector<1xi32> to vector<1x1x1xi32>
    %reduce_sum3A_31 = vector.extract %reduce_sum3A_30[0, 0, 0] : i32 from vector<1x1x1xi32>
    %sub3A = arith.constant 5000 : i32
    %sub3A_32 = arith.subi %sub3A, %reduce_sum3A_31 : i32
    %eq3A_33 = vector.broadcast %scan3A_24 : i32 to vector<80x128xi32>
    %eq3A_34 = arith.cmpi eq, %select_n3A_19, %eq3A_33 : vector<80x128xi32>
    %scan3A_35 = arith.constant 0 : i32
    %scan3A_36 = arith.constant 0 : i32
    %scan3A_37 = arith.constant 15 : i32
    %scan3A_38 = arith.addi %scan3A_36, %scan3A_37 : i32
    %scan3A_39 = arith.constant 1 : i32
    %scan3A_40 = scf.for %scan3A_56 = %scan3A_36 to %scan3A_38 step %scan3A_39 iter_args(%scan3A_57 = %scan3A_35) -> (i32)  : i32 {
      %sub3A_58 = arith.constant 14 : i32
      %sub3A_59 = arith.subi %sub3A_58, %scan3A_56 : i32
      %shift_left3A = arith.constant 1 : i32
      %shift_left3A_60 = arith.shli %shift_left3A, %sub3A_59 : i32
      %or3A_61 = arith.ori %scan3A_57, %shift_left3A_60 : i32
      %lt3A_62 = vector.broadcast %or3A_61 : i32 to vector<80x128xi32>
      %lt3A_63 = arith.cmpi slt, %add3A, %lt3A_62 : vector<80x128xi32>
      %and3A_64 = arith.andi %eq3A_34, %lt3A_63 : vector<80x128xi1>
      %convert_element_type3A_65 = arith.extui %and3A_64 : vector<80x128xi1> to vector<80x128xi32>
      %reduce_sum3A_66 = vector.shape_cast %convert_element_type3A_65 : vector<80x128xi32> to vector<1x80x128xi32>
      %reduce_sum3A_67 = arith.constant dense<0> : vector<1xi32>
      %reduce_sum3A_68 = vector.multi_reduction <add>, %reduce_sum3A_66, %reduce_sum3A_67 [1, 2] : vector<1x80x128xi32> to vector<1xi32>
      %reduce_sum3A_69 = vector.shape_cast %reduce_sum3A_68 : vector<1xi32> to vector<1x1x1xi32>
      %reduce_sum3A_70 = vector.extract %reduce_sum3A_69[0, 0, 0] : i32 from vector<1x1x1xi32>
      %le3A = arith.cmpi sle, %reduce_sum3A_70, %sub3A_32 : i32
      %select_n3A_71 = arith.select %le3A, %or3A_61, %scan3A_57 : i32
      scf.yield %select_n3A_71 : i32
    }
    %scan3A_41 = arith.constant 15 : i32
    %lt3A_42 = vector.broadcast %scan3A_40 : i32 to vector<80x128xi32>
    %lt3A_43 = arith.cmpi slt, %add3A, %lt3A_42 : vector<80x128xi32>
    %and3A_44 = arith.andi %eq3A_34, %lt3A_43 : vector<80x128xi1>
    %or3A_45 = arith.ori %gt3A_27, %and3A_44 : vector<80x128xi1>
    %convert_element_type3A_46 = arith.extui %or3A_45 : vector<80x128xi1> to vector<80x128xi32>
    %convert_element_type3A_47 = arith.sitofp %convert_element_type3A_46 : vector<80x128xi32> to vector<80x128xf32>
    %swap3A = arith.constant 0 : index
    %swap3A_48 = arith.constant 0 : index
    %swap3A_49 = vector.load %arg2[%swap3A, %swap3A_48] : memref<80x128xf32, #tpu.memory_space<vmem>>, vector<80x128xf32>
    tpu.vector_store %arg2[%swap3A, %swap3A_48], %convert_element_type3A_47 {strides = array<i32>} : memref<80x128xf32, #tpu.memory_space<vmem>>, vector<80x128xf32>,
    %jit3A_50 = arith.constant 0.000000e+00 : f32
    %broadcast_in_dim3A_51 = vector.broadcast %jit3A_50 : f32 to vector<80x128xf32>
    %select_n3A_52 = arith.select %or3A_45, %get3A_1, %broadcast_in_dim3A_51 : vector<80x128xi1>, vector<80x128xf32>
    %swap3A_53 = arith.constant 0 : index
    %swap3A_54 = arith.constant 0 : index
    %swap3A_55 = vector.load %arg3[%swap3A_53, %swap3A_54] : memref<80x128xf32, #tpu.memory_space<vmem>>, vector<80x128xf32>
    tpu.vector_store %arg3[%swap3A_53, %swap3A_54], %select_n3A_52 {strides = array<i32>} : memref<80x128xf32, #tpu.memory_space<vmem>>, vector<80x128xf32>,
    return
  }
}

module attributes {stable_mosaic.version = 14 : i64} {
  func.func @_k3c_body(%arg0: i32, %arg1: memref<1000x64xf32, #tpu.memory_space<vmem>>, %arg2: memref<1000x8xf32, #tpu.memory_space<vmem>>, %arg3: memref<1000x8xf32, #tpu.memory_space<vmem>>, %arg4: memref<64x64xf32, #tpu.memory_space<vmem>>, %arg5: memref<1000x64xf32, #tpu.memory_space<vmem>>, %arg6: memref<2x64xf32, #tpu.memory_space<vmem>>) attributes {dimension_semantics = [#tpu.dimension_semantics<arbitrary>], iteration_bounds = array<i64: 10>, scalar_prefetch = 0 : i64, scratch_operands = 0 : i64, tpu.core_type = #tpu.core_type<tc>, window_params = [{transform_indices = @transform_0, window_bounds = array<i64: 1000, 64>}, {transform_indices = @transform_1, window_bounds = array<i64: 1000, 8>}, {transform_indices = @transform_2, window_bounds = array<i64: 1000, 8>}, {pipeline_mode = #tpu.pipeline_mode<synchronous>, transform_indices = @transform_3, window_bounds = array<i64: 64, 64>}, {transform_indices = @transform_4, window_bounds = array<i64: 1000, 64>}, {pipeline_mode = #tpu.pipeline_mode<synchronous>, transform_indices = @transform_5, window_bounds = array<i64: 2, 64>}]} {
    %get3A = arith.constant 0 : index
    %get3A_0 = arith.constant 0 : index
    %get3A_1 = vector.load %arg1[%get3A, %get3A_0] : memref<1000x64xf32, #tpu.memory_space<vmem>>, vector<1000x64xf32>
    %get3A_2 = arith.constant 0 : index
    %get3A_3 = arith.constant 0 : index
    %get3A_4 = vector.load %arg2[%get3A_2, %get3A_3] : memref<1000x8xf32, #tpu.memory_space<vmem>>, vector<1000x8xf32>
    %slice3A = vector.extract_strided_slice %get3A_4 {offsets = [0, 0], sizes = [1000, 1], strides = [1, 1]} : vector<1000x8xf32> to vector<1000x1xf32>
    %mul3A = vector.broadcast %slice3A : vector<1000x1xf32> to vector<1000x64xf32>
    %mul3A_5 = arith.mulf %get3A_1, %mul3A : vector<1000x64xf32>
    %get3A_6 = arith.constant 0 : index
    %get3A_7 = arith.constant 0 : index
    %get3A_8 = vector.load %arg4[%get3A_6, %get3A_7] : memref<64x64xf32, #tpu.memory_space<vmem>>, vector<64x64xf32>
    %dot_general3A = arith.constant dense<0.000000e+00> : vector<1000x64xf32>
    %dot_general3A_9 = tpu.matmul %mul3A_5, %get3A_8, %dot_general3A {dimension_numbers = #tpu.dot_dimension_numbers<[1], [0], [0], [1], [0, 0, 1, 1], [], []>, transpose_lhs_hint = false} : vector<1000x64xf32>, vector<64x64xf32>, vector<1000x64xf32> -> vector<1000x64xf32>
    %swap3A = arith.constant 0 : index
    %swap3A_10 = arith.constant 0 : index
    %swap3A_11 = vector.load %arg5[%swap3A, %swap3A_10] : memref<1000x64xf32, #tpu.memory_space<vmem>>, vector<1000x64xf32>
    tpu.vector_store %arg5[%swap3A, %swap3A_10], %dot_general3A_9 {strides = array<i32>} : memref<1000x64xf32, #tpu.memory_space<vmem>>, vector<1000x64xf32>,
    %get3A_12 = arith.constant 0 : index
    %get3A_13 = arith.constant 0 : index
    %get3A_14 = vector.load %arg3[%get3A_12, %get3A_13] : memref<1000x8xf32, #tpu.memory_space<vmem>>, vector<1000x8xf32>
    %slice3A_15 = vector.extract_strided_slice %get3A_14 {offsets = [0, 0], sizes = [1000, 1], strides = [1, 1]} : vector<1000x8xf32> to vector<1000x1xf32>
    %gt3A = arith.constant 0.000000e+00 : f32
    %gt3A_16 = vector.broadcast %gt3A : f32 to vector<1000x1xf32>
    %gt3A_17 = arith.cmpf ogt, %slice3A_15, %gt3A_16 : vector<1000x1xf32>
    %jit3A = arith.constant 0xFF800000 : f32
    %broadcast_in_dim3A = vector.shape_cast %gt3A_17 : vector<1000x1xi1> to vector<1000x1xi1>
    %broadcast_in_dim3A_18 = vector.broadcast %broadcast_in_dim3A : vector<1000x1xi1> to vector<1000x64xi1>
    %broadcast_in_dim3A_19 = vector.broadcast %jit3A : f32 to vector<1000x64xf32>
    %select_n3A = arith.select %broadcast_in_dim3A_18, %mul3A_5, %broadcast_in_dim3A_19 : vector<1000x64xi1>, vector<1000x64xf32>
    %reduce_max3A = arith.constant dense<0xFF800000> : vector<64xf32>
    %reduce_max3A_20 = vector.multi_reduction <maximumf>, %select_n3A, %reduce_max3A [0] : vector<1000x64xf32> to vector<64xf32>
    %broadcast_in_dim3A_21 = vector.shape_cast %reduce_max3A_20 : vector<64xf32> to vector<1x64xf32>
    %jit3A_22 = arith.constant 0.000000e+00 : f32
    %broadcast_in_dim3A_23 = vector.shape_cast %gt3A_17 : vector<1000x1xi1> to vector<1000x1xi1>
    %broadcast_in_dim3A_24 = vector.broadcast %broadcast_in_dim3A_23 : vector<1000x1xi1> to vector<1000x64xi1>
    %broadcast_in_dim3A_25 = vector.broadcast %jit3A_22 : f32 to vector<1000x64xf32>
    %select_n3A_26 = arith.select %broadcast_in_dim3A_24, %mul3A_5, %broadcast_in_dim3A_25 : vector<1000x64xi1>, vector<1000x64xf32>
    %reduce_sum3A = arith.constant dense<0.000000e+00> : vector<64xf32>
    %reduce_sum3A_27 = vector.multi_reduction <add>, %select_n3A_26, %reduce_sum3A [0] : vector<1000x64xf32> to vector<64xf32>
    %broadcast_in_dim3A_28 = vector.shape_cast %reduce_sum3A_27 : vector<64xf32> to vector<1x64xf32>
    %eq3A = arith.constant 0 : i32
    %eq3A_29 = arith.cmpi eq, %arg0, %eq3A : i32
    %convert_element_type3A = arith.extui %eq3A_29 : i1 to i32
    %cond3A = arith.constant 0 : i32
    %cond3A_30 = arith.cmpi ne, %convert_element_type3A, %cond3A : i32
    scf.if %cond3A_30 {
      %concatenate3A = tpu.concatenate %broadcast_in_dim3A_21, %broadcast_in_dim3A_28 in 0 : vector<1x64xf32>, vector<1x64xf32> -> vector<2x64xf32>
      %swap3A_41 = arith.constant 0 : index
      %swap3A_42 = arith.constant 0 : index
      %swap3A_43 = vector.load %arg6[%swap3A_41, %swap3A_42] : memref<2x64xf32, #tpu.memory_space<vmem>>, vector<2x64xf32>
      tpu.vector_store %arg6[%swap3A_41, %swap3A_42], %concatenate3A {strides = array<i32>} : memref<2x64xf32, #tpu.memory_space<vmem>>, vector<2x64xf32>,
    } else {
    }
    %gt3A_31 = arith.constant 0 : i32
    %gt3A_32 = arith.cmpi sgt, %arg0, %gt3A_31 : i32
    %convert_element_type3A_33 = arith.extui %gt3A_32 : i1 to i32
    %cond3A_34 = arith.constant 0 : i32
    %cond3A_35 = arith.cmpi ne, %convert_element_type3A_33, %cond3A_34 : i32
    scf.if %cond3A_35 {
      %get3A_41 = arith.constant 0 : index
      %get3A_42 = arith.constant 0 : index
      %get3A_43 = vector.load %arg6[%get3A_41, %get3A_42] : memref<2x64xf32, #tpu.memory_space<vmem>>, vector<2x64xf32>
      %slice3A_44 = vector.extract_strided_slice %get3A_43 {offsets = [0, 0], sizes = [1, 64], strides = [1, 1]} : vector<2x64xf32> to vector<1x64xf32>
      %max3A = arith.maximumf %slice3A_44, %broadcast_in_dim3A_21 : vector<1x64xf32>
      %slice3A_45 = vector.extract_strided_slice %get3A_43 {offsets = [1, 0], sizes = [1, 64], strides = [1, 1]} : vector<2x64xf32> to vector<1x64xf32>
      %add3A = arith.addf %slice3A_45, %broadcast_in_dim3A_28 : vector<1x64xf32>
      %concatenate3A = tpu.concatenate %max3A, %add3A in 0 : vector<1x64xf32>, vector<1x64xf32> -> vector<2x64xf32>
      %swap3A_46 = arith.constant 0 : index
      %swap3A_47 = arith.constant 0 : index
      %swap3A_48 = vector.load %arg6[%swap3A_46, %swap3A_47] : memref<2x64xf32, #tpu.memory_space<vmem>>, vector<2x64xf32>
      tpu.vector_store %arg6[%swap3A_46, %swap3A_47], %concatenate3A {strides = array<i32>} : memref<2x64xf32, #tpu.memory_space<vmem>>, vector<2x64xf32>,
    } else {
    }
    %eq3A_36 = arith.constant 9 : i32
    %eq3A_37 = arith.cmpi eq, %arg0, %eq3A_36 : i32
    %convert_element_type3A_38 = arith.extui %eq3A_37 : i1 to i32
    %cond3A_39 = arith.constant 0 : i32
    %cond3A_40 = arith.cmpi ne, %convert_element_type3A_38, %cond3A_39 : i32
    scf.if %cond3A_40 {
      %get3A_41 = arith.constant 0 : index
      %get3A_42 = arith.constant 0 : index
      %get3A_43 = vector.load %arg6[%get3A_41, %get3A_42] : memref<2x64xf32, #tpu.memory_space<vmem>>, vector<2x64xf32>
      %slice3A_44 = vector.extract_strided_slice %get3A_43 {offsets = [0, 0], sizes = [1, 64], strides = [1, 1]} : vector<2x64xf32> to vector<1x64xf32>
      %slice3A_45 = vector.extract_strided_slice %get3A_43 {offsets = [1, 0], sizes = [1, 64], strides = [1, 1]} : vector<2x64xf32> to vector<1x64xf32>
      %mul3A_46 = arith.constant 2.000000e-04 : f32
      %mul3A_47 = vector.broadcast %mul3A_46 : f32 to vector<1x64xf32>
      %mul3A_48 = arith.mulf %slice3A_45, %mul3A_47 : vector<1x64xf32>
      %concatenate3A = tpu.concatenate %slice3A_44, %mul3A_48 in 0 : vector<1x64xf32>, vector<1x64xf32> -> vector<2x64xf32>
      %swap3A_49 = arith.constant 0 : index
      %swap3A_50 = arith.constant 0 : index
      %swap3A_51 = vector.load %arg6[%swap3A_49, %swap3A_50] : memref<2x64xf32, #tpu.memory_space<vmem>>, vector<2x64xf32>
      tpu.vector_store %arg6[%swap3A_49, %swap3A_50], %concatenate3A {strides = array<i32>} : memref<2x64xf32, #tpu.memory_space<vmem>>, vector<2x64xf32>,
    } else {
    }
    return
  }
  func.func @transform_0(%arg0: i32) -> (i32, i32) {
    %c0_i32 = arith.constant 0 : i32
    %c0_i32_0 = arith.constant 0 : i32
    return %arg0, %c0_i32 : i32, i32
  }
  func.func @transform_1(%arg0: i32) -> (i32, i32) {
    %c0_i32 = arith.constant 0 : i32
    %c0_i32_0 = arith.constant 0 : i32
    return %arg0, %c0_i32 : i32, i32
  }
  func.func @transform_2(%arg0: i32) -> (i32, i32) {
    %c0_i32 = arith.constant 0 : i32
    %c0_i32_0 = arith.constant 0 : i32
    return %arg0, %c0_i32 : i32, i32
  }
  func.func @transform_3(%arg0: i32) -> (i32, i32) {
    %c0_i32 = arith.constant 0 : i32
    %c0_i32_0 = arith.constant 0 : i32
    %c0_i32_1 = arith.constant 0 : i32
    return %c0_i32, %c0_i32_0 : i32, i32
  }
  func.func @transform_4(%arg0: i32) -> (i32, i32) {
    %c0_i32 = arith.constant 0 : i32
    %c0_i32_0 = arith.constant 0 : i32
    return %arg0, %c0_i32 : i32, i32
  }
  func.func @transform_5(%arg0: i32) -> (i32, i32) {
    %c0_i32 = arith.constant 0 : i32
    %c0_i32_0 = arith.constant 0 : i32
    %c0_i32_1 = arith.constant 0 : i32
    return %c0_i32, %c0_i32_0 : i32, i32
  }
}

module attributes {stable_mosaic.version = 14 : i64} {
  func.func @_k4_body(%arg0: i32, %arg1: memref<1000x64xf32, #tpu.memory_space<vmem>>, %arg2: memref<2x1000x16xf32, #tpu.memory_space<vmem>>, %arg3: memref<1000x8xf32, #tpu.memory_space<vmem>>, %arg4: memref<1000x64xf32, #tpu.memory_space<vmem>>, %arg5: memref<1000x8xf32, #tpu.memory_space<vmem>>) attributes {dimension_semantics = [#tpu.dimension_semantics<arbitrary>], iteration_bounds = array<i64: 10>, scalar_prefetch = 0 : i64, scratch_operands = 0 : i64, tpu.core_type = #tpu.core_type<tc>, window_params = [{transform_indices = @transform_0, window_bounds = array<i64: 1000, 64>}, {transform_indices = @transform_1, window_bounds = array<i64: 2, 1000, 16>}, {transform_indices = @transform_2, window_bounds = array<i64: 1000, 8>}, {transform_indices = @transform_3, window_bounds = array<i64: 1000, 64>}, {transform_indices = @transform_4, window_bounds = array<i64: 1000, 8>}]} {
    %get3A = arith.constant 0 : index
    %get3A_0 = arith.constant 0 : index
    %get3A_1 = arith.constant 0 : index
    %get3A_2 = vector.load %arg2[%get3A, %get3A_0, %get3A_1] : memref<2x1000x16xf32, #tpu.memory_space<vmem>>, vector<1x1000x16xf32>
    %get3A_3 = vector.shape_cast %get3A_2 : vector<1x1000x16xf32> to vector<1000x16xf32>
    %get3A_4 = arith.constant 1 : index
    %get3A_5 = arith.constant 0 : index
    %get3A_6 = arith.constant 0 : index
    %get3A_7 = vector.load %arg2[%get3A_4, %get3A_5, %get3A_6] : memref<2x1000x16xf32, #tpu.memory_space<vmem>>, vector<1x1000x16xf32>
    %get3A_8 = vector.shape_cast %get3A_7 : vector<1x1000x16xf32> to vector<1000x16xf32>
    %add3A = arith.addf %get3A_3, %get3A_8 : vector<1000x16xf32>
    %get3A_9 = arith.constant 0 : index
    %get3A_10 = arith.constant 0 : index
    %get3A_11 = vector.load %arg3[%get3A_9, %get3A_10] : memref<1000x8xf32, #tpu.memory_space<vmem>>, vector<1000x8xf32>
    %slice3A = vector.extract_strided_slice %get3A_11 {offsets = [0, 0], sizes = [1000, 1], strides = [1, 1]} : vector<1000x8xf32> to vector<1000x1xf32>
    %gt3A = arith.constant 0.000000e+00 : f32
    %gt3A_12 = vector.broadcast %gt3A : f32 to vector<1000x1xf32>
    %gt3A_13 = arith.cmpf ogt, %slice3A, %gt3A_12 : vector<1000x1xf32>
    %slice3A_14 = vector.extract_strided_slice %add3A {offsets = [0, 0], sizes = [1000, 1], strides = [1, 1]} : vector<1000x16xf32> to vector<1000x1xf32>
    %add3A_15 = arith.constant 1.000000e+00 : f32
    %add3A_16 = vector.broadcast %add3A_15 : f32 to vector<1000x1xf32>
    %add3A_17 = arith.addf %add3A_16, %slice3A_14 : vector<1000x1xf32>
    %rsqrt3A = math.rsqrt %add3A_17 : vector<1000x1xf32>
    %jit3A = arith.constant 0.000000e+00 : f32
    %broadcast_in_dim3A = vector.broadcast %jit3A : f32 to vector<1000x1xf32>
    %select_n3A = arith.select %gt3A_13, %rsqrt3A, %broadcast_in_dim3A : vector<1000x1xi1>, vector<1000x1xf32>
    %get3A_18 = arith.constant 0 : index
    %get3A_19 = arith.constant 0 : index
    %get3A_20 = vector.load %arg1[%get3A_18, %get3A_19] : memref<1000x64xf32, #tpu.memory_space<vmem>>, vector<1000x64xf32>
    %mul3A = vector.broadcast %select_n3A : vector<1000x1xf32> to vector<1000x64xf32>
    %mul3A_21 = arith.mulf %get3A_20, %mul3A : vector<1000x64xf32>
    %swap3A = arith.constant 0 : index
    %swap3A_22 = arith.constant 0 : index
    %swap3A_23 = vector.load %arg4[%swap3A, %swap3A_22] : memref<1000x64xf32, #tpu.memory_space<vmem>>, vector<1000x64xf32>
    tpu.vector_store %arg4[%swap3A, %swap3A_22], %mul3A_21 {strides = array<i32>} : memref<1000x64xf32, #tpu.memory_space<vmem>>, vector<1000x64xf32>,
    %broadcast_in_dim3A_24 = vector.shape_cast %select_n3A : vector<1000x1xf32> to vector<1000x1xf32>
    %broadcast_in_dim3A_25 = vector.broadcast %broadcast_in_dim3A_24 : vector<1000x1xf32> to vector<1000x8xf32>
    %swap3A_26 = arith.constant 0 : index
    %swap3A_27 = arith.constant 0 : index
    %swap3A_28 = vector.load %arg5[%swap3A_26, %swap3A_27] : memref<1000x8xf32, #tpu.memory_space<vmem>>, vector<1000x8xf32>
    tpu.vector_store %arg5[%swap3A_26, %swap3A_27], %broadcast_in_dim3A_25 {strides = array<i32>} : memref<1000x8xf32, #tpu.memory_space<vmem>>, vector<1000x8xf32>,
    return
  }
  func.func @transform_0(%arg0: i32) -> (i32, i32) {
    %c0_i32 = arith.constant 0 : i32
    %c0_i32_0 = arith.constant 0 : i32
    return %arg0, %c0_i32 : i32, i32
  }
  func.func @transform_1(%arg0: i32) -> (i32, i32, i32) {
    %c0_i32 = arith.constant 0 : i32
    %c0_i32_0 = arith.constant 0 : i32
    %c0_i32_1 = arith.constant 0 : i32
    return %c0_i32, %arg0, %c0_i32_0 : i32, i32, i32
  }
  func.func @transform_2(%arg0: i32) -> (i32, i32) {
    %c0_i32 = arith.constant 0 : i32
    %c0_i32_0 = arith.constant 0 : i32
    return %arg0, %c0_i32 : i32, i32
  }
  func.func @transform_3(%arg0: i32) -> (i32, i32) {
    %c0_i32 = arith.constant 0 : i32
    %c0_i32_0 = arith.constant 0 : i32
    return %arg0, %c0_i32 : i32, i32
  }
  func.func @transform_4(%arg0: i32) -> (i32, i32) {
    %c0_i32 = arith.constant 0 : i32
    %c0_i32_0 = arith.constant 0 : i32
    return %arg0, %c0_i32 : i32, i32
  }
}

module attributes {stable_mosaic.version = 14 : i64} {
  func.func @_k5a_body(%arg0: i32, %arg1: memref<2x1000x64xf32, #tpu.memory_space<vmem>>, %arg2: memref<1000x64xf32, #tpu.memory_space<vmem>>, %arg3: memref<1000x8xf32, #tpu.memory_space<vmem>>, %arg4: memref<1x64xf32, #tpu.memory_space<vmem>>, %arg5: memref<64x8xf32, #tpu.memory_space<vmem>>, %arg6: memref<1000x64xf32, #tpu.memory_space<vmem>>, %arg7: memref<1000x8xf32, #tpu.memory_space<vmem>>) attributes {dimension_semantics = [#tpu.dimension_semantics<arbitrary>], iteration_bounds = array<i64: 10>, scalar_prefetch = 0 : i64, scratch_operands = 0 : i64, tpu.core_type = #tpu.core_type<tc>, window_params = [{transform_indices = @transform_0, window_bounds = array<i64: 2, 1000, 64>}, {transform_indices = @transform_1, window_bounds = array<i64: 1000, 64>}, {transform_indices = @transform_2, window_bounds = array<i64: 1000, 8>}, {pipeline_mode = #tpu.pipeline_mode<synchronous>, transform_indices = @transform_3, window_bounds = array<i64: 1, 64>}, {pipeline_mode = #tpu.pipeline_mode<synchronous>, transform_indices = @transform_4, window_bounds = array<i64: 64, 8>}, {transform_indices = @transform_5, window_bounds = array<i64: 1000, 64>}, {transform_indices = @transform_6, window_bounds = array<i64: 1000, 8>}]} {
    %get3A = arith.constant 0 : index
    %get3A_0 = arith.constant 0 : index
    %get3A_1 = vector.load %arg3[%get3A, %get3A_0] : memref<1000x8xf32, #tpu.memory_space<vmem>>, vector<1000x8xf32>
    %slice3A = vector.extract_strided_slice %get3A_1 {offsets = [0, 0], sizes = [1000, 1], strides = [1, 1]} : vector<1000x8xf32> to vector<1000x1xf32>
    %get3A_2 = arith.constant 0 : index
    %get3A_3 = arith.constant 0 : index
    %get3A_4 = arith.constant 0 : index
    %get3A_5 = vector.load %arg1[%get3A_2, %get3A_3, %get3A_4] : memref<2x1000x64xf32, #tpu.memory_space<vmem>>, vector<1x1000x64xf32>
    %get3A_6 = vector.shape_cast %get3A_5 : vector<1x1000x64xf32> to vector<1000x64xf32>
    %get3A_7 = arith.constant 1 : index
    %get3A_8 = arith.constant 0 : index
    %get3A_9 = arith.constant 0 : index
    %get3A_10 = vector.load %arg1[%get3A_7, %get3A_8, %get3A_9] : memref<2x1000x64xf32, #tpu.memory_space<vmem>>, vector<1x1000x64xf32>
    %get3A_11 = vector.shape_cast %get3A_10 : vector<1x1000x64xf32> to vector<1000x64xf32>
    %add3A = arith.addf %get3A_6, %get3A_11 : vector<1000x64xf32>
    %get3A_12 = arith.constant 0 : index
    %get3A_13 = arith.constant 0 : index
    %get3A_14 = vector.load %arg2[%get3A_12, %get3A_13] : memref<1000x64xf32, #tpu.memory_space<vmem>>, vector<1000x64xf32>
    %mul3A = vector.broadcast %slice3A : vector<1000x1xf32> to vector<1000x64xf32>
    %mul3A_15 = arith.mulf %mul3A, %add3A : vector<1000x64xf32>
    %mul3A_16 = arith.mulf %slice3A, %slice3A : vector<1000x1xf32>
    %mul3A_17 = vector.broadcast %mul3A_16 : vector<1000x1xf32> to vector<1000x64xf32>
    %mul3A_18 = arith.mulf %mul3A_17, %get3A_14 : vector<1000x64xf32>
    %add3A_19 = arith.addf %mul3A_15, %mul3A_18 : vector<1000x64xf32>
    %get3A_20 = arith.constant 0 : index
    %get3A_21 = arith.constant 0 : index
    %get3A_22 = vector.load %arg4[%get3A_20, %get3A_21] : memref<1x64xf32, #tpu.memory_space<vmem>>, vector<1x64xf32>
    %add3A_23 = vector.broadcast %get3A_22 : vector<1x64xf32> to vector<1000x64xf32>
    %add3A_24 = arith.addf %add3A_19, %add3A_23 : vector<1000x64xf32>
    %swap3A = arith.constant 0 : index
    %swap3A_25 = arith.constant 0 : index
    %swap3A_26 = vector.load %arg6[%swap3A, %swap3A_25] : memref<1000x64xf32, #tpu.memory_space<vmem>>, vector<1000x64xf32>
    tpu.vector_store %arg6[%swap3A, %swap3A_25], %add3A_24 {strides = array<i32>} : memref<1000x64xf32, #tpu.memory_space<vmem>>, vector<1000x64xf32>,
    %get3A_27 = arith.constant 0 : index
    %get3A_28 = arith.constant 0 : index
    %get3A_29 = vector.load %arg5[%get3A_27, %get3A_28] : memref<64x8xf32, #tpu.memory_space<vmem>>, vector<64x8xf32>
    %slice3A_30 = vector.extract_strided_slice %get3A_29 {offsets = [0, 0], sizes = [64, 1], strides = [1, 1]} : vector<64x8xf32> to vector<64x1xf32>
    %slice3A_31 = vector.extract_strided_slice %get3A_29 {offsets = [0, 0], sizes = [64, 1], strides = [1, 1]} : vector<64x8xf32> to vector<64x1xf32>
    %mul3A_32 = arith.mulf %slice3A_30, %slice3A_31 : vector<64x1xf32>
    %reduce_sum3A = vector.shape_cast %mul3A_32 : vector<64x1xf32> to vector<1x64x1xf32>
    %reduce_sum3A_33 = arith.constant dense<0.000000e+00> : vector<1xf32>
    %reduce_sum3A_34 = vector.multi_reduction <add>, %reduce_sum3A, %reduce_sum3A_33 [1, 2] : vector<1x64x1xf32> to vector<1xf32>
    %reduce_sum3A_35 = vector.shape_cast %reduce_sum3A_34 : vector<1xf32> to vector<1x1x1xf32>
    %reduce_sum3A_36 = vector.extract %reduce_sum3A_35[0, 0, 0] : f32 from vector<1x1x1xf32>
    %dot_general3A = arith.constant dense<0.000000e+00> : vector<1000x8xf32>
    %dot_general3A_37 = tpu.matmul %add3A_24, %get3A_29, %dot_general3A {dimension_numbers = #tpu.dot_dimension_numbers<[1], [0], [0], [1], [0, 0, 1, 1], [], []>, transpose_lhs_hint = false} : vector<1000x64xf32>, vector<64x8xf32>, vector<1000x8xf32> -> vector<1000x8xf32>
    %rsqrt3A = math.rsqrt %reduce_sum3A_36 : f32
    %mul3A_38 = vector.broadcast %rsqrt3A : f32 to vector<1000x8xf32>
    %mul3A_39 = arith.mulf %dot_general3A_37, %mul3A_38 : vector<1000x8xf32>
    %tanh3A = math.tanh %mul3A_39 : vector<1000x8xf32>
    %swap3A_40 = arith.constant 0 : index
    %swap3A_41 = arith.constant 0 : index
    %swap3A_42 = vector.load %arg7[%swap3A_40, %swap3A_41] : memref<1000x8xf32, #tpu.memory_space<vmem>>, vector<1000x8xf32>
    tpu.vector_store %arg7[%swap3A_40, %swap3A_41], %tanh3A {strides = array<i32>} : memref<1000x8xf32, #tpu.memory_space<vmem>>, vector<1000x8xf32>,
    return
  }
  func.func @transform_0(%arg0: i32) -> (i32, i32, i32) {
    %c0_i32 = arith.constant 0 : i32
    %c0_i32_0 = arith.constant 0 : i32
    %c0_i32_1 = arith.constant 0 : i32
    return %c0_i32, %arg0, %c0_i32_0 : i32, i32, i32
  }
  func.func @transform_1(%arg0: i32) -> (i32, i32) {
    %c0_i32 = arith.constant 0 : i32
    %c0_i32_0 = arith.constant 0 : i32
    return %arg0, %c0_i32 : i32, i32
  }
  func.func @transform_2(%arg0: i32) -> (i32, i32) {
    %c0_i32 = arith.constant 0 : i32
    %c0_i32_0 = arith.constant 0 : i32
    return %arg0, %c0_i32 : i32, i32
  }
  func.func @transform_3(%arg0: i32) -> (i32, i32) {
    %c0_i32 = arith.constant 0 : i32
    %c0_i32_0 = arith.constant 0 : i32
    %c0_i32_1 = arith.constant 0 : i32
    return %c0_i32, %c0_i32_0 : i32, i32
  }
  func.func @transform_4(%arg0: i32) -> (i32, i32) {
    %c0_i32 = arith.constant 0 : i32
    %c0_i32_0 = arith.constant 0 : i32
    %c0_i32_1 = arith.constant 0 : i32
    return %c0_i32, %c0_i32_0 : i32, i32
  }
  func.func @transform_5(%arg0: i32) -> (i32, i32) {
    %c0_i32 = arith.constant 0 : i32
    %c0_i32_0 = arith.constant 0 : i32
    return %arg0, %c0_i32 : i32, i32
  }
  func.func @transform_6(%arg0: i32) -> (i32, i32) {
    %c0_i32 = arith.constant 0 : i32
    %c0_i32_0 = arith.constant 0 : i32
    return %arg0, %c0_i32 : i32, i32
  }
}

module attributes {stable_mosaic.version = 14 : i64} {
  func.func @_select_body(%arg0: memref<80x128xf32, #tpu.memory_space<vmem>>, %arg1: memref<80x128xf32, #tpu.memory_space<vmem>>, %arg2: memref<80x128xf32, #tpu.memory_space<vmem>>, %arg3: memref<80x128xf32, #tpu.memory_space<vmem>>) attributes {dimension_semantics = [], scalar_prefetch = 0 : i64, scratch_operands = 0 : i64, tpu.core_type = #tpu.core_type<tc>} {
    %get3A = arith.constant 0 : index
    %get3A_0 = arith.constant 0 : index
    %get3A_1 = vector.load %arg0[%get3A, %get3A_0] : memref<80x128xf32, #tpu.memory_space<vmem>>, vector<80x128xf32>
    %iota3A = tpu.iota {dimensions = array<i32: 0>} : vector<80x128xi32>
    %iota3A_2 = tpu.iota {dimensions = array<i32: 1>} : vector<80x128xi32>
    %mul3A = arith.constant 128 : i32
    %mul3A_3 = vector.broadcast %mul3A : i32 to vector<80x128xi32>
    %mul3A_4 = arith.muli %iota3A, %mul3A_3 : vector<80x128xi32>
    %add3A = arith.addi %mul3A_4, %iota3A_2 : vector<80x128xi32>
    %lt3A = arith.constant 10000 : i32
    %lt3A_5 = vector.broadcast %lt3A : i32 to vector<80x128xi32>
    %lt3A_6 = arith.cmpi slt, %add3A, %lt3A_5 : vector<80x128xi32>
    %get3A_7 = arith.constant 0 : index
    %get3A_8 = arith.constant 0 : index
    %get3A_9 = vector.load %arg1[%get3A_7, %get3A_8] : memref<80x128xf32, #tpu.memory_space<vmem>>, vector<80x128xf32>
    %gt3A = arith.constant 0.000000e+00 : f32
    %gt3A_10 = vector.broadcast %gt3A : f32 to vector<80x128xf32>
    %gt3A_11 = arith.cmpf ogt, %get3A_9, %gt3A_10 : vector<80x128xf32>
    %and3A = arith.andi %lt3A_6, %gt3A_11 : vector<80x128xi1>
    %bitcast_convert_type3A = tpu.bitcast %get3A_1 : vector<80x128xf32> -> vector<80x128xi32>
    %shift_right_logical3A = arith.constant 31 : i32
    %shift_right_logical3A_12 = vector.broadcast %shift_right_logical3A : i32 to vector<80x128xi32>
    %shift_right_logical3A_13 = arith.shrui %bitcast_convert_type3A, %shift_right_logical3A_12 : vector<80x128xi32>
    %eq3A = arith.constant 0 : i32
    %eq3A_14 = vector.broadcast %eq3A : i32 to vector<80x128xi32>
    %eq3A_15 = arith.cmpi eq, %shift_right_logical3A_13, %eq3A_14 : vector<80x128xi32>
    %or3A = arith.constant -2147483648 : i32
    %or3A_16 = vector.broadcast %or3A : i32 to vector<80x128xi32>
    %or3A_17 = arith.ori %bitcast_convert_type3A, %or3A_16 : vector<80x128xi32>
    %not3A = arith.constant dense<-1> : vector<80x128xi32>
    %not3A_18 = arith.xori %bitcast_convert_type3A, %not3A : vector<80x128xi32>
    %select_n3A = arith.select %eq3A_15, %or3A_17, %not3A_18 : vector<80x128xi1>, vector<80x128xi32>
    %jit3A = arith.constant 0 : i32
    %broadcast_in_dim3A = vector.broadcast %jit3A : i32 to vector<80x128xi32>
    %select_n3A_19 = arith.select %and3A, %select_n3A, %broadcast_in_dim3A : vector<80x128xi1>, vector<80x128xi32>
    %scan3A = arith.constant 0 : i32
    %scan3A_20 = arith.constant 0 : i32
    %scan3A_21 = arith.constant 32 : i32
    %scan3A_22 = arith.addi %scan3A_20, %scan3A_21 : i32
    %scan3A_23 = arith.constant 1 : i32
    %scan3A_24 = scf.for %scan3A_56 = %scan3A_20 to %scan3A_22 step %scan3A_23 iter_args(%scan3A_57 = %scan3A) -> (i32)  : i32 {
      %sub3A_58 = arith.constant 31 : i32
      %sub3A_59 = arith.subi %sub3A_58, %scan3A_56 : i32
      %shift_left3A = arith.constant 1 : i32
      %shift_left3A_60 = arith.shli %shift_left3A, %sub3A_59 : i32
      %or3A_61 = arith.ori %scan3A_57, %shift_left3A_60 : i32
      %ge3A = vector.broadcast %or3A_61 : i32 to vector<80x128xi32>
      %ge3A_62 = arith.cmpi uge, %select_n3A_19, %ge3A : vector<80x128xi32>
      %convert_element_type3A_63 = arith.extui %ge3A_62 : vector<80x128xi1> to vector<80x128xi32>
      %reduce_sum3A_64 = vector.shape_cast %convert_element_type3A_63 : vector<80x128xi32> to vector<1x80x128xi32>
      %reduce_sum3A_65 = arith.constant dense<0> : vector<1xi32>
      %reduce_sum3A_66 = vector.multi_reduction <add>, %reduce_sum3A_64, %reduce_sum3A_65 [1, 2] : vector<1x80x128xi32> to vector<1xi32>
      %reduce_sum3A_67 = vector.shape_cast %reduce_sum3A_66 : vector<1xi32> to vector<1x1x1xi32>
      %reduce_sum3A_68 = vector.extract %reduce_sum3A_67[0, 0, 0] : i32 from vector<1x1x1xi32>
      %ge3A_69 = arith.constant 2500 : i32
      %ge3A_70 = arith.cmpi sge, %reduce_sum3A_68, %ge3A_69 : i32
      %select_n3A_71 = arith.select %ge3A_70, %or3A_61, %scan3A_57 : i32
      scf.yield %select_n3A_71 : i32
    }
    %scan3A_25 = arith.constant 32 : i32
    %gt3A_26 = vector.broadcast %scan3A_24 : i32 to vector<80x128xi32>
    %gt3A_27 = arith.cmpi ugt, %select_n3A_19, %gt3A_26 : vector<80x128xi32>
    %convert_element_type3A = arith.extui %gt3A_27 : vector<80x128xi1> to vector<80x128xi32>
    %reduce_sum3A = vector.shape_cast %convert_element_type3A : vector<80x128xi32> to vector<1x80x128xi32>
    %reduce_sum3A_28 = arith.constant dense<0> : vector<1xi32>
    %reduce_sum3A_29 = vector.multi_reduction <add>, %reduce_sum3A, %reduce_sum3A_28 [1, 2] : vector<1x80x128xi32> to vector<1xi32>
    %reduce_sum3A_30 = vector.shape_cast %reduce_sum3A_29 : vector<1xi32> to vector<1x1x1xi32>
    %reduce_sum3A_31 = vector.extract %reduce_sum3A_30[0, 0, 0] : i32 from vector<1x1x1xi32>
    %sub3A = arith.constant 2500 : i32
    %sub3A_32 = arith.subi %sub3A, %reduce_sum3A_31 : i32
    %eq3A_33 = vector.broadcast %scan3A_24 : i32 to vector<80x128xi32>
    %eq3A_34 = arith.cmpi eq, %select_n3A_19, %eq3A_33 : vector<80x128xi32>
    %scan3A_35 = arith.constant 0 : i32
    %scan3A_36 = arith.constant 0 : i32
    %scan3A_37 = arith.constant 15 : i32
    %scan3A_38 = arith.addi %scan3A_36, %scan3A_37 : i32
    %scan3A_39 = arith.constant 1 : i32
    %scan3A_40 = scf.for %scan3A_56 = %scan3A_36 to %scan3A_38 step %scan3A_39 iter_args(%scan3A_57 = %scan3A_35) -> (i32)  : i32 {
      %sub3A_58 = arith.constant 14 : i32
      %sub3A_59 = arith.subi %sub3A_58, %scan3A_56 : i32
      %shift_left3A = arith.constant 1 : i32
      %shift_left3A_60 = arith.shli %shift_left3A, %sub3A_59 : i32
      %or3A_61 = arith.ori %scan3A_57, %shift_left3A_60 : i32
      %lt3A_62 = vector.broadcast %or3A_61 : i32 to vector<80x128xi32>
      %lt3A_63 = arith.cmpi slt, %add3A, %lt3A_62 : vector<80x128xi32>
      %and3A_64 = arith.andi %eq3A_34, %lt3A_63 : vector<80x128xi1>
      %convert_element_type3A_65 = arith.extui %and3A_64 : vector<80x128xi1> to vector<80x128xi32>
      %reduce_sum3A_66 = vector.shape_cast %convert_element_type3A_65 : vector<80x128xi32> to vector<1x80x128xi32>
      %reduce_sum3A_67 = arith.constant dense<0> : vector<1xi32>
      %reduce_sum3A_68 = vector.multi_reduction <add>, %reduce_sum3A_66, %reduce_sum3A_67 [1, 2] : vector<1x80x128xi32> to vector<1xi32>
      %reduce_sum3A_69 = vector.shape_cast %reduce_sum3A_68 : vector<1xi32> to vector<1x1x1xi32>
      %reduce_sum3A_70 = vector.extract %reduce_sum3A_69[0, 0, 0] : i32 from vector<1x1x1xi32>
      %le3A = arith.cmpi sle, %reduce_sum3A_70, %sub3A_32 : i32
      %select_n3A_71 = arith.select %le3A, %or3A_61, %scan3A_57 : i32
      scf.yield %select_n3A_71 : i32
    }
    %scan3A_41 = arith.constant 15 : i32
    %lt3A_42 = vector.broadcast %scan3A_40 : i32 to vector<80x128xi32>
    %lt3A_43 = arith.cmpi slt, %add3A, %lt3A_42 : vector<80x128xi32>
    %and3A_44 = arith.andi %eq3A_34, %lt3A_43 : vector<80x128xi1>
    %or3A_45 = arith.ori %gt3A_27, %and3A_44 : vector<80x128xi1>
    %convert_element_type3A_46 = arith.extui %or3A_45 : vector<80x128xi1> to vector<80x128xi32>
    %convert_element_type3A_47 = arith.sitofp %convert_element_type3A_46 : vector<80x128xi32> to vector<80x128xf32>
    %swap3A = arith.constant 0 : index
    %swap3A_48 = arith.constant 0 : index
    %swap3A_49 = vector.load %arg2[%swap3A, %swap3A_48] : memref<80x128xf32, #tpu.memory_space<vmem>>, vector<80x128xf32>
    tpu.vector_store %arg2[%swap3A, %swap3A_48], %convert_element_type3A_47 {strides = array<i32>} : memref<80x128xf32, #tpu.memory_space<vmem>>, vector<80x128xf32>,
    %jit3A_50 = arith.constant 0.000000e+00 : f32
    %broadcast_in_dim3A_51 = vector.broadcast %jit3A_50 : f32 to vector<80x128xf32>
    %select_n3A_52 = arith.select %or3A_45, %get3A_1, %broadcast_in_dim3A_51 : vector<80x128xi1>, vector<80x128xf32>
    %swap3A_53 = arith.constant 0 : index
    %swap3A_54 = arith.constant 0 : index
    %swap3A_55 = vector.load %arg3[%swap3A_53, %swap3A_54] : memref<80x128xf32, #tpu.memory_space<vmem>>, vector<80x128xf32>
    tpu.vector_store %arg3[%swap3A_53, %swap3A_54], %select_n3A_52 {strides = array<i32>} : memref<80x128xf32, #tpu.memory_space<vmem>>, vector<80x128xf32>,
    return
  }
}

module attributes {stable_mosaic.version = 14 : i64} {
  func.func @_k5c_body(%arg0: i32, %arg1: memref<1000x64xf32, #tpu.memory_space<vmem>>, %arg2: memref<1000x8xf32, #tpu.memory_space<vmem>>, %arg3: memref<1000x8xf32, #tpu.memory_space<vmem>>, %arg4: memref<2x64xf32, #tpu.memory_space<vmem>>) attributes {dimension_semantics = [#tpu.dimension_semantics<arbitrary>], iteration_bounds = array<i64: 10>, scalar_prefetch = 0 : i64, scratch_operands = 0 : i64, tpu.core_type = #tpu.core_type<tc>, window_params = [{transform_indices = @transform_0, window_bounds = array<i64: 1000, 64>}, {transform_indices = @transform_1, window_bounds = array<i64: 1000, 8>}, {transform_indices = @transform_2, window_bounds = array<i64: 1000, 8>}, {pipeline_mode = #tpu.pipeline_mode<synchronous>, transform_indices = @transform_3, window_bounds = array<i64: 2, 64>}]} {
    %get3A = arith.constant 0 : index
    %get3A_0 = arith.constant 0 : index
    %get3A_1 = vector.load %arg1[%get3A, %get3A_0] : memref<1000x64xf32, #tpu.memory_space<vmem>>, vector<1000x64xf32>
    %get3A_2 = arith.constant 0 : index
    %get3A_3 = arith.constant 0 : index
    %get3A_4 = vector.load %arg2[%get3A_2, %get3A_3] : memref<1000x8xf32, #tpu.memory_space<vmem>>, vector<1000x8xf32>
    %slice3A = vector.extract_strided_slice %get3A_4 {offsets = [0, 0], sizes = [1000, 1], strides = [1, 1]} : vector<1000x8xf32> to vector<1000x1xf32>
    %mul3A = vector.broadcast %slice3A : vector<1000x1xf32> to vector<1000x64xf32>
    %mul3A_5 = arith.mulf %get3A_1, %mul3A : vector<1000x64xf32>
    %get3A_6 = arith.constant 0 : index
    %get3A_7 = arith.constant 0 : index
    %get3A_8 = vector.load %arg3[%get3A_6, %get3A_7] : memref<1000x8xf32, #tpu.memory_space<vmem>>, vector<1000x8xf32>
    %slice3A_9 = vector.extract_strided_slice %get3A_8 {offsets = [0, 0], sizes = [1000, 1], strides = [1, 1]} : vector<1000x8xf32> to vector<1000x1xf32>
    %gt3A = arith.constant 0.000000e+00 : f32
    %gt3A_10 = vector.broadcast %gt3A : f32 to vector<1000x1xf32>
    %gt3A_11 = arith.cmpf ogt, %slice3A_9, %gt3A_10 : vector<1000x1xf32>
    %jit3A = arith.constant 0xFF800000 : f32
    %broadcast_in_dim3A = vector.shape_cast %gt3A_11 : vector<1000x1xi1> to vector<1000x1xi1>
    %broadcast_in_dim3A_12 = vector.broadcast %broadcast_in_dim3A : vector<1000x1xi1> to vector<1000x64xi1>
    %broadcast_in_dim3A_13 = vector.broadcast %jit3A : f32 to vector<1000x64xf32>
    %select_n3A = arith.select %broadcast_in_dim3A_12, %mul3A_5, %broadcast_in_dim3A_13 : vector<1000x64xi1>, vector<1000x64xf32>
    %reduce_max3A = arith.constant dense<0xFF800000> : vector<64xf32>
    %reduce_max3A_14 = vector.multi_reduction <maximumf>, %select_n3A, %reduce_max3A [0] : vector<1000x64xf32> to vector<64xf32>
    %broadcast_in_dim3A_15 = vector.shape_cast %reduce_max3A_14 : vector<64xf32> to vector<1x64xf32>
    %jit3A_16 = arith.constant 0.000000e+00 : f32
    %broadcast_in_dim3A_17 = vector.shape_cast %gt3A_11 : vector<1000x1xi1> to vector<1000x1xi1>
    %broadcast_in_dim3A_18 = vector.broadcast %broadcast_in_dim3A_17 : vector<1000x1xi1> to vector<1000x64xi1>
    %broadcast_in_dim3A_19 = vector.broadcast %jit3A_16 : f32 to vector<1000x64xf32>
    %select_n3A_20 = arith.select %broadcast_in_dim3A_18, %mul3A_5, %broadcast_in_dim3A_19 : vector<1000x64xi1>, vector<1000x64xf32>
    %reduce_sum3A = arith.constant dense<0.000000e+00> : vector<64xf32>
    %reduce_sum3A_21 = vector.multi_reduction <add>, %select_n3A_20, %reduce_sum3A [0] : vector<1000x64xf32> to vector<64xf32>
    %broadcast_in_dim3A_22 = vector.shape_cast %reduce_sum3A_21 : vector<64xf32> to vector<1x64xf32>
    %eq3A = arith.constant 0 : i32
    %eq3A_23 = arith.cmpi eq, %arg0, %eq3A : i32
    %convert_element_type3A = arith.extui %eq3A_23 : i1 to i32
    %cond3A = arith.constant 0 : i32
    %cond3A_24 = arith.cmpi ne, %convert_element_type3A, %cond3A : i32
    scf.if %cond3A_24 {
      %concatenate3A = tpu.concatenate %broadcast_in_dim3A_15, %broadcast_in_dim3A_22 in 0 : vector<1x64xf32>, vector<1x64xf32> -> vector<2x64xf32>
      %swap3A = arith.constant 0 : index
      %swap3A_35 = arith.constant 0 : index
      %swap3A_36 = vector.load %arg4[%swap3A, %swap3A_35] : memref<2x64xf32, #tpu.memory_space<vmem>>, vector<2x64xf32>
      tpu.vector_store %arg4[%swap3A, %swap3A_35], %concatenate3A {strides = array<i32>} : memref<2x64xf32, #tpu.memory_space<vmem>>, vector<2x64xf32>,
    } else {
    }
    %gt3A_25 = arith.constant 0 : i32
    %gt3A_26 = arith.cmpi sgt, %arg0, %gt3A_25 : i32
    %convert_element_type3A_27 = arith.extui %gt3A_26 : i1 to i32
    %cond3A_28 = arith.constant 0 : i32
    %cond3A_29 = arith.cmpi ne, %convert_element_type3A_27, %cond3A_28 : i32
    scf.if %cond3A_29 {
      %get3A_35 = arith.constant 0 : index
      %get3A_36 = arith.constant 0 : index
      %get3A_37 = vector.load %arg4[%get3A_35, %get3A_36] : memref<2x64xf32, #tpu.memory_space<vmem>>, vector<2x64xf32>
      %slice3A_38 = vector.extract_strided_slice %get3A_37 {offsets = [0, 0], sizes = [1, 64], strides = [1, 1]} : vector<2x64xf32> to vector<1x64xf32>
      %max3A = arith.maximumf %slice3A_38, %broadcast_in_dim3A_15 : vector<1x64xf32>
      %slice3A_39 = vector.extract_strided_slice %get3A_37 {offsets = [1, 0], sizes = [1, 64], strides = [1, 1]} : vector<2x64xf32> to vector<1x64xf32>
      %add3A = arith.addf %slice3A_39, %broadcast_in_dim3A_22 : vector<1x64xf32>
      %concatenate3A = tpu.concatenate %max3A, %add3A in 0 : vector<1x64xf32>, vector<1x64xf32> -> vector<2x64xf32>
      %swap3A = arith.constant 0 : index
      %swap3A_40 = arith.constant 0 : index
      %swap3A_41 = vector.load %arg4[%swap3A, %swap3A_40] : memref<2x64xf32, #tpu.memory_space<vmem>>, vector<2x64xf32>
      tpu.vector_store %arg4[%swap3A, %swap3A_40], %concatenate3A {strides = array<i32>} : memref<2x64xf32, #tpu.memory_space<vmem>>, vector<2x64xf32>,
    } else {
    }
    %eq3A_30 = arith.constant 9 : i32
    %eq3A_31 = arith.cmpi eq, %arg0, %eq3A_30 : i32
    %convert_element_type3A_32 = arith.extui %eq3A_31 : i1 to i32
    %cond3A_33 = arith.constant 0 : i32
    %cond3A_34 = arith.cmpi ne, %convert_element_type3A_32, %cond3A_33 : i32
    scf.if %cond3A_34 {
      %get3A_35 = arith.constant 0 : index
      %get3A_36 = arith.constant 0 : index
      %get3A_37 = vector.load %arg4[%get3A_35, %get3A_36] : memref<2x64xf32, #tpu.memory_space<vmem>>, vector<2x64xf32>
      %slice3A_38 = vector.extract_strided_slice %get3A_37 {offsets = [0, 0], sizes = [1, 64], strides = [1, 1]} : vector<2x64xf32> to vector<1x64xf32>
      %slice3A_39 = vector.extract_strided_slice %get3A_37 {offsets = [1, 0], sizes = [1, 64], strides = [1, 1]} : vector<2x64xf32> to vector<1x64xf32>
      %mul3A_40 = arith.constant 4.000000e-04 : f32
      %mul3A_41 = vector.broadcast %mul3A_40 : f32 to vector<1x64xf32>
      %mul3A_42 = arith.mulf %slice3A_39, %mul3A_41 : vector<1x64xf32>
      %concatenate3A = tpu.concatenate %slice3A_38, %mul3A_42 in 0 : vector<1x64xf32>, vector<1x64xf32> -> vector<2x64xf32>
      %swap3A = arith.constant 0 : index
      %swap3A_43 = arith.constant 0 : index
      %swap3A_44 = vector.load %arg4[%swap3A, %swap3A_43] : memref<2x64xf32, #tpu.memory_space<vmem>>, vector<2x64xf32>
      tpu.vector_store %arg4[%swap3A, %swap3A_43], %concatenate3A {strides = array<i32>} : memref<2x64xf32, #tpu.memory_space<vmem>>, vector<2x64xf32>,
    } else {
    }
    return
  }
  func.func @transform_0(%arg0: i32) -> (i32, i32) {
    %c0_i32 = arith.constant 0 : i32
    %c0_i32_0 = arith.constant 0 : i32
    return %arg0, %c0_i32 : i32, i32
  }
  func.func @transform_1(%arg0: i32) -> (i32, i32) {
    %c0_i32 = arith.constant 0 : i32
    %c0_i32_0 = arith.constant 0 : i32
    return %arg0, %c0_i32 : i32, i32
  }
  func.func @transform_2(%arg0: i32) -> (i32, i32) {
    %c0_i32 = arith.constant 0 : i32
    %c0_i32_0 = arith.constant 0 : i32
    return %arg0, %c0_i32 : i32, i32
  }
  func.func @transform_3(%arg0: i32) -> (i32, i32) {
    %c0_i32 = arith.constant 0 : i32
    %c0_i32_0 = arith.constant 0 : i32
    %c0_i32_1 = arith.constant 0 : i32
    return %c0_i32, %c0_i32_0 : i32, i32
  }
}

module attributes {stable_mosaic.version = 14 : i64} {
  func.func @_k6_body(%arg0: memref<2x64xf32, #tpu.memory_space<vmem>>, %arg1: memref<2x64xf32, #tpu.memory_space<vmem>>, %arg2: memref<4x64x128xf32, #tpu.memory_space<vmem>>, %arg3: memref<1x128xf32, #tpu.memory_space<vmem>>, %arg4: memref<8x128xf32, #tpu.memory_space<vmem>>) attributes {dimension_semantics = [], scalar_prefetch = 0 : i64, scratch_operands = 0 : i64, tpu.core_type = #tpu.core_type<tc>} {
    %get3A = arith.constant 0 : index
    %get3A_0 = arith.constant 0 : index
    %get3A_1 = vector.load %arg0[%get3A, %get3A_0] : memref<2x64xf32, #tpu.memory_space<vmem>>, vector<1x64xf32>
    %get3A_2 = arith.constant 0 : index
    %get3A_3 = arith.constant 0 : index
    %get3A_4 = arith.constant 0 : index
    %get3A_5 = vector.load %arg2[%get3A_2, %get3A_3, %get3A_4] : memref<4x64x128xf32, #tpu.memory_space<vmem>>, vector<1x64x128xf32>
    %get3A_6 = vector.shape_cast %get3A_5 : vector<1x64x128xf32> to vector<64x128xf32>
    %dot_general3A = arith.constant dense<0.000000e+00> : vector<1x128xf32>
    %dot_general3A_7 = tpu.matmul %get3A_1, %get3A_6, %dot_general3A {dimension_numbers = #tpu.dot_dimension_numbers<[1], [0], [0], [1], [0, 0, 1, 1], [], []>, transpose_lhs_hint = false} : vector<1x64xf32>, vector<64x128xf32>, vector<1x128xf32> -> vector<1x128xf32>
    %get3A_8 = arith.constant 1 : index
    %get3A_9 = arith.constant 0 : index
    %get3A_10 = vector.load %arg0[%get3A_8, %get3A_9] : memref<2x64xf32, #tpu.memory_space<vmem>>, vector<1x64xf32>
    %get3A_11 = arith.constant 1 : index
    %get3A_12 = arith.constant 0 : index
    %get3A_13 = arith.constant 0 : index
    %get3A_14 = vector.load %arg2[%get3A_11, %get3A_12, %get3A_13] : memref<4x64x128xf32, #tpu.memory_space<vmem>>, vector<1x64x128xf32>
    %get3A_15 = vector.shape_cast %get3A_14 : vector<1x64x128xf32> to vector<64x128xf32>
    %dot_general3A_16 = arith.constant dense<0.000000e+00> : vector<1x128xf32>
    %dot_general3A_17 = tpu.matmul %get3A_10, %get3A_15, %dot_general3A_16 {dimension_numbers = #tpu.dot_dimension_numbers<[1], [0], [0], [1], [0, 0, 1, 1], [], []>, transpose_lhs_hint = false} : vector<1x64xf32>, vector<64x128xf32>, vector<1x128xf32> -> vector<1x128xf32>
    %add3A = arith.addf %dot_general3A_7, %dot_general3A_17 : vector<1x128xf32>
    %get3A_18 = arith.constant 0 : index
    %get3A_19 = arith.constant 0 : index
    %get3A_20 = vector.load %arg1[%get3A_18, %get3A_19] : memref<2x64xf32, #tpu.memory_space<vmem>>, vector<1x64xf32>
    %get3A_21 = arith.constant 2 : index
    %get3A_22 = arith.constant 0 : index
    %get3A_23 = arith.constant 0 : index
    %get3A_24 = vector.load %arg2[%get3A_21, %get3A_22, %get3A_23] : memref<4x64x128xf32, #tpu.memory_space<vmem>>, vector<1x64x128xf32>
    %get3A_25 = vector.shape_cast %get3A_24 : vector<1x64x128xf32> to vector<64x128xf32>
    %dot_general3A_26 = arith.constant dense<0.000000e+00> : vector<1x128xf32>
    %dot_general3A_27 = tpu.matmul %get3A_20, %get3A_25, %dot_general3A_26 {dimension_numbers = #tpu.dot_dimension_numbers<[1], [0], [0], [1], [0, 0, 1, 1], [], []>, transpose_lhs_hint = false} : vector<1x64xf32>, vector<64x128xf32>, vector<1x128xf32> -> vector<1x128xf32>
    %add3A_28 = arith.addf %add3A, %dot_general3A_27 : vector<1x128xf32>
    %get3A_29 = arith.constant 1 : index
    %get3A_30 = arith.constant 0 : index
    %get3A_31 = vector.load %arg1[%get3A_29, %get3A_30] : memref<2x64xf32, #tpu.memory_space<vmem>>, vector<1x64xf32>
    %get3A_32 = arith.constant 3 : index
    %get3A_33 = arith.constant 0 : index
    %get3A_34 = arith.constant 0 : index
    %get3A_35 = vector.load %arg2[%get3A_32, %get3A_33, %get3A_34] : memref<4x64x128xf32, #tpu.memory_space<vmem>>, vector<1x64x128xf32>
    %get3A_36 = vector.shape_cast %get3A_35 : vector<1x64x128xf32> to vector<64x128xf32>
    %dot_general3A_37 = arith.constant dense<0.000000e+00> : vector<1x128xf32>
    %dot_general3A_38 = tpu.matmul %get3A_31, %get3A_36, %dot_general3A_37 {dimension_numbers = #tpu.dot_dimension_numbers<[1], [0], [0], [1], [0, 0, 1, 1], [], []>, transpose_lhs_hint = false} : vector<1x64xf32>, vector<64x128xf32>, vector<1x128xf32> -> vector<1x128xf32>
    %add3A_39 = arith.addf %add3A_28, %dot_general3A_38 : vector<1x128xf32>
    %get3A_40 = arith.constant 0 : index
    %get3A_41 = arith.constant 0 : index
    %get3A_42 = vector.load %arg3[%get3A_40, %get3A_41] : memref<1x128xf32, #tpu.memory_space<vmem>>, vector<1x128xf32>
    %add3A_43 = arith.addf %add3A_39, %get3A_42 : vector<1x128xf32>
    %iota3A = tpu.iota {dimensions = array<i32: 1>} : vector<1x128xi32>
    %lt3A = arith.constant 4 : i32
    %lt3A_44 = vector.broadcast %lt3A : i32 to vector<1x128xi32>
    %lt3A_45 = arith.cmpi slt, %iota3A, %lt3A_44 : vector<1x128xi32>
    %jit3A = arith.constant 0xFF800000 : f32
    %broadcast_in_dim3A = vector.broadcast %jit3A : f32 to vector<1x128xf32>
    %select_n3A = arith.select %lt3A_45, %add3A_43, %broadcast_in_dim3A : vector<1x128xi1>, vector<1x128xf32>
    %reduce_max3A = vector.shape_cast %select_n3A : vector<1x128xf32> to vector<1x1x128xf32>
    %reduce_max3A_46 = arith.constant dense<0xFF800000> : vector<1xf32>
    %reduce_max3A_47 = vector.multi_reduction <maximumf>, %reduce_max3A, %reduce_max3A_46 [1, 2] : vector<1x1x128xf32> to vector<1xf32>
    %reduce_max3A_48 = vector.shape_cast %reduce_max3A_47 : vector<1xf32> to vector<1x1x1xf32>
    %reduce_max3A_49 = vector.extract %reduce_max3A_48[0, 0, 0] : f32 from vector<1x1x1xf32>
    %lt3A_50 = arith.constant 4 : i32
    %lt3A_51 = vector.broadcast %lt3A_50 : i32 to vector<1x128xi32>
    %lt3A_52 = arith.cmpi slt, %iota3A, %lt3A_51 : vector<1x128xi32>
    %sub3A = vector.broadcast %reduce_max3A_49 : f32 to vector<1x128xf32>
    %sub3A_53 = arith.subf %add3A_43, %sub3A : vector<1x128xf32>
    %exp3A = math.exp %sub3A_53 : vector<1x128xf32>
    %jit3A_54 = arith.constant 0.000000e+00 : f32
    %broadcast_in_dim3A_55 = vector.broadcast %jit3A_54 : f32 to vector<1x128xf32>
    %select_n3A_56 = arith.select %lt3A_52, %exp3A, %broadcast_in_dim3A_55 : vector<1x128xi1>, vector<1x128xf32>
    %reduce_sum3A = vector.shape_cast %select_n3A_56 : vector<1x128xf32> to vector<1x1x128xf32>
    %reduce_sum3A_57 = arith.constant dense<0.000000e+00> : vector<1xf32>
    %reduce_sum3A_58 = vector.multi_reduction <add>, %reduce_sum3A, %reduce_sum3A_57 [1, 2] : vector<1x1x128xf32> to vector<1xf32>
    %reduce_sum3A_59 = vector.shape_cast %reduce_sum3A_58 : vector<1xf32> to vector<1x1x1xf32>
    %reduce_sum3A_60 = vector.extract %reduce_sum3A_59[0, 0, 0] : f32 from vector<1x1x1xf32>
    %log3A = math.log %reduce_sum3A_60 : f32
    %add3A_61 = arith.addf %log3A, %reduce_max3A_49 : f32
    %sub3A_62 = vector.broadcast %add3A_61 : f32 to vector<1x128xf32>
    %sub3A_63 = arith.subf %add3A_43, %sub3A_62 : vector<1x128xf32>
    %broadcast_in_dim3A_64 = vector.shape_cast %sub3A_63 : vector<1x128xf32> to vector<1x128xf32>
    %broadcast_in_dim3A_65 = vector.broadcast %broadcast_in_dim3A_64 : vector<1x128xf32> to vector<8x128xf32>
    %swap3A = arith.constant 0 : index
    %swap3A_66 = arith.constant 0 : index
    %swap3A_67 = vector.load %arg4[%swap3A, %swap3A_66] : memref<8x128xf32, #tpu.memory_space<vmem>>, vector<8x128xf32>
    tpu.vector_store %arg4[%swap3A, %swap3A_66], %broadcast_in_dim3A_65 {strides = array<i32>} : memref<8x128xf32, #tpu.memory_space<vmem>>, vector<8x128xf32>,
    return
  }
}

</mosaic_0001>

<sc_bundles>
// kernel: kernel.15.cloned.1.call-start
scs
__scs_entry_jumppad:
0x0: {  	(pc) =	sbr.rel $0x88, $3  }
0x1: {  	(tag) =	ssettag $0x0;
	lr =	simm.s32 $0x1  }
0x2: {  	[smem:$0x3F97] =	sst lr;
	_ =	strace $0xD0000000  }
0x3: {  	_ = 	snop  }
0x4: {  	_ = 	snop  }
0x5: {  	_ = 	snop  }
0x6: {  	_ = 	snop  }
0x7: {  	_ = 	snop  }
__scs_overlays_trampoline_lowered:
0x8: {  	[smem:$0x3FA6] =	sst s0  }
0x9: {  	[smem:$0x3FA7] =	sst s1  }
0xa: {  	[smem:$0x3FA8] =	sst s2  }
0xb: {  	[smem:$0x3FA9] =	sst s3  }
0xc: {  	[smem:$0x3FAA] =	sst s4  }
0xd: {  	[smem:$0x3FAB] =	sst s5  }
0xe: {  	[smem:$0x3FAC] =	sst s6  }
0xf: {  	[smem:$0x3FAD] =	sst s7  }
0x10: {  	[smem:$0x3FAE] =	sst s8  }
0x11: {  	[smem:$0x3FAF] =	sst s9;
	s0 =	simm.s32 @!p0 $0x0  }
0x12: {  	s1 =	sld [smem:$0x3F95];
	s0 =	simm.s32 @p0 $0x1  }
0x13: {  	[smem:$0x3FB0] =	sst s0;
	s0 =	simm.s32 @!p1 $0x0  }
0x14: {  	s2 =	sld [smem:$0x3F94];
	s0 =	simm.s32 @p1 $0x1  }
0x15: {  	[smem:$0x3FB1] =	sst s0;
	s0 =	simm.s32 @!p2 $0x0  }
0x16: {  	s3 =	sld [smem:$0x3FDB];
	s0 =	simm.s32 @p2 $0x1  }
0x17: {  	s4 =	simm.s32 $0x1BF5;
	[smem:$0x3FB3] =	sst s0  }
0x18: {  	s0 =	sld [smem:$0x3F96];
	_ =	swait.ge [sflag:s4], $0x0  }
0x19: {  	s7 =	sld [smem:$0x3F97]  }
0x1a: {  	s8 =	sadd.s32 $0xFFFFE003, lr  }
0x1b: {  	s9 =	sadd.s32 $0xFFFFFEF7, lr;
	s5 =	simm.s32 $0xFFFFFFFF;
	p2 =	slt.u32 s8, $0xFFFFF086  }
0x1c: {  	p1 =	slt.u32 s9, $0xF7A;
	s5 =	simm.s32 @!p2 $0x0  }
0x1d: {  	s5 =	simm.s32 @p1 $0x1;
	p0 =	seq.s32 s7, s2  }
0x1e: {  	s7 =	smul.u32 @!p0 $0xF7A, s2;
	p2 =	seq.s32 @!p0 s5, $0x0  }
0x1f: {  	s9 =	smul.u32 $0xF7A, s1;
	s8 =	simm.s32 @!p0 $0x1BF5;
	p2 =	por !p2, p0  }
0x20: {  	[sflag:s8] =	ssyncset.s32 @!p0 $0xFFFFF086;
	s6 =	sadd.s32 @!p0 s3, s7;
	s7 =	simm.s32 @!p0 $0x108  }
0x21: {  	s3 =	sadd.s32 s3, s9;
	s6 =	sadd.s32 @!p0 $0x88, s6;
	s7 =	simm.s32 @p2 $0x1082  }
0x22: {  	[simem:s7], [sflag:s8] =	dma.local @!p0 [hbm:s6], $0xF7A  }
0x23: {  	s9 =	sor.u32 $0xD0000000, s2;
	s6 =	simm.s32 $0x108;
	_ =	swait.ge @!p0 [sflag:s8], $0x0  }
0x24: {  	s3 =	sadd.s32 $0x88, s3;
	s6 =	simm.s32 @!p1 $0x1082;
	[sflag:s4] =	ssyncset.s32 $0xFFFFF086  }
0x25: {  	[simem:s6], [sflag:s4] =	dma.local [hbm:s3], $0xF7A  }
0x26: {  	[smem:$0x3F97] =	sst s1;
	(tag) =	ssettag s2;
	_ =	strace s9  }
0x27: {  	s1 =	sld [smem:$0x3FA7]  }
0x28: {  	s2 =	sld [smem:$0x3FA8]  }
0x29: {  	s4 =	sld [smem:$0x3FAA]  }
0x2a: {  	p0 =	seq.s32 s5, $0x0;
	s5 =	sld [smem:$0x3FAB]  }
0x2b: {  	s6 =	sld [smem:$0x3FAC]  }
0x2c: {  	s7 =	sld [smem:$0x3FAD]  }
0x2d: {  	s3 =	simm.s32 $0x108;
	s8 =	sld [smem:$0x3FAE]  }
0x2e: {  	s3 =	simm.s32 @!p0 $0x1082;
	s9 =	sld [smem:$0x3FAF]  }
0x2f: {  	lr =	sadd.s32 s0, s3;
	s0 =	sld [smem:$0x3FA6]  }
0x30: {  	s3 =	sld [smem:$0x3FA9]  }
0x31: {  	[smem:$0x3FB2] =	sst s10  }
0x32: {  	s10 =	sld [smem:$0x3FB0];
	_ =	sdelay $0x3  }
0x33: {  	p0 =	seq.s32 s10, $0x1;
	s10 =	sld [smem:$0x3FB2];
	_ =	sdelay $0x3  }
0x34: {  	[smem:$0x3FB2] =	sst s10  }
0x35: {  	s10 =	sld [smem:$0x3FB1];
	_ =	sdelay $0x3  }
0x36: {  	p1 =	seq.s32 s10, $0x1;
	s10 =	sld [smem:$0x3FB2];
	_ =	sdelay $0x3  }
0x37: {  	[smem:$0x3FB2] =	sst s10  }
0x38: {  	s10 =	sld [smem:$0x3FB3]  }
0x39: {  	_ = 	snop;
	(pc) =	sbr.ind lr, $3  }
0x3a: {  	_ = 	snop  }
0x3b: {  	_ = 	snop  }
0x3c: {  	p2 =	seq.s32 s10, $0x1;
	s10 =	sld [smem:$0x3FB2]  }
0x3d: {  	_ =	shalt  }
0x3e: {  	_ =	shalt  }
0x3f: {  	_ =	shalt  }
0x40: {  	_ =	shalt  }
0x41: {  	_ =	shalt  }
0x42: {  	_ =	shalt  }
0x43: {  	_ =	shalt  }
0x44: {  	_ =	shalt  }
0x45: {  	_ =	shalt  }
0x46: {  	_ =	shalt  }
0x47: {  	_ =	shalt  }
0x48: {  	_ =	shalt  }
0x49: {  	_ =	shalt  }
0x4a: {  	_ =	shalt  }
0x4b: {  	_ =	shalt  }
0x4c: {  	_ =	shalt  }
0x4d: {  	_ =	shalt  }
0x4e: {  	_ =	shalt  }
0x4f: {  	_ =	shalt  }
0x50: {  	_ =	shalt  }
0x51: {  	_ =	shalt  }
0x52: {  	_ =	shalt  }
0x53: {  	_ =	shalt  }
0x54: {  	_ =	shalt  }
0x55: {  	_ =	shalt  }
0x56: {  	_ =	shalt  }
0x57: {  	_ =	shalt  }
0x58: {  	_ =	shalt  }
0x59: {  	_ =	shalt  }
0x5a: {  	_ =	shalt  }
0x5b: {  	_ =	shalt  }
0x5c: {  	_ =	shalt  }
0x5d: {  	_ =	shalt  }
0x5e: {  	_ =	shalt  }
0x5f: {  	_ =	shalt  }
0x60: {  	_ =	shalt  }
0x61: {  	_ =	shalt  }
0x62: {  	_ =	shalt  }
0x63: {  	_ =	shalt  }
0x64: {  	_ =	shalt  }
0x65: {  	_ =	shalt  }
0x66: {  	_ =	shalt  }
0x67: {  	_ =	shalt  }
0x68: {  	_ =	shalt  }
0x69: {  	_ =	shalt  }
0x6a: {  	_ =	shalt  }
0x6b: {  	_ =	shalt  }
0x6c: {  	_ =	shalt  }
0x6d: {  	_ =	shalt  }
0x6e: {  	_ =	shalt  }
0x6f: {  	_ =	shalt  }
0x70: {  	_ =	shalt  }
0x71: {  	_ =	shalt  }
0x72: {  	_ =	shalt  }
0x73: {  	_ =	shalt  }
0x74: {  	_ =	shalt  }
0x75: {  	_ =	shalt  }
0x76: {  	_ =	shalt  }
0x77: {  	_ =	shalt  }
0x78: {  	_ =	shalt  }
0x79: {  	_ =	shalt  }
0x7a: {  	_ =	shalt  }
0x7b: {  	_ =	shalt  }
0x7c: {  	_ =	shalt  }
0x7d: {  	_ =	shalt  }
0x7e: {  	_ =	shalt  }
0x7f: {  	_ =	shalt  }
0x80: {  	_ =	shalt  }
0x81: {  	_ =	shalt  }
0x82: {  	_ =	shalt  }
0x83: {  	_ =	shalt  }
0x84: {  	_ =	shalt  }
0x85: {  	_ =	shalt  }
0x86: {  	_ =	shalt  }
0x87: {  	_ =	shalt  }
.Lfunc_end0:
.L_simem_size_0:
called_computation_lowered:
.L_overlay_start_0:
0x88: {  	s2 =	sld [smem:$0x3FD9]  }
0x89: {  	s3 =	sld [smem:$0x3FFE];
	_ =	sdelay $0x1  }
0x8a: {  	s1 =	srdreg.scid  }
0x8b: {  	s0 =	sand.u32 $0x1, s1  }
0x8c: {  	s16 =	sshll.u32 s0, $0xA;
	s2 =	sadd.s32 s3, s2  }
0x8d: {  	s2 =	sadd.s32 s2, s16  }
0x8e: {  	[smem:$0x3FBE] =	sst s2  }
0x8f: {  	_ = 	snop  }
0x90: {  	(tm) =	ssettm $0x1  }
0x91: {  	s17 =	sld [smem:$0x3FFB];
	_ =	sdelay $0x3  }
0x92: {  	_ =	strace s17  }
0x93: {  	s2 =	sld [smem:$0x3FFC];
	_ =	sdelay $0x3  }
0x94: {  	_ =	strace s2  }
0x95: {  	s2 =	sld [smem:$0x3FFD];
	_ =	sdelay $0x3  }
0x96: {  	_ =	strace s2  }
0x97: {  	_ =	strace $0x8FFFFFFF  }
0x98: {  	s18 =	sld [smem:$0x3FDB];
	_ =	sdelay $0x1  }
0x99: {  	s19 =	simm.s32 $_scs_section_size  }
0x9a: {  	s4 =	simm.s32 $_size__tile_overlayer_lowered;
	s5 =	simm.s32 $_tile_overlayer_lowered  }
0x9b: {  	s22 =	simm.s32 $0x1BFF;
	s21 =	sshll.u32 s5, $0x1;
	s2 =	sadd.s32 s19, s18  }
0x9c: {  	s6 =	simm.s32 $0x0;
	s20 =	sshll.u32 s4, $0x1;
	s4 =	sadd.s32 s21, s2  }
0x9d: {  	[timem:s6], [sflag:s22] =	dma.local [hbm:s4], s20  }
0x9e: {  	_ =	swait.ge [sflag:s22], s20  }
0x9f: {  	s3 =	ssub.s32 $0x0, s20;
	[sflag:s22] =	ssyncset.done $0x0  }
0xa0: {  	[sflag:s22] =	ssyncadd.s32 s3;
	_ =	sdelay $0x1  }
0xa1: {  	s23 =	simm.s32 $0x1B8B  }
0xa2: {  	_ =	swait.ge [sflag:s23], $0x1  }
0xa3: {  	[sflag:s23] =	ssyncset.done $0x0  }
0xa4: {  	s25 =	simm.s32 $0x1B8E;
	s24 =	sld [smem:$0x3FFE];
	[sflag:s23] =	ssyncadd.s32 $0xFFFFFFFF  }
0xa5: {  	s26 =	simm.s32 $execute0_lowered;
	[smem:$0x3FD2] =	sst s25  }
0xa6: {  	s4 =	sshll.u32 s26, $0x1;
	_ =	strace $0x80000046;
	[dreg:$0x1] =	wrdreg $0xFFFFFFFF  }
0xa7: {  	s28 =	simm.s32 $_size_execute0_lowered;
	s2 =	sadd.s32 s2, s4;
	[dreg:$0x0] =	wrdreg $0x0  }
0xa8: {  	s4 =	sshll.u32 s28, $0x1;
	[dreg:$0x2] =	wrdreg s2  }
0xa9: {  	[dreg:$0x3] =	wrdreg s4  }
0xaa: {  	[dreg:$0x4] =	wrdreg $0xC0  }
0xab: {  	_ =	task [dreg:s6], $0x5FFFF  }
0xac: {  	[dreg:$0x1] =	wrdreg $0xFFFFFFFF  }
0xad: {  	[dreg:$0x0] =	wrdreg $0x60  }
0xae: {  	[dreg:$0x2] =	wrdreg s24  }
0xaf: {  	[dreg:$0x3] =	wrdreg $0x24000  }
0xb0: {  	[dreg:$0x4] =	wrdreg $0x9  }
0xb1: {  	_ =	task.clear_ibuf [dreg:s6], $0x5FFFF;
	_ =	strace $0x90000046  }
0xb2: {  	s29 =	simm.s32 $0x9;
	_ =	strace $0x80000048  }
0xb3: {  	_ =	swait.ge [sflag:s29], $0x1  }
0xb4: {  	[sflag:s29] =	ssyncadd.s32 $0xFFFFFFFF  }
0xb5: {  	_ =	strace $0x90000048  }
0xb6: {  	_ =	sfence  }
0xb7: {  	s30 =	sld [smem:$0x0];
	_ =	sdelay $0x2  }
0xb8: {  	s31 =	sshll.u32 s1, $0xD;
	s1 =	sshrl.u32 s1, $0x2  }
0xb9: {  	s3 =	sand.u32 $0x4000, s31;
	s1 =	sadd.s32 s1, s30  }
0xba: {  	s0 =	sor.u32 s3, s0;
	s1 =	sshll.u32 s1, $0x11  }
0xbb: {  	s0 =	sor.u32 s1, s0  }
0xbc: {  	s0 =	sadd.s32 $0x8F2B, s0  }
0xbd: {  	[sflag:s0] =	ssyncadd.remote.s32 $0x1  }
0xbe: {  	_ =	sfence.sel $0xFFFF  }
0xbf: {  	[dreg:$0x0] =	wrdreg $0xFFFFFFFF;
	(pc) =	sbr.abs _section_cstart, $3  }
0xc0: {  	[dreg:$0x1] =	wrdreg $0xFFFFFFFF  }
0xc1: {  	_ =	task.clear_ibuf [dreg:s6], $0x2FFFF;
	_ =	strace $0x9FFFFFFF  }
0xc2: {  	(tm) =	ssettm $0x7FFFFFFF  }
0xc3: {  	_ =	shalt  }
tec
execute0_lowered:
.L_overlay_start_1:
0x0: {  	(tag) =	ssettag $0x1  }
0x1: {  	s6 =	rddreg [dreg:$0x0]  }
0x2: {  	s2 =	rddreg [dreg:$0x1]  }
0x3: {  	s0 =	rddreg [dreg:$0x2]  }
0x4: {  	s1 =	stileid.u32;
	s4 =	srdreg.scid;
	s3 =	simm.s32 $0x0  }
0x5: {  	s13 =	simm.s32 $0x200;
	s14 =	simm.s32 $0x1;
	s15 =	simm.s32 $0x2  }
0x6: {  	s16 =	simm.s32 $0x0;
	s7 =	sand.u32 $0x1, s4;
	s8 =	smul.u32 $0x2780, s1  }
0x7: {  	[smem:$0x7FF] =	sst s3;
	s5 =	sshll.u32 s1, $0x7;
	s30 =	sshll.u32 s1, $0x6  }
0x8: {  	s4 =	smul.u32 $0x27800, s7;
	_ =	strace $0x80000047;
	s9 =	sadd.s32 s5, s6  }
0x9: {  	s10 =	ssub.s32 $0x2, s7;
	s5 =	sadd.s32 $0xBA00, s6;
	s31 =	sshll.u32 s7, $0x6  }
0xa: {  	s12 =	sshrl.u32 s10, $0x1;
	s29 =	sadd.s32 s8, s2;
	s9 =	sadd.s32 s31, s9  }
0xb: {  	s28 =	sadd.s32 s8, s4;
	s4 =	sadd.s32 $0xC000, s6;
	s10 =	ssub.s32 s10, s12  }
0xc: {  	s9 =	sadd.s32 $0x1A00, s9;
	s12 =	simm.s32 $0x400;
	s11 =	sshrl.u32 s28, $0x3  }
0xd: {  	s8 =	smax.u32 s10, $0x1;
	s10 =	sshrl.u32 s29, $0x3;
	s11 =	sadd.s32 s11, s6  }
0xe: {  	s6 =	sor.u32 $0x1C03, s30;
	s7 =	sadd.s32 $0xC400, s11;
	s11 =	simm.s32 $0x3  }
.LBB2_1:
0xf: {  	[spmem:s10], [sflag:s6] =	dma.local [hbm:s5], $0x4F0  }
0x10: {  	_ =	swait.ge [sflag:s11], $0x4F0  }
0x11: {  	[sflag:s11] =	ssyncset.done $0x0  }
0x12: {  	[sflag:s11] =	ssyncadd.s32 $0xFFFFFB10  }
0x13: {  	[tilespmem:s12], [sflag:$0x3] =	stream.linear.gather [hbm4b:s4+s3], $0x2000, $0x38;
	[tilespmem:$0x4B80] =	vst v63  }
0x14: {  	_ =	swait.ge [sflag:s11], $0x2000  }
0x15: {  	[sflag:s11] =	ssyncset.done $0x0  }
0x16: {  	[sflag:s11] =	ssyncadd.s32 $0xFFFFE000  }
0x17: {  	s17 =	sadd.s32 $0x0, s9;
	[bflag:$0x0] =	sbarrier.arrive $0xFFFF  }
0x18: {  	[tilespmem:s3], [sflag:$0x1] =	stream.linear.gather [hbm4b:s17+s3], $0x200, $0x38;
	[tilespmem:$0x4B80] =	vst v63  }
0x19: {  	s17 =	sadd.s32 $0x800, s17  }
0x1a: {  	[tilespmem:s13], [sflag:$0x1] =	stream.linear.gather [hbm4b:s17+s3], $0x200, $0x38;
	[tilespmem:$0x4B80] =	vst v63  }
0x1b: {  	_ =	swait.ge [sflag:s14], $0x200  }
0x1c: {  	[sflag:s14] =	ssyncset.done $0x0  }
0x1d: {  	[sflag:s14] =	ssyncadd.s32 $0xFFFFFE00  }
0x1e: {  	_ =	swait.ge [sflag:s14], $0x200  }
0x1f: {  	[sflag:s14] =	ssyncset.done $0x0  }
0x20: {  	[sflag:s14] =	ssyncadd.s32 $0xFFFFFE00  }
0x21: {  	[spmem:s2] =	stream.indirect.scatter.add.f32 [tilespmem:s12], [sflag:$0x2], $0x10, s3, s13, $0xb8;
	[tilespmem:$0x4B80] =	vst v63  }
0x22: {  	_ = 	snop  }
0x23: {  	[spmem:s2] =	stream.indirect.scatter.add.f32 [tilespmem:s12], [sflag:$0x2], $0x10, s13, s13, $0xb8;
	[tilespmem:$0x4B80] =	vst v63  }
0x24: {  	_ =	swait.ge [sflag:s15], $0x2000  }
0x25: {  	[sflag:s15] =	ssyncset.done $0x0  }
0x26: {  	[sflag:s15] =	ssyncadd.s32 $0xFFFFE000  }
0x27: {  	_ =	swait.ge [sflag:s15], $0x2000  }
0x28: {  	s18 =	simm.s32 $0x2000;
	s17 =	simm.s32 $0x1000;
	[sflag:s15] =	ssyncset.done $0x0  }
.LBB2_2:
0x29: {  	s19 =	sadd.s32 s17, s9  }
0x2a: {  	[sflag:s15] =	ssyncadd.s32 $0xFFFFE000;
	s17 =	smov.u32 s18;
	s20 =	sadd.s32 $0x1000, s18  }
0x2b: {  	[tilespmem:s3], [sflag:$0x1] =	stream.linear.gather [hbm4b:s19+s3], $0x200, $0x38;
	[tilespmem:$0x4B80] =	vst v63  }
0x2c: {  	p0 =	sne.s32 s18, $0x9000;
	s18 =	sadd.s32 $0x800, s19  }
0x2d: {  	[tilespmem:s13], [sflag:$0x1] =	stream.linear.gather [hbm4b:s18+s3], $0x200, $0x38;
	[tilespmem:$0x4B80] =	vst v63  }
0x2e: {  	_ =	swait.ge [sflag:s14], $0x200  }
0x2f: {  	[sflag:s14] =	ssyncset.done $0x0  }
0x30: {  	[sflag:s14] =	ssyncadd.s32 $0xFFFFFE00  }
0x31: {  	_ =	swait.ge [sflag:s14], $0x200  }
0x32: {  	[sflag:s14] =	ssyncset.done $0x0  }
0x33: {  	[sflag:s14] =	ssyncadd.s32 $0xFFFFFE00  }
0x34: {  	[spmem:s2] =	stream.indirect.scatter.add.f32 [tilespmem:s12], [sflag:$0x2], $0x10, s3, s13, $0xb8;
	[tilespmem:$0x4B80] =	vst v63  }
0x35: {  	_ = 	snop  }
0x36: {  	[spmem:s2] =	stream.indirect.scatter.add.f32 [tilespmem:s12], [sflag:$0x2], $0x10, s13, s13, $0xb8;
	[tilespmem:$0x4B80] =	vst v63  }
.Ltmp0:
0x37: {  	_ =	swait.ge [sflag:s15], $0x2000;
	(pc) =	sbr.rel @p0 .LBB2_2-.Ltmp0, $4  }
0x38: {  	[sflag:s15] =	ssyncset.done $0x0  }
0x39: {  	[sflag:s15] =	ssyncadd.s32 $0xFFFFE000  }
0x3a: {  	_ =	swait.ge [sflag:s15], $0x2000  }
0x3b: {  	s18 =	smov.u32 s20;
	[sflag:s15] =	ssyncset.done $0x0  }
0x3c: {  	s17 =	sadd.s32 s17, s9;
	[sflag:s15] =	ssyncadd.s32 $0xFFFFE000  }
0x3d: {  	[tilespmem:s3], [sflag:$0x1] =	stream.linear.gather [hbm4b:s17+s3], $0x200, $0x38;
	[tilespmem:$0x4B80] =	vst v63  }
0x3e: {  	s17 =	sadd.s32 $0x800, s17  }
0x3f: {  	[tilespmem:s13], [sflag:$0x1] =	stream.linear.gather [hbm4b:s17+s3], $0x200, $0x38;
	[tilespmem:$0x4B80] =	vst v63  }
0x40: {  	_ =	swait.ge [sflag:s14], $0x200  }
0x41: {  	[sflag:s14] =	ssyncset.done $0x0  }
0x42: {  	[sflag:s14] =	ssyncadd.s32 $0xFFFFFE00  }
0x43: {  	_ =	swait.ge [sflag:s14], $0x200  }
0x44: {  	[sflag:s14] =	ssyncset.done $0x0  }
0x45: {  	[sflag:s14] =	ssyncadd.s32 $0xFFFFFE00  }
0x46: {  	[spmem:s2] =	stream.indirect.scatter.add.f32 [tilespmem:s12], [sflag:$0x2], $0x10, s3, s13, $0xb8;
	[tilespmem:$0x4B80] =	vst v63  }
0x47: {  	_ = 	snop  }
0x48: {  	[spmem:s2] =	stream.indirect.scatter.add.f32 [tilespmem:s12], [sflag:$0x2], $0x10, s13, s13, $0xb8;
	[tilespmem:$0x4B80] =	vst v63  }
0x49: {  	_ =	swait.ge [sflag:s15], $0x2000  }
0x4a: {  	[sflag:s15] =	ssyncset.done $0x0  }
0x4b: {  	[sflag:s15] =	ssyncadd.s32 $0xFFFFE000  }
0x4c: {  	_ =	swait.ge [sflag:s15], $0x2000  }
0x4d: {  	s16 =	sadd.s32 $0x1, s16;
	[sflag:s15] =	ssyncset.done $0x0  }
0x4e: {  	p0 =	sne.s32 s16, s8;
	[sflag:s15] =	ssyncadd.s32 $0xFFFFE000  }
.Ltmp1:
0x4f: {  	[bflag:$0x0] =	sbarrier.arrive $0xFFFF;
	(pc) =	sbr.rel @p0 .LBB2_1-.Ltmp1, $4  }
0x50: {  	[hbm:s7], [sflag:s6] =	dma.local [spmem:s10], $0x4F0  }
0x51: {  	_ =	swait.ge [sflag:s11], $0x4F0  }
0x52: {  	[sflag:s11] =	ssyncset.done $0x0  }
0x53: {  	[sflag:s11] =	ssyncadd.s32 $0xFFFFFB10  }
0x54: {  	_ =	sfence.sel $0x180000  }
0x55: {  	[bflag:$0x0] =	sbarrier.arrive $0xFFFF  }
0x56: {  	p0 =	sne.s32 s1, $0x0;
	_ =	strace $0x90000047  }
0x57: {  	s0 =	sadd.s32 @!p0 $0x100000, s0;
	[bflag:$0x2] =	sbarrier.arrive $0xFFFF  }
0x58: {  	[sflag:s0] =	ssyncadd.tile.s32 @!p0 $0x1;
	_ =	shalt  }
.Lfunc_end2:
_tile_overlayer_lowered:
.L_overlay_start_2:
0x59: {  	(tag) =	ssettag $0x2  }
0x5a: {  	s0 =	rddreg [dreg:$0x0];
	s2 =	stileid.u32  }
0x5b: {  	s1 =	rddreg [dreg:$0x1];
	p0 =	sne.s32 s2, $0x0  }
0x5c: {  	s3 =	rddreg [dreg:$0x2];
	[bflag:$0x3] =	sbarrier.arrive $0xFFFF;
	s2 =	simm.s32 @!p0 $0x1C03  }
0x5d: {  	[timem:s3], [sflag:s2] =	dma.local @!p0 [hbm:s0], s1  }
0x5e: {  	s0 =	simm.s32 @!p0 $0x3  }
0x5f: {  	_ =	swait.ge @!p0 [sflag:s0], s1  }
0x60: {  	s1 =	ssub.s32 @!p0 $0x0, s1;
	[sflag:s0] =	ssyncset.done @!p0 $0x0  }
0x61: {  	[sflag:s0] =	ssyncadd.s32 @!p0 s1  }
0x62: {  	[bflag:$0x3] =	sbarrier.arrive $0xFFFF  }
0x63: {  	_ =	shalt  }

// kernel: kernel.18.cloned.1.call-start
scs
__scs_entry_jumppad:
0x0: {  	(pc) =	sbr.rel $0x88, $3  }
0x1: {  	(tag) =	ssettag $0x0;
	lr =	simm.s32 $0x1  }
0x2: {  	[smem:$0x3F97] =	sst lr;
	_ =	strace $0xD0000000  }
0x3: {  	_ = 	snop  }
0x4: {  	_ = 	snop  }
0x5: {  	_ = 	snop  }
0x6: {  	_ = 	snop  }
0x7: {  	_ = 	snop  }
__scs_overlays_trampoline_lowered:
0x8: {  	[smem:$0x3FA6] =	sst s0  }
0x9: {  	[smem:$0x3FA7] =	sst s1  }
0xa: {  	[smem:$0x3FA8] =	sst s2  }
0xb: {  	[smem:$0x3FA9] =	sst s3  }
0xc: {  	[smem:$0x3FAA] =	sst s4  }
0xd: {  	[smem:$0x3FAB] =	sst s5  }
0xe: {  	[smem:$0x3FAC] =	sst s6  }
0xf: {  	[smem:$0x3FAD] =	sst s7  }
0x10: {  	[smem:$0x3FAE] =	sst s8  }
0x11: {  	[smem:$0x3FAF] =	sst s9;
	s0 =	simm.s32 @!p0 $0x0  }
0x12: {  	s1 =	sld [smem:$0x3F95];
	s0 =	simm.s32 @p0 $0x1  }
0x13: {  	[smem:$0x3FB0] =	sst s0;
	s0 =	simm.s32 @!p1 $0x0  }
0x14: {  	s2 =	sld [smem:$0x3F94];
	s0 =	simm.s32 @p1 $0x1  }
0x15: {  	[smem:$0x3FB1] =	sst s0;
	s0 =	simm.s32 @!p2 $0x0  }
0x16: {  	s3 =	sld [smem:$0x3FDB];
	s0 =	simm.s32 @p2 $0x1  }
0x17: {  	s4 =	simm.s32 $0x1BF5;
	[smem:$0x3FB3] =	sst s0  }
0x18: {  	s0 =	sld [smem:$0x3F96];
	_ =	swait.ge [sflag:s4], $0x0  }
0x19: {  	s7 =	sld [smem:$0x3F97]  }
0x1a: {  	s8 =	sadd.s32 $0xFFFFE003, lr  }
0x1b: {  	s9 =	sadd.s32 $0xFFFFFEF7, lr;
	s5 =	simm.s32 $0xFFFFFFFF;
	p2 =	slt.u32 s8, $0xFFFFF086  }
0x1c: {  	p1 =	slt.u32 s9, $0xF7A;
	s5 =	simm.s32 @!p2 $0x0  }
0x1d: {  	s5 =	simm.s32 @p1 $0x1;
	p0 =	seq.s32 s7, s2  }
0x1e: {  	s7 =	smul.u32 @!p0 $0xF7A, s2;
	p2 =	seq.s32 @!p0 s5, $0x0  }
0x1f: {  	s9 =	smul.u32 $0xF7A, s1;
	s8 =	simm.s32 @!p0 $0x1BF5;
	p2 =	por !p2, p0  }
0x20: {  	[sflag:s8] =	ssyncset.s32 @!p0 $0xFFFFF086;
	s6 =	sadd.s32 @!p0 s3, s7;
	s7 =	simm.s32 @!p0 $0x108  }
0x21: {  	s3 =	sadd.s32 s3, s9;
	s6 =	sadd.s32 @!p0 $0x88, s6;
	s7 =	simm.s32 @p2 $0x1082  }
0x22: {  	[simem:s7], [sflag:s8] =	dma.local @!p0 [hbm:s6], $0xF7A  }
0x23: {  	s9 =	sor.u32 $0xD0000000, s2;
	s6 =	simm.s32 $0x108;
	_ =	swait.ge @!p0 [sflag:s8], $0x0  }
0x24: {  	s3 =	sadd.s32 $0x88, s3;
	s6 =	simm.s32 @!p1 $0x1082;
	[sflag:s4] =	ssyncset.s32 $0xFFFFF086  }
0x25: {  	[simem:s6], [sflag:s4] =	dma.local [hbm:s3], $0xF7A  }
0x26: {  	[smem:$0x3F97] =	sst s1;
	(tag) =	ssettag s2;
	_ =	strace s9  }
0x27: {  	s1 =	sld [smem:$0x3FA7]  }
0x28: {  	s2 =	sld [smem:$0x3FA8]  }
0x29: {  	s4 =	sld [smem:$0x3FAA]  }
0x2a: {  	p0 =	seq.s32 s5, $0x0;
	s5 =	sld [smem:$0x3FAB]  }
0x2b: {  	s6 =	sld [smem:$0x3FAC]  }
0x2c: {  	s7 =	sld [smem:$0x3FAD]  }
0x2d: {  	s3 =	simm.s32 $0x108;
	s8 =	sld [smem:$0x3FAE]  }
0x2e: {  	s3 =	simm.s32 @!p0 $0x1082;
	s9 =	sld [smem:$0x3FAF]  }
0x2f: {  	lr =	sadd.s32 s0, s3;
	s0 =	sld [smem:$0x3FA6]  }
0x30: {  	s3 =	sld [smem:$0x3FA9]  }
0x31: {  	[smem:$0x3FB2] =	sst s10  }
0x32: {  	s10 =	sld [smem:$0x3FB0];
	_ =	sdelay $0x3  }
0x33: {  	p0 =	seq.s32 s10, $0x1;
	s10 =	sld [smem:$0x3FB2];
	_ =	sdelay $0x3  }
0x34: {  	[smem:$0x3FB2] =	sst s10  }
0x35: {  	s10 =	sld [smem:$0x3FB1];
	_ =	sdelay $0x3  }
0x36: {  	p1 =	seq.s32 s10, $0x1;
	s10 =	sld [smem:$0x3FB2];
	_ =	sdelay $0x3  }
0x37: {  	[smem:$0x3FB2] =	sst s10  }
0x38: {  	s10 =	sld [smem:$0x3FB3]  }
0x39: {  	_ = 	snop;
	(pc) =	sbr.ind lr, $3  }
0x3a: {  	_ = 	snop  }
0x3b: {  	_ = 	snop  }
0x3c: {  	p2 =	seq.s32 s10, $0x1;
	s10 =	sld [smem:$0x3FB2]  }
0x3d: {  	_ =	shalt  }
0x3e: {  	_ =	shalt  }
0x3f: {  	_ =	shalt  }
0x40: {  	_ =	shalt  }
0x41: {  	_ =	shalt  }
0x42: {  	_ =	shalt  }
0x43: {  	_ =	shalt  }
0x44: {  	_ =	shalt  }
0x45: {  	_ =	shalt  }
0x46: {  	_ =	shalt  }
0x47: {  	_ =	shalt  }
0x48: {  	_ =	shalt  }
0x49: {  	_ =	shalt  }
0x4a: {  	_ =	shalt  }
0x4b: {  	_ =	shalt  }
0x4c: {  	_ =	shalt  }
0x4d: {  	_ =	shalt  }
0x4e: {  	_ =	shalt  }
0x4f: {  	_ =	shalt  }
0x50: {  	_ =	shalt  }
0x51: {  	_ =	shalt  }
0x52: {  	_ =	shalt  }
0x53: {  	_ =	shalt  }
0x54: {  	_ =	shalt  }
0x55: {  	_ =	shalt  }
0x56: {  	_ =	shalt  }
0x57: {  	_ =	shalt  }
0x58: {  	_ =	shalt  }
0x59: {  	_ =	shalt  }
0x5a: {  	_ =	shalt  }
0x5b: {  	_ =	shalt  }
0x5c: {  	_ =	shalt  }
0x5d: {  	_ =	shalt  }
0x5e: {  	_ =	shalt  }
0x5f: {  	_ =	shalt  }
0x60: {  	_ =	shalt  }
0x61: {  	_ =	shalt  }
0x62: {  	_ =	shalt  }
0x63: {  	_ =	shalt  }
0x64: {  	_ =	shalt  }
0x65: {  	_ =	shalt  }
0x66: {  	_ =	shalt  }
0x67: {  	_ =	shalt  }
0x68: {  	_ =	shalt  }
0x69: {  	_ =	shalt  }
0x6a: {  	_ =	shalt  }
0x6b: {  	_ =	shalt  }
0x6c: {  	_ =	shalt  }
0x6d: {  	_ =	shalt  }
0x6e: {  	_ =	shalt  }
0x6f: {  	_ =	shalt  }
0x70: {  	_ =	shalt  }
0x71: {  	_ =	shalt  }
0x72: {  	_ =	shalt  }
0x73: {  	_ =	shalt  }
0x74: {  	_ =	shalt  }
0x75: {  	_ =	shalt  }
0x76: {  	_ =	shalt  }
0x77: {  	_ =	shalt  }
0x78: {  	_ =	shalt  }
0x79: {  	_ =	shalt  }
0x7a: {  	_ =	shalt  }
0x7b: {  	_ =	shalt  }
0x7c: {  	_ =	shalt  }
0x7d: {  	_ =	shalt  }
0x7e: {  	_ =	shalt  }
0x7f: {  	_ =	shalt  }
0x80: {  	_ =	shalt  }
0x81: {  	_ =	shalt  }
0x82: {  	_ =	shalt  }
0x83: {  	_ =	shalt  }
0x84: {  	_ =	shalt  }
0x85: {  	_ =	shalt  }
0x86: {  	_ =	shalt  }
0x87: {  	_ =	shalt  }
.Lfunc_end0:
.L_simem_size_0:
called_computation.1_lowered:
.L_overlay_start_0:
0x88: {  	s2 =	sld [smem:$0x3FD9]  }
0x89: {  	s3 =	sld [smem:$0x3FFE];
	_ =	sdelay $0x1  }
0x8a: {  	s1 =	srdreg.scid  }
0x8b: {  	s0 =	sand.u32 $0x1, s1  }
0x8c: {  	s16 =	sshll.u32 s0, $0xA;
	s2 =	sadd.s32 s3, s2  }
0x8d: {  	s2 =	sadd.s32 s2, s16  }
0x8e: {  	[smem:$0x3FBE] =	sst s2  }
0x8f: {  	_ = 	snop  }
0x90: {  	(tm) =	ssettm $0x1  }
0x91: {  	s17 =	sld [smem:$0x3FFB];
	_ =	sdelay $0x3  }
0x92: {  	_ =	strace s17  }
0x93: {  	s2 =	sld [smem:$0x3FFC];
	_ =	sdelay $0x3  }
0x94: {  	_ =	strace s2  }
0x95: {  	s2 =	sld [smem:$0x3FFD];
	_ =	sdelay $0x3  }
0x96: {  	_ =	strace s2  }
0x97: {  	_ =	strace $0x8FFFFFFF  }
0x98: {  	s18 =	sld [smem:$0x3FDB];
	_ =	sdelay $0x1  }
0x99: {  	s19 =	simm.s32 $_scs_section_size  }
0x9a: {  	s4 =	simm.s32 $_size__tile_overlayer_lowered;
	s5 =	simm.s32 $_tile_overlayer_lowered  }
0x9b: {  	s22 =	simm.s32 $0x1BFF;
	s21 =	sshll.u32 s5, $0x1;
	s2 =	sadd.s32 s19, s18  }
0x9c: {  	s6 =	simm.s32 $0x0;
	s20 =	sshll.u32 s4, $0x1;
	s4 =	sadd.s32 s21, s2  }
0x9d: {  	[timem:s6], [sflag:s22] =	dma.local [hbm:s4], s20  }
0x9e: {  	_ =	swait.ge [sflag:s22], s20  }
0x9f: {  	s3 =	ssub.s32 $0x0, s20;
	[sflag:s22] =	ssyncset.done $0x0  }
0xa0: {  	[sflag:s22] =	ssyncadd.s32 s3;
	_ =	sdelay $0x1  }
0xa1: {  	s23 =	simm.s32 $0x1B8B  }
0xa2: {  	_ =	swait.ge [sflag:s23], $0x1  }
0xa3: {  	[sflag:s23] =	ssyncset.done $0x0  }
0xa4: {  	s25 =	simm.s32 $0x1B8E;
	s24 =	sld [smem:$0x3FFE];
	[sflag:s23] =	ssyncadd.s32 $0xFFFFFFFF  }
0xa5: {  	s26 =	simm.s32 $execute0_lowered;
	[smem:$0x3FD2] =	sst s25  }
0xa6: {  	s4 =	sshll.u32 s26, $0x1;
	_ =	strace $0x80000049;
	[dreg:$0x1] =	wrdreg $0xFFFFFFFF  }
0xa7: {  	s28 =	simm.s32 $_size_execute0_lowered;
	s2 =	sadd.s32 s2, s4;
	[dreg:$0x0] =	wrdreg $0x0  }
0xa8: {  	s4 =	sshll.u32 s28, $0x1;
	[dreg:$0x2] =	wrdreg s2  }
0xa9: {  	[dreg:$0x3] =	wrdreg s4  }
0xaa: {  	[dreg:$0x4] =	wrdreg $0xC0  }
0xab: {  	_ =	task [dreg:s6], $0x5FFFF  }
0xac: {  	[dreg:$0x1] =	wrdreg $0xFFFFFFFF  }
0xad: {  	[dreg:$0x0] =	wrdreg $0x60  }
0xae: {  	[dreg:$0x2] =	wrdreg s24  }
0xaf: {  	[dreg:$0x3] =	wrdreg $0x108000  }
0xb0: {  	[dreg:$0x4] =	wrdreg $0x9  }
0xb1: {  	_ =	task.clear_ibuf [dreg:s6], $0x5FFFF;
	_ =	strace $0x90000049  }
0xb2: {  	s29 =	simm.s32 $0x9;
	_ =	strace $0x8000004B  }
0xb3: {  	_ =	swait.ge [sflag:s29], $0x1  }
0xb4: {  	[sflag:s29] =	ssyncadd.s32 $0xFFFFFFFF  }
0xb5: {  	_ =	strace $0x9000004B  }
0xb6: {  	_ =	sfence  }
0xb7: {  	s30 =	sld [smem:$0x0];
	_ =	sdelay $0x2  }
0xb8: {  	s31 =	sshll.u32 s1, $0xD;
	s1 =	sshrl.u32 s1, $0x2  }
0xb9: {  	s3 =	sand.u32 $0x4000, s31;
	s1 =	sadd.s32 s1, s30  }
0xba: {  	s0 =	sor.u32 s3, s0;
	s1 =	sshll.u32 s1, $0x11  }
0xbb: {  	s0 =	sor.u32 s1, s0  }
0xbc: {  	s0 =	sadd.s32 $0x8F2B, s0  }
0xbd: {  	[sflag:s0] =	ssyncadd.remote.s32 $0x1  }
0xbe: {  	_ =	sfence.sel $0xFFFF  }
0xbf: {  	[dreg:$0x0] =	wrdreg $0xFFFFFFFF;
	(pc) =	sbr.abs _section_cstart, $3  }
0xc0: {  	[dreg:$0x1] =	wrdreg $0xFFFFFFFF  }
0xc1: {  	_ =	task.clear_ibuf [dreg:s6], $0x2FFFF;
	_ =	strace $0x9FFFFFFF  }
0xc2: {  	(tm) =	ssettm $0x7FFFFFFF  }
0xc3: {  	_ =	shalt  }
tec
execute0_lowered:
.L_overlay_start_1:
0x0: {  	(tag) =	ssettag $0x1  }
0x1: {  	s6 =	rddreg [dreg:$0x0]  }
0x2: {  	s2 =	rddreg [dreg:$0x1]  }
0x3: {  	s0 =	rddreg [dreg:$0x2];
	s1 =	stileid.u32  }
0x4: {  	s4 =	srdreg.scid;
	s3 =	simm.s32 $0x0;
	s14 =	simm.s32 $0x400  }
0x5: {  	s15 =	simm.s32 $0x600;
	s16 =	simm.s32 $0x1;
	s17 =	simm.s32 $0x800  }
0x6: {  	s18 =	simm.s32 $0x8800;
	s19 =	simm.s32 $0x2;
	s20 =	simm.s32 $0x0  }
0x7: {  	s7 =	sand.u32 $0x1, s4;
	s8 =	smul.u32 $0x9E00, s1;
	[smem:$0x7FF] =	sst s3  }
0x8: {  	s4 =	sadd.s32 $0x6F200, s6;
	s9 =	sshll.u32 s1, $0x7;
	s29 =	sshll.u32 s1, $0x6  }
0x9: {  	s5 =	smul.u32 $0x9E000, s7;
	_ =	strace $0x8000004A;
	s11 =	ssub.s32 $0x2, s7  }
0xa: {  	s9 =	sadd.s32 s9, s6;
	s13 =	sshll.u32 s7, $0x6;
	s12 =	sshrl.u32 s11, $0x1  }
0xb: {  	s30 =	sadd.s32 s8, s2;
	s31 =	sadd.s32 s13, s9;
	s13 =	simm.s32 $0x200  }
0xc: {  	s10 =	sadd.s32 s8, s5;
	s5 =	sadd.s32 $0xC000, s6;
	s11 =	ssub.s32 s11, s12  }
0xd: {  	s9 =	sadd.s32 $0x16200, s31;
	s12 =	simm.s32 $0x3;
	s10 =	sshrl.u32 s10, $0x3  }
0xe: {  	s8 =	smax.u32 s11, $0x1;
	s11 =	sshrl.u32 s30, $0x3;
	s10 =	sadd.s32 s10, s6  }
0xf: {  	s6 =	sor.u32 $0x1C03, s29;
	s7 =	sadd.s32 $0x82C00, s10;
	s10 =	sadd.s32 $0x1A00, s31  }
.LBB2_1:
0x10: {  	[spmem:s11], [sflag:s6] =	dma.local [hbm:s5], $0x13C0  }
0x11: {  	_ =	swait.ge [sflag:s12], $0x13C0  }
0x12: {  	[sflag:s12] =	ssyncset.done $0x0  }
0x13: {  	[sflag:s12] =	ssyncadd.s32 $0xFFFFEC40  }
0x14: {  	s21 =	sadd.s32 $0x0, s9;
	[bflag:$0x0] =	sbarrier.arrive $0xFFFF  }
0x15: {  	[tilespmem:s3], [sflag:$0x1] =	stream.linear.gather [hbm4b:s21+s3], $0x200, $0x38;
	[tilespmem:$0x1A600] =	vst v63  }
0x16: {  	s21 =	sadd.s32 $0x800, s21  }
0x17: {  	[tilespmem:s13], [sflag:$0x1] =	stream.linear.gather [hbm4b:s21+s3], $0x200, $0x38;
	[tilespmem:$0x1A600] =	vst v63  }
0x18: {  	s31 =	sadd.s32 $0x0, s10  }
0x19: {  	[tilespmem:s14], [sflag:$0x1] =	stream.linear.gather [hbm4b:s31+s3], $0x200, $0x38;
	[tilespmem:$0x1A600] =	vst v63  }
0x1a: {  	s21 =	sadd.s32 $0x800, s31  }
0x1b: {  	[tilespmem:s15], [sflag:$0x1] =	stream.linear.gather [hbm4b:s21+s3], $0x200, $0x38;
	[tilespmem:$0x1A600] =	vst v63  }
0x1c: {  	_ =	swait.ge [sflag:s16], $0x200  }
0x1d: {  	[sflag:s16] =	ssyncset.done $0x0  }
0x1e: {  	[sflag:s16] =	ssyncadd.s32 $0xFFFFFE00  }
0x1f: {  	_ =	swait.ge [sflag:s16], $0x200  }
0x20: {  	[sflag:s16] =	ssyncset.done $0x0  }
0x21: {  	[sflag:s16] =	ssyncadd.s32 $0xFFFFFE00  }
0x22: {  	_ =	swait.ge [sflag:s16], $0x200  }
0x23: {  	[sflag:s16] =	ssyncset.done $0x0  }
0x24: {  	[sflag:s16] =	ssyncadd.s32 $0xFFFFFE00  }
0x25: {  	_ =	swait.ge [sflag:s16], $0x200  }
0x26: {  	[sflag:s16] =	ssyncset.done $0x0  }
0x27: {  	[sflag:s16] =	ssyncadd.s32 $0xFFFFFE00  }
0x28: {  	[tilespmem:s17], [sflag:$0x1] =	stream.indirect.gather [hbm4b:s4+s13], $0x40, s3, s13, $0xb8;
	[tilespmem:$0x1A600] =	vst v63  }
0x29: {  	_ = 	snop  }
0x2a: {  	[tilespmem:s18], [sflag:$0x1] =	stream.indirect.gather [hbm4b:s4+s13], $0x40, s13, s13, $0xb8;
	[tilespmem:$0x1A600] =	vst v63  }
0x2b: {  	_ =	swait.ge [sflag:s16], $0x8000  }
0x2c: {  	[sflag:s16] =	ssyncset.done $0x0  }
0x2d: {  	[sflag:s16] =	ssyncadd.s32 $0xFFFF8000  }
0x2e: {  	_ =	swait.ge [sflag:s16], $0x8000  }
0x2f: {  	[sflag:s16] =	ssyncset.done $0x0  }
0x30: {  	[sflag:s16] =	ssyncadd.s32 $0xFFFF8000  }
0x31: {  	[spmem:s2] =	stream.indirect.scatter.add.f32 [tilespmem:s17], [sflag:$0x2], $0x40, s14, s13, $0xb8;
	[tilespmem:$0x1A600] =	vst v63  }
0x32: {  	_ = 	snop  }
0x33: {  	[spmem:s2] =	stream.indirect.scatter.add.f32 [tilespmem:s18], [sflag:$0x2], $0x40, s15, s13, $0xb8;
	[tilespmem:$0x1A600] =	vst v63  }
0x34: {  	_ =	swait.ge [sflag:s19], $0x8000  }
0x35: {  	[sflag:s19] =	ssyncset.done $0x0  }
0x36: {  	[sflag:s19] =	ssyncadd.s32 $0xFFFF8000  }
0x37: {  	_ =	swait.ge [sflag:s19], $0x8000  }
0x38: {  	s23 =	simm.s32 $0x2000;
	s21 =	simm.s32 $0x1000;
	[sflag:s19] =	ssyncset.done $0x0  }
.LBB2_2:
0x39: {  	s24 =	sadd.s32 s21, s9  }
0x3a: {  	[sflag:s19] =	ssyncadd.s32 $0xFFFF8000;
	s25 =	smov.u32 s23;
	s22 =	sadd.s32 $0x1000, s23  }
0x3b: {  	[tilespmem:s3], [sflag:$0x1] =	stream.linear.gather [hbm4b:s24+s3], $0x200, $0x38;
	[tilespmem:$0x1A600] =	vst v63  }
0x3c: {  	p0 =	sne.s32 s23, $0x9000;
	s23 =	sadd.s32 $0x800, s24  }
0x3d: {  	[tilespmem:s13], [sflag:$0x1] =	stream.linear.gather [hbm4b:s23+s3], $0x200, $0x38;
	[tilespmem:$0x1A600] =	vst v63  }
0x3e: {  	s23 =	sadd.s32 s21, s10;
	s21 =	smov.u32 s25  }
0x3f: {  	[tilespmem:s14], [sflag:$0x1] =	stream.linear.gather [hbm4b:s23+s3], $0x200, $0x38;
	[tilespmem:$0x1A600] =	vst v63  }
0x40: {  	s23 =	sadd.s32 $0x800, s23  }
0x41: {  	[tilespmem:s15], [sflag:$0x1] =	stream.linear.gather [hbm4b:s23+s3], $0x200, $0x38;
	[tilespmem:$0x1A600] =	vst v63  }
0x42: {  	_ =	swait.ge [sflag:s16], $0x200  }
0x43: {  	[sflag:s16] =	ssyncset.done $0x0  }
0x44: {  	[sflag:s16] =	ssyncadd.s32 $0xFFFFFE00  }
0x45: {  	_ =	swait.ge [sflag:s16], $0x200  }
0x46: {  	[sflag:s16] =	ssyncset.done $0x0  }
0x47: {  	[sflag:s16] =	ssyncadd.s32 $0xFFFFFE00  }
0x48: {  	_ =	swait.ge [sflag:s16], $0x200  }
0x49: {  	[sflag:s16] =	ssyncset.done $0x0  }
0x4a: {  	[sflag:s16] =	ssyncadd.s32 $0xFFFFFE00  }
0x4b: {  	_ =	swait.ge [sflag:s16], $0x200  }
0x4c: {  	[sflag:s16] =	ssyncset.done $0x0  }
0x4d: {  	[sflag:s16] =	ssyncadd.s32 $0xFFFFFE00  }
0x4e: {  	[tilespmem:s17], [sflag:$0x1] =	stream.indirect.gather [hbm4b:s4+s13], $0x40, s3, s13, $0xb8;
	[tilespmem:$0x1A600] =	vst v63  }
0x4f: {  	_ = 	snop  }
0x50: {  	[tilespmem:s18], [sflag:$0x1] =	stream.indirect.gather [hbm4b:s4+s13], $0x40, s13, s13, $0xb8;
	[tilespmem:$0x1A600] =	vst v63  }
0x51: {  	_ =	swait.ge [sflag:s16], $0x8000  }
0x52: {  	[sflag:s16] =	ssyncset.done $0x0  }
0x53: {  	[sflag:s16] =	ssyncadd.s32 $0xFFFF8000  }
0x54: {  	_ =	swait.ge [sflag:s16], $0x8000  }
0x55: {  	[sflag:s16] =	ssyncset.done $0x0  }
0x56: {  	[sflag:s16] =	ssyncadd.s32 $0xFFFF8000  }
0x57: {  	[spmem:s2] =	stream.indirect.scatter.add.f32 [tilespmem:s17], [sflag:$0x2], $0x40, s14, s13, $0xb8;
	[tilespmem:$0x1A600] =	vst v63  }
0x58: {  	_ = 	snop  }
0x59: {  	[spmem:s2] =	stream.indirect.scatter.add.f32 [tilespmem:s18], [sflag:$0x2], $0x40, s15, s13, $0xb8;
	[tilespmem:$0x1A600] =	vst v63  }
.Ltmp0:
0x5a: {  	_ =	swait.ge [sflag:s19], $0x8000;
	(pc) =	sbr.rel @p0 .LBB2_2-.Ltmp0, $4  }
0x5b: {  	[sflag:s19] =	ssyncset.done $0x0  }
0x5c: {  	[sflag:s19] =	ssyncadd.s32 $0xFFFF8000  }
0x5d: {  	_ =	swait.ge [sflag:s19], $0x8000  }
0x5e: {  	s23 =	smov.u32 s22;
	[sflag:s19] =	ssyncset.done $0x0  }
0x5f: {  	s22 =	sadd.s32 s21, s9;
	[sflag:s19] =	ssyncadd.s32 $0xFFFF8000  }
0x60: {  	[tilespmem:s3], [sflag:$0x1] =	stream.linear.gather [hbm4b:s22+s3], $0x200, $0x38;
	[tilespmem:$0x1A600] =	vst v63  }
0x61: {  	s22 =	sadd.s32 $0x800, s22  }
0x62: {  	[tilespmem:s13], [sflag:$0x1] =	stream.linear.gather [hbm4b:s22+s3], $0x200, $0x38;
	[tilespmem:$0x1A600] =	vst v63  }
0x63: {  	s31 =	sadd.s32 s21, s10  }
0x64: {  	[tilespmem:s14], [sflag:$0x1] =	stream.linear.gather [hbm4b:s31+s3], $0x200, $0x38;
	[tilespmem:$0x1A600] =	vst v63  }
0x65: {  	s21 =	sadd.s32 $0x800, s31  }
0x66: {  	[tilespmem:s15], [sflag:$0x1] =	stream.linear.gather [hbm4b:s21+s3], $0x200, $0x38;
	[tilespmem:$0x1A600] =	vst v63  }
0x67: {  	_ =	swait.ge [sflag:s16], $0x200  }
0x68: {  	[sflag:s16] =	ssyncset.done $0x0  }
0x69: {  	[sflag:s16] =	ssyncadd.s32 $0xFFFFFE00  }
0x6a: {  	_ =	swait.ge [sflag:s16], $0x200  }
0x6b: {  	[sflag:s16] =	ssyncset.done $0x0  }
0x6c: {  	[sflag:s16] =	ssyncadd.s32 $0xFFFFFE00  }
0x6d: {  	_ =	swait.ge [sflag:s16], $0x200  }
0x6e: {  	[sflag:s16] =	ssyncset.done $0x0  }
0x6f: {  	[sflag:s16] =	ssyncadd.s32 $0xFFFFFE00  }
0x70: {  	_ =	swait.ge [sflag:s16], $0x200  }
0x71: {  	[sflag:s16] =	ssyncset.done $0x0  }
0x72: {  	[sflag:s16] =	ssyncadd.s32 $0xFFFFFE00  }
0x73: {  	[tilespmem:s17], [sflag:$0x1] =	stream.indirect.gather [hbm4b:s4+s13], $0x40, s3, s13, $0xb8;
	[tilespmem:$0x1A600] =	vst v63  }
0x74: {  	_ = 	snop  }
0x75: {  	[tilespmem:s18], [sflag:$0x1] =	stream.indirect.gather [hbm4b:s4+s13], $0x40, s13, s13, $0xb8;
	[tilespmem:$0x1A600] =	vst v63  }
0x76: {  	_ =	swait.ge [sflag:s16], $0x8000  }
0x77: {  	[sflag:s16] =	ssyncset.done $0x0  }
0x78: {  	[sflag:s16] =	ssyncadd.s32 $0xFFFF8000  }
0x79: {  	_ =	swait.ge [sflag:s16], $0x8000  }
0x7a: {  	[sflag:s16] =	ssyncset.done $0x0  }
0x7b: {  	[sflag:s16] =	ssyncadd.s32 $0xFFFF8000  }
0x7c: {  	[spmem:s2] =	stream.indirect.scatter.add.f32 [tilespmem:s17], [sflag:$0x2], $0x40, s14, s13, $0xb8;
	[tilespmem:$0x1A600] =	vst v63  }
0x7d: {  	_ = 	snop  }
0x7e: {  	[spmem:s2] =	stream.indirect.scatter.add.f32 [tilespmem:s18], [sflag:$0x2], $0x40, s15, s13, $0xb8;
	[tilespmem:$0x1A600] =	vst v63  }
0x7f: {  	_ =	swait.ge [sflag:s19], $0x8000  }
0x80: {  	[sflag:s19] =	ssyncset.done $0x0  }
0x81: {  	[sflag:s19] =	ssyncadd.s32 $0xFFFF8000  }
0x82: {  	_ =	swait.ge [sflag:s19], $0x8000  }
0x83: {  	s20 =	sadd.s32 $0x1, s20;
	[sflag:s19] =	ssyncset.done $0x0  }
0x84: {  	p0 =	sne.s32 s20, s8;
	[sflag:s19] =	ssyncadd.s32 $0xFFFF8000  }
.Ltmp1:
0x85: {  	[bflag:$0x0] =	sbarrier.arrive $0xFFFF;
	(pc) =	sbr.rel @p0 .LBB2_1-.Ltmp1, $4  }
0x86: {  	[hbm:s7], [sflag:s6] =	dma.local [spmem:s11], $0x13C0  }
0x87: {  	_ =	swait.ge [sflag:s12], $0x13C0  }
0x88: {  	[sflag:s12] =	ssyncset.done $0x0  }
0x89: {  	[sflag:s12] =	ssyncadd.s32 $0xFFFFEC40  }
0x8a: {  	_ =	sfence.sel $0x180000  }
0x8b: {  	[bflag:$0x0] =	sbarrier.arrive $0xFFFF  }
0x8c: {  	p0 =	sne.s32 s1, $0x0;
	_ =	strace $0x9000004A  }
0x8d: {  	s0 =	sadd.s32 @!p0 $0x100000, s0;
	[bflag:$0x2] =	sbarrier.arrive $0xFFFF  }
0x8e: {  	[sflag:s0] =	ssyncadd.tile.s32 @!p0 $0x1;
	_ =	shalt  }
.Lfunc_end2:
_tile_overlayer_lowered:
.L_overlay_start_2:
0x8f: {  	(tag) =	ssettag $0x2  }
0x90: {  	s0 =	rddreg [dreg:$0x0];
	s2 =	stileid.u32  }
0x91: {  	s1 =	rddreg [dreg:$0x1];
	p0 =	sne.s32 s2, $0x0  }
0x92: {  	s3 =	rddreg [dreg:$0x2];
	[bflag:$0x3] =	sbarrier.arrive $0xFFFF;
	s2 =	simm.s32 @!p0 $0x1C03  }
0x93: {  	[timem:s3], [sflag:s2] =	dma.local @!p0 [hbm:s0], s1  }
0x94: {  	s0 =	simm.s32 @!p0 $0x3  }
0x95: {  	_ =	swait.ge @!p0 [sflag:s0], s1  }
0x96: {  	s1 =	ssub.s32 @!p0 $0x0, s1;
	[sflag:s0] =	ssyncset.done @!p0 $0x0  }
0x97: {  	[sflag:s0] =	ssyncadd.s32 @!p0 s1  }
0x98: {  	[bflag:$0x3] =	sbarrier.arrive $0xFFFF  }
0x99: {  	_ =	shalt  }

// kernel: kernel.21.cloned.1.call-start
scs
__scs_entry_jumppad:
0x0: {  	(pc) =	sbr.rel $0x88, $3  }
0x1: {  	(tag) =	ssettag $0x0;
	lr =	simm.s32 $0x1  }
0x2: {  	[smem:$0x3F97] =	sst lr;
	_ =	strace $0xD0000000  }
0x3: {  	_ = 	snop  }
0x4: {  	_ = 	snop  }
0x5: {  	_ = 	snop  }
0x6: {  	_ = 	snop  }
0x7: {  	_ = 	snop  }
__scs_overlays_trampoline_lowered:
0x8: {  	[smem:$0x3FA6] =	sst s0  }
0x9: {  	[smem:$0x3FA7] =	sst s1  }
0xa: {  	[smem:$0x3FA8] =	sst s2  }
0xb: {  	[smem:$0x3FA9] =	sst s3  }
0xc: {  	[smem:$0x3FAA] =	sst s4  }
0xd: {  	[smem:$0x3FAB] =	sst s5  }
0xe: {  	[smem:$0x3FAC] =	sst s6  }
0xf: {  	[smem:$0x3FAD] =	sst s7  }
0x10: {  	[smem:$0x3FAE] =	sst s8  }
0x11: {  	[smem:$0x3FAF] =	sst s9;
	s0 =	simm.s32 @!p0 $0x0  }
0x12: {  	s1 =	sld [smem:$0x3F95];
	s0 =	simm.s32 @p0 $0x1  }
0x13: {  	[smem:$0x3FB0] =	sst s0;
	s0 =	simm.s32 @!p1 $0x0  }
0x14: {  	s2 =	sld [smem:$0x3F94];
	s0 =	simm.s32 @p1 $0x1  }
0x15: {  	[smem:$0x3FB1] =	sst s0;
	s0 =	simm.s32 @!p2 $0x0  }
0x16: {  	s3 =	sld [smem:$0x3FDB];
	s0 =	simm.s32 @p2 $0x1  }
0x17: {  	s4 =	simm.s32 $0x1BF5;
	[smem:$0x3FB3] =	sst s0  }
0x18: {  	s0 =	sld [smem:$0x3F96];
	_ =	swait.ge [sflag:s4], $0x0  }
0x19: {  	s7 =	sld [smem:$0x3F97]  }
0x1a: {  	s8 =	sadd.s32 $0xFFFFE003, lr  }
0x1b: {  	s9 =	sadd.s32 $0xFFFFFEF7, lr;
	s5 =	simm.s32 $0xFFFFFFFF;
	p2 =	slt.u32 s8, $0xFFFFF086  }
0x1c: {  	p1 =	slt.u32 s9, $0xF7A;
	s5 =	simm.s32 @!p2 $0x0  }
0x1d: {  	s5 =	simm.s32 @p1 $0x1;
	p0 =	seq.s32 s7, s2  }
0x1e: {  	s7 =	smul.u32 @!p0 $0xF7A, s2;
	p2 =	seq.s32 @!p0 s5, $0x0  }
0x1f: {  	s9 =	smul.u32 $0xF7A, s1;
	s8 =	simm.s32 @!p0 $0x1BF5;
	p2 =	por !p2, p0  }
0x20: {  	[sflag:s8] =	ssyncset.s32 @!p0 $0xFFFFF086;
	s6 =	sadd.s32 @!p0 s3, s7;
	s7 =	simm.s32 @!p0 $0x108  }
0x21: {  	s3 =	sadd.s32 s3, s9;
	s6 =	sadd.s32 @!p0 $0x88, s6;
	s7 =	simm.s32 @p2 $0x1082  }
0x22: {  	[simem:s7], [sflag:s8] =	dma.local @!p0 [hbm:s6], $0xF7A  }
0x23: {  	s9 =	sor.u32 $0xD0000000, s2;
	s6 =	simm.s32 $0x108;
	_ =	swait.ge @!p0 [sflag:s8], $0x0  }
0x24: {  	s3 =	sadd.s32 $0x88, s3;
	s6 =	simm.s32 @!p1 $0x1082;
	[sflag:s4] =	ssyncset.s32 $0xFFFFF086  }
0x25: {  	[simem:s6], [sflag:s4] =	dma.local [hbm:s3], $0xF7A  }
0x26: {  	[smem:$0x3F97] =	sst s1;
	(tag) =	ssettag s2;
	_ =	strace s9  }
0x27: {  	s1 =	sld [smem:$0x3FA7]  }
0x28: {  	s2 =	sld [smem:$0x3FA8]  }
0x29: {  	s4 =	sld [smem:$0x3FAA]  }
0x2a: {  	p0 =	seq.s32 s5, $0x0;
	s5 =	sld [smem:$0x3FAB]  }
0x2b: {  	s6 =	sld [smem:$0x3FAC]  }
0x2c: {  	s7 =	sld [smem:$0x3FAD]  }
0x2d: {  	s3 =	simm.s32 $0x108;
	s8 =	sld [smem:$0x3FAE]  }
0x2e: {  	s3 =	simm.s32 @!p0 $0x1082;
	s9 =	sld [smem:$0x3FAF]  }
0x2f: {  	lr =	sadd.s32 s0, s3;
	s0 =	sld [smem:$0x3FA6]  }
0x30: {  	s3 =	sld [smem:$0x3FA9]  }
0x31: {  	[smem:$0x3FB2] =	sst s10  }
0x32: {  	s10 =	sld [smem:$0x3FB0];
	_ =	sdelay $0x3  }
0x33: {  	p0 =	seq.s32 s10, $0x1;
	s10 =	sld [smem:$0x3FB2];
	_ =	sdelay $0x3  }
0x34: {  	[smem:$0x3FB2] =	sst s10  }
0x35: {  	s10 =	sld [smem:$0x3FB1];
	_ =	sdelay $0x3  }
0x36: {  	p1 =	seq.s32 s10, $0x1;
	s10 =	sld [smem:$0x3FB2];
	_ =	sdelay $0x3  }
0x37: {  	[smem:$0x3FB2] =	sst s10  }
0x38: {  	s10 =	sld [smem:$0x3FB3]  }
0x39: {  	_ = 	snop;
	(pc) =	sbr.ind lr, $3  }
0x3a: {  	_ = 	snop  }
0x3b: {  	_ = 	snop  }
0x3c: {  	p2 =	seq.s32 s10, $0x1;
	s10 =	sld [smem:$0x3FB2]  }
0x3d: {  	_ =	shalt  }
0x3e: {  	_ =	shalt  }
0x3f: {  	_ =	shalt  }
0x40: {  	_ =	shalt  }
0x41: {  	_ =	shalt  }
0x42: {  	_ =	shalt  }
0x43: {  	_ =	shalt  }
0x44: {  	_ =	shalt  }
0x45: {  	_ =	shalt  }
0x46: {  	_ =	shalt  }
0x47: {  	_ =	shalt  }
0x48: {  	_ =	shalt  }
0x49: {  	_ =	shalt  }
0x4a: {  	_ =	shalt  }
0x4b: {  	_ =	shalt  }
0x4c: {  	_ =	shalt  }
0x4d: {  	_ =	shalt  }
0x4e: {  	_ =	shalt  }
0x4f: {  	_ =	shalt  }
0x50: {  	_ =	shalt  }
0x51: {  	_ =	shalt  }
0x52: {  	_ =	shalt  }
0x53: {  	_ =	shalt  }
0x54: {  	_ =	shalt  }
0x55: {  	_ =	shalt  }
0x56: {  	_ =	shalt  }
0x57: {  	_ =	shalt  }
0x58: {  	_ =	shalt  }
0x59: {  	_ =	shalt  }
0x5a: {  	_ =	shalt  }
0x5b: {  	_ =	shalt  }
0x5c: {  	_ =	shalt  }
0x5d: {  	_ =	shalt  }
0x5e: {  	_ =	shalt  }
0x5f: {  	_ =	shalt  }
0x60: {  	_ =	shalt  }
0x61: {  	_ =	shalt  }
0x62: {  	_ =	shalt  }
0x63: {  	_ =	shalt  }
0x64: {  	_ =	shalt  }
0x65: {  	_ =	shalt  }
0x66: {  	_ =	shalt  }
0x67: {  	_ =	shalt  }
0x68: {  	_ =	shalt  }
0x69: {  	_ =	shalt  }
0x6a: {  	_ =	shalt  }
0x6b: {  	_ =	shalt  }
0x6c: {  	_ =	shalt  }
0x6d: {  	_ =	shalt  }
0x6e: {  	_ =	shalt  }
0x6f: {  	_ =	shalt  }
0x70: {  	_ =	shalt  }
0x71: {  	_ =	shalt  }
0x72: {  	_ =	shalt  }
0x73: {  	_ =	shalt  }
0x74: {  	_ =	shalt  }
0x75: {  	_ =	shalt  }
0x76: {  	_ =	shalt  }
0x77: {  	_ =	shalt  }
0x78: {  	_ =	shalt  }
0x79: {  	_ =	shalt  }
0x7a: {  	_ =	shalt  }
0x7b: {  	_ =	shalt  }
0x7c: {  	_ =	shalt  }
0x7d: {  	_ =	shalt  }
0x7e: {  	_ =	shalt  }
0x7f: {  	_ =	shalt  }
0x80: {  	_ =	shalt  }
0x81: {  	_ =	shalt  }
0x82: {  	_ =	shalt  }
0x83: {  	_ =	shalt  }
0x84: {  	_ =	shalt  }
0x85: {  	_ =	shalt  }
0x86: {  	_ =	shalt  }
0x87: {  	_ =	shalt  }
.Lfunc_end0:
.L_simem_size_0:
called_computation.2_lowered:
.L_overlay_start_0:
0x88: {  	s2 =	sld [smem:$0x3FD9]  }
0x89: {  	s3 =	sld [smem:$0x3FFE];
	_ =	sdelay $0x1  }
0x8a: {  	s1 =	srdreg.scid  }
0x8b: {  	s0 =	sand.u32 $0x1, s1  }
0x8c: {  	s16 =	sshll.u32 s0, $0xA;
	s2 =	sadd.s32 s3, s2  }
0x8d: {  	s2 =	sadd.s32 s2, s16  }
0x8e: {  	[smem:$0x3FBE] =	sst s2  }
0x8f: {  	_ = 	snop  }
0x90: {  	(tm) =	ssettm $0x1  }
0x91: {  	s17 =	sld [smem:$0x3FFB];
	_ =	sdelay $0x3  }
0x92: {  	_ =	strace s17  }
0x93: {  	s2 =	sld [smem:$0x3FFC];
	_ =	sdelay $0x3  }
0x94: {  	_ =	strace s2  }
0x95: {  	s2 =	sld [smem:$0x3FFD];
	_ =	sdelay $0x3  }
0x96: {  	_ =	strace s2  }
0x97: {  	_ =	strace $0x8FFFFFFF  }
0x98: {  	s18 =	sld [smem:$0x3FDB];
	_ =	sdelay $0x1  }
0x99: {  	s19 =	simm.s32 $_scs_section_size  }
0x9a: {  	s4 =	simm.s32 $_size__tile_overlayer_lowered;
	s5 =	simm.s32 $_tile_overlayer_lowered  }
0x9b: {  	s22 =	simm.s32 $0x1BFF;
	s21 =	sshll.u32 s5, $0x1;
	s2 =	sadd.s32 s19, s18  }
0x9c: {  	s6 =	simm.s32 $0x0;
	s20 =	sshll.u32 s4, $0x1;
	s4 =	sadd.s32 s21, s2  }
0x9d: {  	[timem:s6], [sflag:s22] =	dma.local [hbm:s4], s20  }
0x9e: {  	_ =	swait.ge [sflag:s22], s20  }
0x9f: {  	s3 =	ssub.s32 $0x0, s20;
	[sflag:s22] =	ssyncset.done $0x0  }
0xa0: {  	[sflag:s22] =	ssyncadd.s32 s3;
	_ =	sdelay $0x1  }
0xa1: {  	s23 =	simm.s32 $0x1B8B  }
0xa2: {  	_ =	swait.ge [sflag:s23], $0x1  }
0xa3: {  	[sflag:s23] =	ssyncset.done $0x0  }
0xa4: {  	s25 =	simm.s32 $0x1B8E;
	s24 =	sld [smem:$0x3FFE];
	[sflag:s23] =	ssyncadd.s32 $0xFFFFFFFF  }
0xa5: {  	s26 =	simm.s32 $execute0_lowered;
	[smem:$0x3FD2] =	sst s25  }
0xa6: {  	s4 =	sshll.u32 s26, $0x1;
	_ =	strace $0x8000004C;
	[dreg:$0x1] =	wrdreg $0xFFFFFFFF  }
0xa7: {  	s28 =	simm.s32 $_size_execute0_lowered;
	s2 =	sadd.s32 s2, s4;
	[dreg:$0x0] =	wrdreg $0x0  }
0xa8: {  	s4 =	sshll.u32 s28, $0x1;
	[dreg:$0x2] =	wrdreg s2  }
0xa9: {  	[dreg:$0x3] =	wrdreg s4  }
0xaa: {  	[dreg:$0x4] =	wrdreg $0xC0  }
0xab: {  	_ =	task [dreg:s6], $0x5FFFF  }
0xac: {  	[dreg:$0x1] =	wrdreg $0xFFFFFFFF  }
0xad: {  	[dreg:$0x0] =	wrdreg $0x60  }
0xae: {  	[dreg:$0x2] =	wrdreg s24  }
0xaf: {  	[dreg:$0x3] =	wrdreg $0x48000  }
0xb0: {  	[dreg:$0x4] =	wrdreg $0x9  }
0xb1: {  	_ =	task.clear_ibuf [dreg:s6], $0x5FFFF;
	_ =	strace $0x9000004C  }
0xb2: {  	s29 =	simm.s32 $0x9;
	_ =	strace $0x8000004E  }
0xb3: {  	_ =	swait.ge [sflag:s29], $0x1  }
0xb4: {  	[sflag:s29] =	ssyncadd.s32 $0xFFFFFFFF  }
0xb5: {  	_ =	strace $0x9000004E  }
0xb6: {  	_ =	sfence  }
0xb7: {  	s30 =	sld [smem:$0x0];
	_ =	sdelay $0x2  }
0xb8: {  	s31 =	sshll.u32 s1, $0xD;
	s1 =	sshrl.u32 s1, $0x2  }
0xb9: {  	s3 =	sand.u32 $0x4000, s31;
	s1 =	sadd.s32 s1, s30  }
0xba: {  	s0 =	sor.u32 s3, s0;
	s1 =	sshll.u32 s1, $0x11  }
0xbb: {  	s0 =	sor.u32 s1, s0  }
0xbc: {  	s0 =	sadd.s32 $0x8F2B, s0  }
0xbd: {  	[sflag:s0] =	ssyncadd.remote.s32 $0x1  }
0xbe: {  	_ =	sfence.sel $0xFFFF  }
0xbf: {  	[dreg:$0x0] =	wrdreg $0xFFFFFFFF;
	(pc) =	sbr.abs _section_cstart, $3  }
0xc0: {  	[dreg:$0x1] =	wrdreg $0xFFFFFFFF  }
0xc1: {  	_ =	task.clear_ibuf [dreg:s6], $0x2FFFF;
	_ =	strace $0x9FFFFFFF  }
0xc2: {  	(tm) =	ssettm $0x7FFFFFFF  }
0xc3: {  	_ =	shalt  }
tec
execute0_lowered:
.L_overlay_start_1:
0x0: {  	(tag) =	ssettag $0x1  }
0x1: {  	s6 =	rddreg [dreg:$0x0]  }
0x2: {  	s2 =	rddreg [dreg:$0x1]  }
0x3: {  	s0 =	rddreg [dreg:$0x2];
	s1 =	stileid.u32  }
0x4: {  	s4 =	srdreg.scid;
	s3 =	simm.s32 $0x0;
	s14 =	simm.s32 $0x400  }
0x5: {  	s15 =	simm.s32 $0x600;
	s16 =	simm.s32 $0x1;
	s17 =	simm.s32 $0x800  }
0x6: {  	s18 =	simm.s32 $0x2800;
	s19 =	simm.s32 $0x2;
	s20 =	simm.s32 $0x0  }
0x7: {  	s7 =	sand.u32 $0x1, s4;
	s8 =	smul.u32 $0x2780, s1;
	[smem:$0x7FF] =	sst s3  }
0x8: {  	s4 =	sadd.s32 $0xD400, s6;
	s9 =	sshll.u32 s1, $0x7;
	s29 =	sshll.u32 s1, $0x6  }
0x9: {  	s5 =	smul.u32 $0x27800, s7;
	_ =	strace $0x8000004D;
	s11 =	ssub.s32 $0x2, s7  }
0xa: {  	s9 =	sadd.s32 s9, s6;
	s13 =	sshll.u32 s7, $0x6;
	s12 =	sshrl.u32 s11, $0x1  }
0xb: {  	s30 =	sadd.s32 s8, s2;
	s31 =	sadd.s32 s13, s9;
	s13 =	simm.s32 $0x200  }
0xc: {  	s10 =	sadd.s32 s8, s5;
	s5 =	sadd.s32 $0xBA00, s6;
	s11 =	ssub.s32 s11, s12  }
0xd: {  	s9 =	sadd.s32 $0x16200, s31;
	s12 =	simm.s32 $0x3;
	s10 =	sshrl.u32 s10, $0x3  }
0xe: {  	s8 =	smax.u32 s11, $0x1;
	s11 =	sshrl.u32 s30, $0x3;
	s10 =	sadd.s32 s10, s6  }
0xf: {  	s6 =	sor.u32 $0x1C03, s29;
	s7 =	sadd.s32 $0x20200, s10;
	s10 =	sadd.s32 $0x1A00, s31  }
.LBB2_1:
0x10: {  	[spmem:s11], [sflag:s6] =	dma.local [hbm:s5], $0x4F0  }
0x11: {  	_ =	swait.ge [sflag:s12], $0x4F0  }
0x12: {  	[sflag:s12] =	ssyncset.done $0x0  }
0x13: {  	[sflag:s12] =	ssyncadd.s32 $0xFFFFFB10  }
0x14: {  	s21 =	sadd.s32 $0x0, s9;
	[bflag:$0x0] =	sbarrier.arrive $0xFFFF  }
0x15: {  	[tilespmem:s3], [sflag:$0x1] =	stream.linear.gather [hbm4b:s21+s3], $0x200, $0x38;
	[tilespmem:$0x6F80] =	vst v63  }
0x16: {  	s21 =	sadd.s32 $0x800, s21  }
0x17: {  	[tilespmem:s13], [sflag:$0x1] =	stream.linear.gather [hbm4b:s21+s3], $0x200, $0x38;
	[tilespmem:$0x6F80] =	vst v63  }
0x18: {  	s31 =	sadd.s32 $0x0, s10  }
0x19: {  	[tilespmem:s14], [sflag:$0x1] =	stream.linear.gather [hbm4b:s31+s3], $0x200, $0x38;
	[tilespmem:$0x6F80] =	vst v63  }
0x1a: {  	s21 =	sadd.s32 $0x800, s31  }
0x1b: {  	[tilespmem:s15], [sflag:$0x1] =	stream.linear.gather [hbm4b:s21+s3], $0x200, $0x38;
	[tilespmem:$0x6F80] =	vst v63  }
0x1c: {  	_ =	swait.ge [sflag:s16], $0x200  }
0x1d: {  	[sflag:s16] =	ssyncset.done $0x0  }
0x1e: {  	[sflag:s16] =	ssyncadd.s32 $0xFFFFFE00  }
0x1f: {  	_ =	swait.ge [sflag:s16], $0x200  }
0x20: {  	[sflag:s16] =	ssyncset.done $0x0  }
0x21: {  	[sflag:s16] =	ssyncadd.s32 $0xFFFFFE00  }
0x22: {  	_ =	swait.ge [sflag:s16], $0x200  }
0x23: {  	[sflag:s16] =	ssyncset.done $0x0  }
0x24: {  	[sflag:s16] =	ssyncadd.s32 $0xFFFFFE00  }
0x25: {  	_ =	swait.ge [sflag:s16], $0x200  }
0x26: {  	[sflag:s16] =	ssyncset.done $0x0  }
0x27: {  	[sflag:s16] =	ssyncadd.s32 $0xFFFFFE00  }
0x28: {  	[tilespmem:s17], [sflag:$0x1] =	stream.indirect.gather [hbm4b:s4+s13], $0x10, s3, s13, $0xb8;
	[tilespmem:$0x6F80] =	vst v63  }
0x29: {  	_ = 	snop  }
0x2a: {  	[tilespmem:s18], [sflag:$0x1] =	stream.indirect.gather [hbm4b:s4+s13], $0x10, s13, s13, $0xb8;
	[tilespmem:$0x6F80] =	vst v63  }
0x2b: {  	_ =	swait.ge [sflag:s16], $0x2000  }
0x2c: {  	[sflag:s16] =	ssyncset.done $0x0  }
0x2d: {  	[sflag:s16] =	ssyncadd.s32 $0xFFFFE000  }
0x2e: {  	_ =	swait.ge [sflag:s16], $0x2000  }
0x2f: {  	[sflag:s16] =	ssyncset.done $0x0  }
0x30: {  	[sflag:s16] =	ssyncadd.s32 $0xFFFFE000  }
0x31: {  	[spmem:s2] =	stream.indirect.scatter.add.f32 [tilespmem:s17], [sflag:$0x2], $0x10, s14, s13, $0xb8;
	[tilespmem:$0x6F80] =	vst v63  }
0x32: {  	_ = 	snop  }
0x33: {  	[spmem:s2] =	stream.indirect.scatter.add.f32 [tilespmem:s18], [sflag:$0x2], $0x10, s15, s13, $0xb8;
	[tilespmem:$0x6F80] =	vst v63  }
0x34: {  	_ =	swait.ge [sflag:s19], $0x2000  }
0x35: {  	[sflag:s19] =	ssyncset.done $0x0  }
0x36: {  	[sflag:s19] =	ssyncadd.s32 $0xFFFFE000  }
0x37: {  	_ =	swait.ge [sflag:s19], $0x2000  }
0x38: {  	s23 =	simm.s32 $0x2000;
	s21 =	simm.s32 $0x1000;
	[sflag:s19] =	ssyncset.done $0x0  }
.LBB2_2:
0x39: {  	s24 =	sadd.s32 s21, s9  }
0x3a: {  	[sflag:s19] =	ssyncadd.s32 $0xFFFFE000;
	s25 =	smov.u32 s23;
	s22 =	sadd.s32 $0x1000, s23  }
0x3b: {  	[tilespmem:s3], [sflag:$0x1] =	stream.linear.gather [hbm4b:s24+s3], $0x200, $0x38;
	[tilespmem:$0x6F80] =	vst v63  }
0x3c: {  	p0 =	sne.s32 s23, $0x9000;
	s23 =	sadd.s32 $0x800, s24  }
0x3d: {  	[tilespmem:s13], [sflag:$0x1] =	stream.linear.gather [hbm4b:s23+s3], $0x200, $0x38;
	[tilespmem:$0x6F80] =	vst v63  }
0x3e: {  	s23 =	sadd.s32 s21, s10;
	s21 =	smov.u32 s25  }
0x3f: {  	[tilespmem:s14], [sflag:$0x1] =	stream.linear.gather [hbm4b:s23+s3], $0x200, $0x38;
	[tilespmem:$0x6F80] =	vst v63  }
0x40: {  	s23 =	sadd.s32 $0x800, s23  }
0x41: {  	[tilespmem:s15], [sflag:$0x1] =	stream.linear.gather [hbm4b:s23+s3], $0x200, $0x38;
	[tilespmem:$0x6F80] =	vst v63  }
0x42: {  	_ =	swait.ge [sflag:s16], $0x200  }
0x43: {  	[sflag:s16] =	ssyncset.done $0x0  }
0x44: {  	[sflag:s16] =	ssyncadd.s32 $0xFFFFFE00  }
0x45: {  	_ =	swait.ge [sflag:s16], $0x200  }
0x46: {  	[sflag:s16] =	ssyncset.done $0x0  }
0x47: {  	[sflag:s16] =	ssyncadd.s32 $0xFFFFFE00  }
0x48: {  	_ =	swait.ge [sflag:s16], $0x200  }
0x49: {  	[sflag:s16] =	ssyncset.done $0x0  }
0x4a: {  	[sflag:s16] =	ssyncadd.s32 $0xFFFFFE00  }
0x4b: {  	_ =	swait.ge [sflag:s16], $0x200  }
0x4c: {  	[sflag:s16] =	ssyncset.done $0x0  }
0x4d: {  	[sflag:s16] =	ssyncadd.s32 $0xFFFFFE00  }
0x4e: {  	[tilespmem:s17], [sflag:$0x1] =	stream.indirect.gather [hbm4b:s4+s13], $0x10, s3, s13, $0xb8;
	[tilespmem:$0x6F80] =	vst v63  }
0x4f: {  	_ = 	snop  }
0x50: {  	[tilespmem:s18], [sflag:$0x1] =	stream.indirect.gather [hbm4b:s4+s13], $0x10, s13, s13, $0xb8;
	[tilespmem:$0x6F80] =	vst v63  }
0x51: {  	_ =	swait.ge [sflag:s16], $0x2000  }
0x52: {  	[sflag:s16] =	ssyncset.done $0x0  }
0x53: {  	[sflag:s16] =	ssyncadd.s32 $0xFFFFE000  }
0x54: {  	_ =	swait.ge [sflag:s16], $0x2000  }
0x55: {  	[sflag:s16] =	ssyncset.done $0x0  }
0x56: {  	[sflag:s16] =	ssyncadd.s32 $0xFFFFE000  }
0x57: {  	[spmem:s2] =	stream.indirect.scatter.add.f32 [tilespmem:s17], [sflag:$0x2], $0x10, s14, s13, $0xb8;
	[tilespmem:$0x6F80] =	vst v63  }
0x58: {  	_ = 	snop  }
0x59: {  	[spmem:s2] =	stream.indirect.scatter.add.f32 [tilespmem:s18], [sflag:$0x2], $0x10, s15, s13, $0xb8;
	[tilespmem:$0x6F80] =	vst v63  }
.Ltmp0:
0x5a: {  	_ =	swait.ge [sflag:s19], $0x2000;
	(pc) =	sbr.rel @p0 .LBB2_2-.Ltmp0, $4  }
0x5b: {  	[sflag:s19] =	ssyncset.done $0x0  }
0x5c: {  	[sflag:s19] =	ssyncadd.s32 $0xFFFFE000  }
0x5d: {  	_ =	swait.ge [sflag:s19], $0x2000  }
0x5e: {  	s23 =	smov.u32 s22;
	[sflag:s19] =	ssyncset.done $0x0  }
0x5f: {  	s22 =	sadd.s32 s21, s9;
	[sflag:s19] =	ssyncadd.s32 $0xFFFFE000  }
0x60: {  	[tilespmem:s3], [sflag:$0x1] =	stream.linear.gather [hbm4b:s22+s3], $0x200, $0x38;
	[tilespmem:$0x6F80] =	vst v63  }
0x61: {  	s22 =	sadd.s32 $0x800, s22  }
0x62: {  	[tilespmem:s13], [sflag:$0x1] =	stream.linear.gather [hbm4b:s22+s3], $0x200, $0x38;
	[tilespmem:$0x6F80] =	vst v63  }
0x63: {  	s31 =	sadd.s32 s21, s10  }
0x64: {  	[tilespmem:s14], [sflag:$0x1] =	stream.linear.gather [hbm4b:s31+s3], $0x200, $0x38;
	[tilespmem:$0x6F80] =	vst v63  }
0x65: {  	s21 =	sadd.s32 $0x800, s31  }
0x66: {  	[tilespmem:s15], [sflag:$0x1] =	stream.linear.gather [hbm4b:s21+s3], $0x200, $0x38;
	[tilespmem:$0x6F80] =	vst v63  }
0x67: {  	_ =	swait.ge [sflag:s16], $0x200  }
0x68: {  	[sflag:s16] =	ssyncset.done $0x0  }
0x69: {  	[sflag:s16] =	ssyncadd.s32 $0xFFFFFE00  }
0x6a: {  	_ =	swait.ge [sflag:s16], $0x200  }
0x6b: {  	[sflag:s16] =	ssyncset.done $0x0  }
0x6c: {  	[sflag:s16] =	ssyncadd.s32 $0xFFFFFE00  }
0x6d: {  	_ =	swait.ge [sflag:s16], $0x200  }
0x6e: {  	[sflag:s16] =	ssyncset.done $0x0  }
0x6f: {  	[sflag:s16] =	ssyncadd.s32 $0xFFFFFE00  }
0x70: {  	_ =	swait.ge [sflag:s16], $0x200  }
0x71: {  	[sflag:s16] =	ssyncset.done $0x0  }
0x72: {  	[sflag:s16] =	ssyncadd.s32 $0xFFFFFE00  }
0x73: {  	[tilespmem:s17], [sflag:$0x1] =	stream.indirect.gather [hbm4b:s4+s13], $0x10, s3, s13, $0xb8;
	[tilespmem:$0x6F80] =	vst v63  }
0x74: {  	_ = 	snop  }
0x75: {  	[tilespmem:s18], [sflag:$0x1] =	stream.indirect.gather [hbm4b:s4+s13], $0x10, s13, s13, $0xb8;
	[tilespmem:$0x6F80] =	vst v63  }
0x76: {  	_ =	swait.ge [sflag:s16], $0x2000  }
0x77: {  	[sflag:s16] =	ssyncset.done $0x0  }
0x78: {  	[sflag:s16] =	ssyncadd.s32 $0xFFFFE000  }
0x79: {  	_ =	swait.ge [sflag:s16], $0x2000  }
0x7a: {  	[sflag:s16] =	ssyncset.done $0x0  }
0x7b: {  	[sflag:s16] =	ssyncadd.s32 $0xFFFFE000  }
0x7c: {  	[spmem:s2] =	stream.indirect.scatter.add.f32 [tilespmem:s17], [sflag:$0x2], $0x10, s14, s13, $0xb8;
	[tilespmem:$0x6F80] =	vst v63  }
0x7d: {  	_ = 	snop  }
0x7e: {  	[spmem:s2] =	stream.indirect.scatter.add.f32 [tilespmem:s18], [sflag:$0x2], $0x10, s15, s13, $0xb8;
	[tilespmem:$0x6F80] =	vst v63  }
0x7f: {  	_ =	swait.ge [sflag:s19], $0x2000  }
0x80: {  	[sflag:s19] =	ssyncset.done $0x0  }
0x81: {  	[sflag:s19] =	ssyncadd.s32 $0xFFFFE000  }
0x82: {  	_ =	swait.ge [sflag:s19], $0x2000  }
0x83: {  	s20 =	sadd.s32 $0x1, s20;
	[sflag:s19] =	ssyncset.done $0x0  }
0x84: {  	p0 =	sne.s32 s20, s8;
	[sflag:s19] =	ssyncadd.s32 $0xFFFFE000  }
.Ltmp1:
0x85: {  	[bflag:$0x0] =	sbarrier.arrive $0xFFFF;
	(pc) =	sbr.rel @p0 .LBB2_1-.Ltmp1, $4  }
0x86: {  	[hbm:s7], [sflag:s6] =	dma.local [spmem:s11], $0x4F0  }
0x87: {  	_ =	swait.ge [sflag:s12], $0x4F0  }
0x88: {  	[sflag:s12] =	ssyncset.done $0x0  }
0x89: {  	[sflag:s12] =	ssyncadd.s32 $0xFFFFFB10  }
0x8a: {  	_ =	sfence.sel $0x180000  }
0x8b: {  	[bflag:$0x0] =	sbarrier.arrive $0xFFFF  }
0x8c: {  	p0 =	sne.s32 s1, $0x0;
	_ =	strace $0x9000004D  }
0x8d: {  	s0 =	sadd.s32 @!p0 $0x100000, s0;
	[bflag:$0x2] =	sbarrier.arrive $0xFFFF  }
0x8e: {  	[sflag:s0] =	ssyncadd.tile.s32 @!p0 $0x1;
	_ =	shalt  }
.Lfunc_end2:
_tile_overlayer_lowered:
.L_overlay_start_2:
0x8f: {  	(tag) =	ssettag $0x2  }
0x90: {  	s0 =	rddreg [dreg:$0x0];
	s2 =	stileid.u32  }
0x91: {  	s1 =	rddreg [dreg:$0x1];
	p0 =	sne.s32 s2, $0x0  }
0x92: {  	s3 =	rddreg [dreg:$0x2];
	[bflag:$0x3] =	sbarrier.arrive $0xFFFF;
	s2 =	simm.s32 @!p0 $0x1C03  }
0x93: {  	[timem:s3], [sflag:s2] =	dma.local @!p0 [hbm:s0], s1  }
0x94: {  	s0 =	simm.s32 @!p0 $0x3  }
0x95: {  	_ =	swait.ge @!p0 [sflag:s0], s1  }
0x96: {  	s1 =	ssub.s32 @!p0 $0x0, s1;
	[sflag:s0] =	ssyncset.done @!p0 $0x0  }
0x97: {  	[sflag:s0] =	ssyncadd.s32 @!p0 s1  }
0x98: {  	[bflag:$0x3] =	sbarrier.arrive $0xFFFF  }
0x99: {  	_ =	shalt  }

// kernel: kernel.24.cloned.1.call-start
scs
__scs_entry_jumppad:
0x0: {  	(pc) =	sbr.rel $0x88, $3  }
0x1: {  	(tag) =	ssettag $0x0;
	lr =	simm.s32 $0x1  }
0x2: {  	[smem:$0x3F97] =	sst lr;
	_ =	strace $0xD0000000  }
0x3: {  	_ = 	snop  }
0x4: {  	_ = 	snop  }
0x5: {  	_ = 	snop  }
0x6: {  	_ = 	snop  }
0x7: {  	_ = 	snop  }
__scs_overlays_trampoline_lowered:
0x8: {  	[smem:$0x3FA6] =	sst s0  }
0x9: {  	[smem:$0x3FA7] =	sst s1  }
0xa: {  	[smem:$0x3FA8] =	sst s2  }
0xb: {  	[smem:$0x3FA9] =	sst s3  }
0xc: {  	[smem:$0x3FAA] =	sst s4  }
0xd: {  	[smem:$0x3FAB] =	sst s5  }
0xe: {  	[smem:$0x3FAC] =	sst s6  }
0xf: {  	[smem:$0x3FAD] =	sst s7  }
0x10: {  	[smem:$0x3FAE] =	sst s8  }
0x11: {  	[smem:$0x3FAF] =	sst s9;
	s0 =	simm.s32 @!p0 $0x0  }
0x12: {  	s1 =	sld [smem:$0x3F95];
	s0 =	simm.s32 @p0 $0x1  }
0x13: {  	[smem:$0x3FB0] =	sst s0;
	s0 =	simm.s32 @!p1 $0x0  }
0x14: {  	s2 =	sld [smem:$0x3F94];
	s0 =	simm.s32 @p1 $0x1  }
0x15: {  	[smem:$0x3FB1] =	sst s0;
	s0 =	simm.s32 @!p2 $0x0  }
0x16: {  	s3 =	sld [smem:$0x3FDB];
	s0 =	simm.s32 @p2 $0x1  }
0x17: {  	s4 =	simm.s32 $0x1BF5;
	[smem:$0x3FB3] =	sst s0  }
0x18: {  	s0 =	sld [smem:$0x3F96];
	_ =	swait.ge [sflag:s4], $0x0  }
0x19: {  	s7 =	sld [smem:$0x3F97]  }
0x1a: {  	s8 =	sadd.s32 $0xFFFFE003, lr  }
0x1b: {  	s9 =	sadd.s32 $0xFFFFFEF7, lr;
	s5 =	simm.s32 $0xFFFFFFFF;
	p2 =	slt.u32 s8, $0xFFFFF086  }
0x1c: {  	p1 =	slt.u32 s9, $0xF7A;
	s5 =	simm.s32 @!p2 $0x0  }
0x1d: {  	s5 =	simm.s32 @p1 $0x1;
	p0 =	seq.s32 s7, s2  }
0x1e: {  	s7 =	smul.u32 @!p0 $0xF7A, s2;
	p2 =	seq.s32 @!p0 s5, $0x0  }
0x1f: {  	s9 =	smul.u32 $0xF7A, s1;
	s8 =	simm.s32 @!p0 $0x1BF5;
	p2 =	por !p2, p0  }
0x20: {  	[sflag:s8] =	ssyncset.s32 @!p0 $0xFFFFF086;
	s6 =	sadd.s32 @!p0 s3, s7;
	s7 =	simm.s32 @!p0 $0x108  }
0x21: {  	s3 =	sadd.s32 s3, s9;
	s6 =	sadd.s32 @!p0 $0x88, s6;
	s7 =	simm.s32 @p2 $0x1082  }
0x22: {  	[simem:s7], [sflag:s8] =	dma.local @!p0 [hbm:s6], $0xF7A  }
0x23: {  	s9 =	sor.u32 $0xD0000000, s2;
	s6 =	simm.s32 $0x108;
	_ =	swait.ge @!p0 [sflag:s8], $0x0  }
0x24: {  	s3 =	sadd.s32 $0x88, s3;
	s6 =	simm.s32 @!p1 $0x1082;
	[sflag:s4] =	ssyncset.s32 $0xFFFFF086  }
0x25: {  	[simem:s6], [sflag:s4] =	dma.local [hbm:s3], $0xF7A  }
0x26: {  	[smem:$0x3F97] =	sst s1;
	(tag) =	ssettag s2;
	_ =	strace s9  }
0x27: {  	s1 =	sld [smem:$0x3FA7]  }
0x28: {  	s2 =	sld [smem:$0x3FA8]  }
0x29: {  	s4 =	sld [smem:$0x3FAA]  }
0x2a: {  	p0 =	seq.s32 s5, $0x0;
	s5 =	sld [smem:$0x3FAB]  }
0x2b: {  	s6 =	sld [smem:$0x3FAC]  }
0x2c: {  	s7 =	sld [smem:$0x3FAD]  }
0x2d: {  	s3 =	simm.s32 $0x108;
	s8 =	sld [smem:$0x3FAE]  }
0x2e: {  	s3 =	simm.s32 @!p0 $0x1082;
	s9 =	sld [smem:$0x3FAF]  }
0x2f: {  	lr =	sadd.s32 s0, s3;
	s0 =	sld [smem:$0x3FA6]  }
0x30: {  	s3 =	sld [smem:$0x3FA9]  }
0x31: {  	[smem:$0x3FB2] =	sst s10  }
0x32: {  	s10 =	sld [smem:$0x3FB0];
	_ =	sdelay $0x3  }
0x33: {  	p0 =	seq.s32 s10, $0x1;
	s10 =	sld [smem:$0x3FB2];
	_ =	sdelay $0x3  }
0x34: {  	[smem:$0x3FB2] =	sst s10  }
0x35: {  	s10 =	sld [smem:$0x3FB1];
	_ =	sdelay $0x3  }
0x36: {  	p1 =	seq.s32 s10, $0x1;
	s10 =	sld [smem:$0x3FB2];
	_ =	sdelay $0x3  }
0x37: {  	[smem:$0x3FB2] =	sst s10  }
0x38: {  	s10 =	sld [smem:$0x3FB3]  }
0x39: {  	_ = 	snop;
	(pc) =	sbr.ind lr, $3  }
0x3a: {  	_ = 	snop  }
0x3b: {  	_ = 	snop  }
0x3c: {  	p2 =	seq.s32 s10, $0x1;
	s10 =	sld [smem:$0x3FB2]  }
0x3d: {  	_ =	shalt  }
0x3e: {  	_ =	shalt  }
0x3f: {  	_ =	shalt  }
0x40: {  	_ =	shalt  }
0x41: {  	_ =	shalt  }
0x42: {  	_ =	shalt  }
0x43: {  	_ =	shalt  }
0x44: {  	_ =	shalt  }
0x45: {  	_ =	shalt  }
0x46: {  	_ =	shalt  }
0x47: {  	_ =	shalt  }
0x48: {  	_ =	shalt  }
0x49: {  	_ =	shalt  }
0x4a: {  	_ =	shalt  }
0x4b: {  	_ =	shalt  }
0x4c: {  	_ =	shalt  }
0x4d: {  	_ =	shalt  }
0x4e: {  	_ =	shalt  }
0x4f: {  	_ =	shalt  }
0x50: {  	_ =	shalt  }
0x51: {  	_ =	shalt  }
0x52: {  	_ =	shalt  }
0x53: {  	_ =	shalt  }
0x54: {  	_ =	shalt  }
0x55: {  	_ =	shalt  }
0x56: {  	_ =	shalt  }
0x57: {  	_ =	shalt  }
0x58: {  	_ =	shalt  }
0x59: {  	_ =	shalt  }
0x5a: {  	_ =	shalt  }
0x5b: {  	_ =	shalt  }
0x5c: {  	_ =	shalt  }
0x5d: {  	_ =	shalt  }
0x5e: {  	_ =	shalt  }
0x5f: {  	_ =	shalt  }
0x60: {  	_ =	shalt  }
0x61: {  	_ =	shalt  }
0x62: {  	_ =	shalt  }
0x63: {  	_ =	shalt  }
0x64: {  	_ =	shalt  }
0x65: {  	_ =	shalt  }
0x66: {  	_ =	shalt  }
0x67: {  	_ =	shalt  }
0x68: {  	_ =	shalt  }
0x69: {  	_ =	shalt  }
0x6a: {  	_ =	shalt  }
0x6b: {  	_ =	shalt  }
0x6c: {  	_ =	shalt  }
0x6d: {  	_ =	shalt  }
0x6e: {  	_ =	shalt  }
0x6f: {  	_ =	shalt  }
0x70: {  	_ =	shalt  }
0x71: {  	_ =	shalt  }
0x72: {  	_ =	shalt  }
0x73: {  	_ =	shalt  }
0x74: {  	_ =	shalt  }
0x75: {  	_ =	shalt  }
0x76: {  	_ =	shalt  }
0x77: {  	_ =	shalt  }
0x78: {  	_ =	shalt  }
0x79: {  	_ =	shalt  }
0x7a: {  	_ =	shalt  }
0x7b: {  	_ =	shalt  }
0x7c: {  	_ =	shalt  }
0x7d: {  	_ =	shalt  }
0x7e: {  	_ =	shalt  }
0x7f: {  	_ =	shalt  }
0x80: {  	_ =	shalt  }
0x81: {  	_ =	shalt  }
0x82: {  	_ =	shalt  }
0x83: {  	_ =	shalt  }
0x84: {  	_ =	shalt  }
0x85: {  	_ =	shalt  }
0x86: {  	_ =	shalt  }
0x87: {  	_ =	shalt  }
.Lfunc_end0:
.L_simem_size_0:
called_computation.3_lowered:
.L_overlay_start_0:
0x88: {  	s2 =	sld [smem:$0x3FD9]  }
0x89: {  	s3 =	sld [smem:$0x3FFE];
	_ =	sdelay $0x1  }
0x8a: {  	s1 =	srdreg.scid  }
0x8b: {  	s0 =	sand.u32 $0x1, s1  }
0x8c: {  	s16 =	sshll.u32 s0, $0xA;
	s2 =	sadd.s32 s3, s2  }
0x8d: {  	s2 =	sadd.s32 s2, s16  }
0x8e: {  	[smem:$0x3FBE] =	sst s2  }
0x8f: {  	_ = 	snop  }
0x90: {  	(tm) =	ssettm $0x1  }
0x91: {  	s17 =	sld [smem:$0x3FFB];
	_ =	sdelay $0x3  }
0x92: {  	_ =	strace s17  }
0x93: {  	s2 =	sld [smem:$0x3FFC];
	_ =	sdelay $0x3  }
0x94: {  	_ =	strace s2  }
0x95: {  	s2 =	sld [smem:$0x3FFD];
	_ =	sdelay $0x3  }
0x96: {  	_ =	strace s2  }
0x97: {  	_ =	strace $0x8FFFFFFF  }
0x98: {  	s18 =	sld [smem:$0x3FDB];
	_ =	sdelay $0x1  }
0x99: {  	s19 =	simm.s32 $_scs_section_size  }
0x9a: {  	s4 =	simm.s32 $_size__tile_overlayer_lowered;
	s5 =	simm.s32 $_tile_overlayer_lowered  }
0x9b: {  	s22 =	simm.s32 $0x1BFF;
	s21 =	sshll.u32 s5, $0x1;
	s2 =	sadd.s32 s19, s18  }
0x9c: {  	s6 =	simm.s32 $0x0;
	s20 =	sshll.u32 s4, $0x1;
	s4 =	sadd.s32 s21, s2  }
0x9d: {  	[timem:s6], [sflag:s22] =	dma.local [hbm:s4], s20  }
0x9e: {  	_ =	swait.ge [sflag:s22], s20  }
0x9f: {  	s3 =	ssub.s32 $0x0, s20;
	[sflag:s22] =	ssyncset.done $0x0  }
0xa0: {  	[sflag:s22] =	ssyncadd.s32 s3;
	_ =	sdelay $0x1  }
0xa1: {  	s23 =	simm.s32 $0x1B8B  }
0xa2: {  	_ =	swait.ge [sflag:s23], $0x1  }
0xa3: {  	[sflag:s23] =	ssyncset.done $0x0  }
0xa4: {  	s25 =	simm.s32 $0x1B8E;
	s24 =	sld [smem:$0x3FFE];
	[sflag:s23] =	ssyncadd.s32 $0xFFFFFFFF  }
0xa5: {  	s26 =	simm.s32 $execute0_lowered;
	[smem:$0x3FD2] =	sst s25  }
0xa6: {  	s4 =	sshll.u32 s26, $0x1;
	_ =	strace $0x8000004F;
	[dreg:$0x1] =	wrdreg $0xFFFFFFFF  }
0xa7: {  	s28 =	simm.s32 $_size_execute0_lowered;
	s2 =	sadd.s32 s2, s4;
	[dreg:$0x0] =	wrdreg $0x0  }
0xa8: {  	s4 =	sshll.u32 s28, $0x1;
	[dreg:$0x2] =	wrdreg s2  }
0xa9: {  	[dreg:$0x3] =	wrdreg s4  }
0xaa: {  	[dreg:$0x4] =	wrdreg $0xC0  }
0xab: {  	_ =	task [dreg:s6], $0x5FFFF  }
0xac: {  	[dreg:$0x1] =	wrdreg $0xFFFFFFFF  }
0xad: {  	[dreg:$0x0] =	wrdreg $0x60  }
0xae: {  	[dreg:$0x2] =	wrdreg s24  }
0xaf: {  	[dreg:$0x3] =	wrdreg $0x108000  }
0xb0: {  	[dreg:$0x4] =	wrdreg $0x9  }
0xb1: {  	_ =	task.clear_ibuf [dreg:s6], $0x5FFFF;
	_ =	strace $0x9000004F  }
0xb2: {  	s29 =	simm.s32 $0x9;
	_ =	strace $0x80000051  }
0xb3: {  	_ =	swait.ge [sflag:s29], $0x1  }
0xb4: {  	[sflag:s29] =	ssyncadd.s32 $0xFFFFFFFF  }
0xb5: {  	_ =	strace $0x90000051  }
0xb6: {  	_ =	sfence  }
0xb7: {  	s30 =	sld [smem:$0x0];
	_ =	sdelay $0x2  }
0xb8: {  	s31 =	sshll.u32 s1, $0xD;
	s1 =	sshrl.u32 s1, $0x2  }
0xb9: {  	s3 =	sand.u32 $0x4000, s31;
	s1 =	sadd.s32 s1, s30  }
0xba: {  	s0 =	sor.u32 s3, s0;
	s1 =	sshll.u32 s1, $0x11  }
0xbb: {  	s0 =	sor.u32 s1, s0  }
0xbc: {  	s0 =	sadd.s32 $0x8F2B, s0  }
0xbd: {  	[sflag:s0] =	ssyncadd.remote.s32 $0x1  }
0xbe: {  	_ =	sfence.sel $0xFFFF  }
0xbf: {  	[dreg:$0x0] =	wrdreg $0xFFFFFFFF;
	(pc) =	sbr.abs _section_cstart, $3  }
0xc0: {  	[dreg:$0x1] =	wrdreg $0xFFFFFFFF  }
0xc1: {  	_ =	task.clear_ibuf [dreg:s6], $0x2FFFF;
	_ =	strace $0x9FFFFFFF  }
0xc2: {  	(tm) =	ssettm $0x7FFFFFFF  }
0xc3: {  	_ =	shalt  }
tec
execute0_lowered:
.L_overlay_start_1:
0x0: {  	(tag) =	ssettag $0x1  }
0x1: {  	s6 =	rddreg [dreg:$0x0]  }
0x2: {  	s2 =	rddreg [dreg:$0x1]  }
0x3: {  	s0 =	rddreg [dreg:$0x2];
	s1 =	stileid.u32  }
0x4: {  	s4 =	srdreg.scid;
	s3 =	simm.s32 $0x0;
	s14 =	simm.s32 $0x400  }
0x5: {  	s15 =	simm.s32 $0x600;
	s16 =	simm.s32 $0x1;
	s17 =	simm.s32 $0x800  }
0x6: {  	s18 =	simm.s32 $0x8800;
	s19 =	simm.s32 $0x2;
	s20 =	simm.s32 $0x0  }
0x7: {  	s7 =	sand.u32 $0x1, s4;
	s8 =	smul.u32 $0x9E00, s1;
	[smem:$0x7FF] =	sst s3  }
0x8: {  	s4 =	sadd.s32 $0x20200, s6;
	s9 =	sshll.u32 s1, $0x7;
	s29 =	sshll.u32 s1, $0x6  }
0x9: {  	s5 =	smul.u32 $0x9E000, s7;
	_ =	strace $0x80000050;
	s11 =	ssub.s32 $0x2, s7  }
0xa: {  	s9 =	sadd.s32 s9, s6;
	s13 =	sshll.u32 s7, $0x6;
	s12 =	sshrl.u32 s11, $0x1  }
0xb: {  	s30 =	sadd.s32 s8, s2;
	s31 =	sadd.s32 s13, s9;
	s13 =	simm.s32 $0x200  }
0xc: {  	s10 =	sadd.s32 s8, s5;
	s5 =	sadd.s32 $0xC000, s6;
	s11 =	ssub.s32 s11, s12  }
0xd: {  	s9 =	sadd.s32 $0x16200, s31;
	s12 =	simm.s32 $0x3;
	s10 =	sshrl.u32 s10, $0x3  }
0xe: {  	s8 =	smax.u32 s11, $0x1;
	s11 =	sshrl.u32 s30, $0x3;
	s10 =	sadd.s32 s10, s6  }
0xf: {  	s6 =	sor.u32 $0x1C03, s29;
	s7 =	sadd.s32 $0x33C00, s10;
	s10 =	sadd.s32 $0x1A00, s31  }
.LBB2_1:
0x10: {  	[spmem:s11], [sflag:s6] =	dma.local [hbm:s5], $0x13C0  }
0x11: {  	_ =	swait.ge [sflag:s12], $0x13C0  }
0x12: {  	[sflag:s12] =	ssyncset.done $0x0  }
0x13: {  	[sflag:s12] =	ssyncadd.s32 $0xFFFFEC40  }
0x14: {  	s21 =	sadd.s32 $0x0, s9;
	[bflag:$0x0] =	sbarrier.arrive $0xFFFF  }
0x15: {  	[tilespmem:s3], [sflag:$0x1] =	stream.linear.gather [hbm4b:s21+s3], $0x200, $0x38;
	[tilespmem:$0x1A600] =	vst v63  }
0x16: {  	s21 =	sadd.s32 $0x800, s21  }
0x17: {  	[tilespmem:s13], [sflag:$0x1] =	stream.linear.gather [hbm4b:s21+s3], $0x200, $0x38;
	[tilespmem:$0x1A600] =	vst v63  }
0x18: {  	s31 =	sadd.s32 $0x0, s10  }
0x19: {  	[tilespmem:s14], [sflag:$0x1] =	stream.linear.gather [hbm4b:s31+s3], $0x200, $0x38;
	[tilespmem:$0x1A600] =	vst v63  }
0x1a: {  	s21 =	sadd.s32 $0x800, s31  }
0x1b: {  	[tilespmem:s15], [sflag:$0x1] =	stream.linear.gather [hbm4b:s21+s3], $0x200, $0x38;
	[tilespmem:$0x1A600] =	vst v63  }
0x1c: {  	_ =	swait.ge [sflag:s16], $0x200  }
0x1d: {  	[sflag:s16] =	ssyncset.done $0x0  }
0x1e: {  	[sflag:s16] =	ssyncadd.s32 $0xFFFFFE00  }
0x1f: {  	_ =	swait.ge [sflag:s16], $0x200  }
0x20: {  	[sflag:s16] =	ssyncset.done $0x0  }
0x21: {  	[sflag:s16] =	ssyncadd.s32 $0xFFFFFE00  }
0x22: {  	_ =	swait.ge [sflag:s16], $0x200  }
0x23: {  	[sflag:s16] =	ssyncset.done $0x0  }
0x24: {  	[sflag:s16] =	ssyncadd.s32 $0xFFFFFE00  }
0x25: {  	_ =	swait.ge [sflag:s16], $0x200  }
0x26: {  	[sflag:s16] =	ssyncset.done $0x0  }
0x27: {  	[sflag:s16] =	ssyncadd.s32 $0xFFFFFE00  }
0x28: {  	[tilespmem:s17], [sflag:$0x1] =	stream.indirect.gather [hbm4b:s4+s13], $0x40, s3, s13, $0xb8;
	[tilespmem:$0x1A600] =	vst v63  }
0x29: {  	_ = 	snop  }
0x2a: {  	[tilespmem:s18], [sflag:$0x1] =	stream.indirect.gather [hbm4b:s4+s13], $0x40, s13, s13, $0xb8;
	[tilespmem:$0x1A600] =	vst v63  }
0x2b: {  	_ =	swait.ge [sflag:s16], $0x8000  }
0x2c: {  	[sflag:s16] =	ssyncset.done $0x0  }
0x2d: {  	[sflag:s16] =	ssyncadd.s32 $0xFFFF8000  }
0x2e: {  	_ =	swait.ge [sflag:s16], $0x8000  }
0x2f: {  	[sflag:s16] =	ssyncset.done $0x0  }
0x30: {  	[sflag:s16] =	ssyncadd.s32 $0xFFFF8000  }
0x31: {  	[spmem:s2] =	stream.indirect.scatter.add.f32 [tilespmem:s17], [sflag:$0x2], $0x40, s14, s13, $0xb8;
	[tilespmem:$0x1A600] =	vst v63  }
0x32: {  	_ = 	snop  }
0x33: {  	[spmem:s2] =	stream.indirect.scatter.add.f32 [tilespmem:s18], [sflag:$0x2], $0x40, s15, s13, $0xb8;
	[tilespmem:$0x1A600] =	vst v63  }
0x34: {  	_ =	swait.ge [sflag:s19], $0x8000  }
0x35: {  	[sflag:s19] =	ssyncset.done $0x0  }
0x36: {  	[sflag:s19] =	ssyncadd.s32 $0xFFFF8000  }
0x37: {  	_ =	swait.ge [sflag:s19], $0x8000  }
0x38: {  	s23 =	simm.s32 $0x2000;
	s21 =	simm.s32 $0x1000;
	[sflag:s19] =	ssyncset.done $0x0  }
.LBB2_2:
0x39: {  	s24 =	sadd.s32 s21, s9  }
0x3a: {  	[sflag:s19] =	ssyncadd.s32 $0xFFFF8000;
	s25 =	smov.u32 s23;
	s22 =	sadd.s32 $0x1000, s23  }
0x3b: {  	[tilespmem:s3], [sflag:$0x1] =	stream.linear.gather [hbm4b:s24+s3], $0x200, $0x38;
	[tilespmem:$0x1A600] =	vst v63  }
0x3c: {  	p0 =	sne.s32 s23, $0x9000;
	s23 =	sadd.s32 $0x800, s24  }
0x3d: {  	[tilespmem:s13], [sflag:$0x1] =	stream.linear.gather [hbm4b:s23+s3], $0x200, $0x38;
	[tilespmem:$0x1A600] =	vst v63  }
0x3e: {  	s23 =	sadd.s32 s21, s10;
	s21 =	smov.u32 s25  }
0x3f: {  	[tilespmem:s14], [sflag:$0x1] =	stream.linear.gather [hbm4b:s23+s3], $0x200, $0x38;
	[tilespmem:$0x1A600] =	vst v63  }
0x40: {  	s23 =	sadd.s32 $0x800, s23  }
0x41: {  	[tilespmem:s15], [sflag:$0x1] =	stream.linear.gather [hbm4b:s23+s3], $0x200, $0x38;
	[tilespmem:$0x1A600] =	vst v63  }
0x42: {  	_ =	swait.ge [sflag:s16], $0x200  }
0x43: {  	[sflag:s16] =	ssyncset.done $0x0  }
0x44: {  	[sflag:s16] =	ssyncadd.s32 $0xFFFFFE00  }
0x45: {  	_ =	swait.ge [sflag:s16], $0x200  }
0x46: {  	[sflag:s16] =	ssyncset.done $0x0  }
0x47: {  	[sflag:s16] =	ssyncadd.s32 $0xFFFFFE00  }
0x48: {  	_ =	swait.ge [sflag:s16], $0x200  }
0x49: {  	[sflag:s16] =	ssyncset.done $0x0  }
0x4a: {  	[sflag:s16] =	ssyncadd.s32 $0xFFFFFE00  }
0x4b: {  	_ =	swait.ge [sflag:s16], $0x200  }
0x4c: {  	[sflag:s16] =	ssyncset.done $0x0  }
0x4d: {  	[sflag:s16] =	ssyncadd.s32 $0xFFFFFE00  }
0x4e: {  	[tilespmem:s17], [sflag:$0x1] =	stream.indirect.gather [hbm4b:s4+s13], $0x40, s3, s13, $0xb8;
	[tilespmem:$0x1A600] =	vst v63  }
0x4f: {  	_ = 	snop  }
0x50: {  	[tilespmem:s18], [sflag:$0x1] =	stream.indirect.gather [hbm4b:s4+s13], $0x40, s13, s13, $0xb8;
	[tilespmem:$0x1A600] =	vst v63  }
0x51: {  	_ =	swait.ge [sflag:s16], $0x8000  }
0x52: {  	[sflag:s16] =	ssyncset.done $0x0  }
0x53: {  	[sflag:s16] =	ssyncadd.s32 $0xFFFF8000  }
0x54: {  	_ =	swait.ge [sflag:s16], $0x8000  }
0x55: {  	[sflag:s16] =	ssyncset.done $0x0  }
0x56: {  	[sflag:s16] =	ssyncadd.s32 $0xFFFF8000  }
0x57: {  	[spmem:s2] =	stream.indirect.scatter.add.f32 [tilespmem:s17], [sflag:$0x2], $0x40, s14, s13, $0xb8;
	[tilespmem:$0x1A600] =	vst v63  }
0x58: {  	_ = 	snop  }
0x59: {  	[spmem:s2] =	stream.indirect.scatter.add.f32 [tilespmem:s18], [sflag:$0x2], $0x40, s15, s13, $0xb8;
	[tilespmem:$0x1A600] =	vst v63  }
.Ltmp0:
0x5a: {  	_ =	swait.ge [sflag:s19], $0x8000;
	(pc) =	sbr.rel @p0 .LBB2_2-.Ltmp0, $4  }
0x5b: {  	[sflag:s19] =	ssyncset.done $0x0  }
0x5c: {  	[sflag:s19] =	ssyncadd.s32 $0xFFFF8000  }
0x5d: {  	_ =	swait.ge [sflag:s19], $0x8000  }
0x5e: {  	s23 =	smov.u32 s22;
	[sflag:s19] =	ssyncset.done $0x0  }
0x5f: {  	s22 =	sadd.s32 s21, s9;
	[sflag:s19] =	ssyncadd.s32 $0xFFFF8000  }
0x60: {  	[tilespmem:s3], [sflag:$0x1] =	stream.linear.gather [hbm4b:s22+s3], $0x200, $0x38;
	[tilespmem:$0x1A600] =	vst v63  }
0x61: {  	s22 =	sadd.s32 $0x800, s22  }
0x62: {  	[tilespmem:s13], [sflag:$0x1] =	stream.linear.gather [hbm4b:s22+s3], $0x200, $0x38;
	[tilespmem:$0x1A600] =	vst v63  }
0x63: {  	s31 =	sadd.s32 s21, s10  }
0x64: {  	[tilespmem:s14], [sflag:$0x1] =	stream.linear.gather [hbm4b:s31+s3], $0x200, $0x38;
	[tilespmem:$0x1A600] =	vst v63  }
0x65: {  	s21 =	sadd.s32 $0x800, s31  }
0x66: {  	[tilespmem:s15], [sflag:$0x1] =	stream.linear.gather [hbm4b:s21+s3], $0x200, $0x38;
	[tilespmem:$0x1A600] =	vst v63  }
0x67: {  	_ =	swait.ge [sflag:s16], $0x200  }
0x68: {  	[sflag:s16] =	ssyncset.done $0x0  }
0x69: {  	[sflag:s16] =	ssyncadd.s32 $0xFFFFFE00  }
0x6a: {  	_ =	swait.ge [sflag:s16], $0x200  }
0x6b: {  	[sflag:s16] =	ssyncset.done $0x0  }
0x6c: {  	[sflag:s16] =	ssyncadd.s32 $0xFFFFFE00  }
0x6d: {  	_ =	swait.ge [sflag:s16], $0x200  }
0x6e: {  	[sflag:s16] =	ssyncset.done $0x0  }
0x6f: {  	[sflag:s16] =	ssyncadd.s32 $0xFFFFFE00  }
0x70: {  	_ =	swait.ge [sflag:s16], $0x200  }
0x71: {  	[sflag:s16] =	ssyncset.done $0x0  }
0x72: {  	[sflag:s16] =	ssyncadd.s32 $0xFFFFFE00  }
0x73: {  	[tilespmem:s17], [sflag:$0x1] =	stream.indirect.gather [hbm4b:s4+s13], $0x40, s3, s13, $0xb8;
	[tilespmem:$0x1A600] =	vst v63  }
0x74: {  	_ = 	snop  }
0x75: {  	[tilespmem:s18], [sflag:$0x1] =	stream.indirect.gather [hbm4b:s4+s13], $0x40, s13, s13, $0xb8;
	[tilespmem:$0x1A600] =	vst v63  }
0x76: {  	_ =	swait.ge [sflag:s16], $0x8000  }
0x77: {  	[sflag:s16] =	ssyncset.done $0x0  }
0x78: {  	[sflag:s16] =	ssyncadd.s32 $0xFFFF8000  }
0x79: {  	_ =	swait.ge [sflag:s16], $0x8000  }
0x7a: {  	[sflag:s16] =	ssyncset.done $0x0  }
0x7b: {  	[sflag:s16] =	ssyncadd.s32 $0xFFFF8000  }
0x7c: {  	[spmem:s2] =	stream.indirect.scatter.add.f32 [tilespmem:s17], [sflag:$0x2], $0x40, s14, s13, $0xb8;
	[tilespmem:$0x1A600] =	vst v63  }
0x7d: {  	_ = 	snop  }
0x7e: {  	[spmem:s2] =	stream.indirect.scatter.add.f32 [tilespmem:s18], [sflag:$0x2], $0x40, s15, s13, $0xb8;
	[tilespmem:$0x1A600] =	vst v63  }
0x7f: {  	_ =	swait.ge [sflag:s19], $0x8000  }
0x80: {  	[sflag:s19] =	ssyncset.done $0x0  }
0x81: {  	[sflag:s19] =	ssyncadd.s32 $0xFFFF8000  }
0x82: {  	_ =	swait.ge [sflag:s19], $0x8000  }
0x83: {  	s20 =	sadd.s32 $0x1, s20;
	[sflag:s19] =	ssyncset.done $0x0  }
0x84: {  	p0 =	sne.s32 s20, s8;
	[sflag:s19] =	ssyncadd.s32 $0xFFFF8000  }
.Ltmp1:
0x85: {  	[bflag:$0x0] =	sbarrier.arrive $0xFFFF;
	(pc) =	sbr.rel @p0 .LBB2_1-.Ltmp1, $4  }
0x86: {  	[hbm:s7], [sflag:s6] =	dma.local [spmem:s11], $0x13C0  }
0x87: {  	_ =	swait.ge [sflag:s12], $0x13C0  }
0x88: {  	[sflag:s12] =	ssyncset.done $0x0  }
0x89: {  	[sflag:s12] =	ssyncadd.s32 $0xFFFFEC40  }
0x8a: {  	_ =	sfence.sel $0x180000  }
0x8b: {  	[bflag:$0x0] =	sbarrier.arrive $0xFFFF  }
0x8c: {  	p0 =	sne.s32 s1, $0x0;
	_ =	strace $0x90000050  }
0x8d: {  	s0 =	sadd.s32 @!p0 $0x100000, s0;
	[bflag:$0x2] =	sbarrier.arrive $0xFFFF  }
0x8e: {  	[sflag:s0] =	ssyncadd.tile.s32 @!p0 $0x1;
	_ =	shalt  }
.Lfunc_end2:
_tile_overlayer_lowered:
.L_overlay_start_2:
0x8f: {  	(tag) =	ssettag $0x2  }
0x90: {  	s0 =	rddreg [dreg:$0x0];
	s2 =	stileid.u32  }
0x91: {  	s1 =	rddreg [dreg:$0x1];
	p0 =	sne.s32 s2, $0x0  }
0x92: {  	s3 =	rddreg [dreg:$0x2];
	[bflag:$0x3] =	sbarrier.arrive $0xFFFF;
	s2 =	simm.s32 @!p0 $0x1C03  }
0x93: {  	[timem:s3], [sflag:s2] =	dma.local @!p0 [hbm:s0], s1  }
0x94: {  	s0 =	simm.s32 @!p0 $0x3  }
0x95: {  	_ =	swait.ge @!p0 [sflag:s0], s1  }
0x96: {  	s1 =	ssub.s32 @!p0 $0x0, s1;
	[sflag:s0] =	ssyncset.done @!p0 $0x0  }
0x97: {  	[sflag:s0] =	ssyncadd.s32 @!p0 s1  }
0x98: {  	[bflag:$0x3] =	sbarrier.arrive $0xFFFF  }
0x99: {  	_ =	shalt  }

</sc_bundles>
